<compile_context>
chip_gen: v7x
topology: tpu7x:2x2x1
jax: 0.10.2.dev20260603
libtpu: 0.0.44.dev20260713+nightly
codegen_flags: <defaults>
</compile_context>

<pallas_src>
import functools

import jax
import jax.numpy as jnp
from jax import lax
from jax.experimental import pallas as pl
from jax.experimental.pallas import tpu as pltpu
from jax.experimental.pallas import tpu_sc as plsc

N = 10000
D = 128
NP = 10240
NC = 2
NS = 16
NW = NC * NS
K = 128
CB = 8
BLK = 1024

_MESH = plsc.VectorSubcoreMesh(core_axis_name="c", subcore_axis_name="s")



def _sc_degree(dst3, ones_kd, zeros_d):
    ch = dst3.shape[1]

    @functools.partial(
        pl.kernel,
        out_type=jax.ShapeDtypeStruct((NC, NP, D), jnp.float32),
        mesh=_MESH,
        scratch_types=[
            pltpu.VMEM((ch, K), jnp.int32),
            pltpu.VMEM((K, D), jnp.float32),
            pltpu.VMEM_SHARED((NP, D), jnp.float32),
        ],
    )
    def k(dst_hbm, ones_hbm, z_hbm, out_hbm, dst_v, ones_v, acc_sh):
        c = lax.axis_index("c")
        s = lax.axis_index("s")
        wid = s * NC + c
        rows = NP // NS
        pltpu.sync_copy(z_hbm.at[pl.ds(s * rows, rows)],
                        acc_sh.at[pl.ds(s * rows, rows)])
        pltpu.sync_copy(dst_hbm.at[wid], dst_v)
        pltpu.sync_copy(ones_hbm, ones_v)
        plsc.subcore_barrier()

        def body(j, carry):
            pltpu.sync_copy(ones_v, acc_sh.at[dst_v.at[j]], add=True)
            return carry

        lax.fori_loop(0, ch, body, 0)
        plsc.subcore_barrier()
        pltpu.sync_copy(acc_sh.at[pl.ds(s * rows, rows)],
                        out_hbm.at[c, pl.ds(s * rows, rows)])

    return k(dst3, ones_kd, zeros_d)


def _sc_spread(y, src3, dst3, zeros_d):
    ch = src3.shape[1]
    ngrp = ch // CB

    @functools.partial(
        pl.kernel,
        out_type=jax.ShapeDtypeStruct((NC, NP, D), jnp.float32),
        mesh=_MESH,
        scratch_types=[
            pltpu.VMEM((2, CB, K), jnp.int32),
            pltpu.VMEM((2, CB, K), jnp.int32),
            pltpu.VMEM((K, D), jnp.float32),
            pltpu.VMEM((K, D), jnp.float32),
            pltpu.VMEM_SHARED((NP, D), jnp.float32),
            pltpu.SemaphoreType.DMA,
            pltpu.SemaphoreType.DMA,
            pltpu.SemaphoreType.DMA,
        ],
    )
    def k(y_hbm, src_hbm, dst_hbm, z_hbm, out_hbm,
          src_v, dst_v, rows_a, rows_b, acc_sh, sem_a, sem_b, sem_i):
        c = lax.axis_index("c")
        s = lax.axis_index("s")
        wid = s * NC + c
        rows = NP // NS
        pltpu.sync_copy(z_hbm.at[pl.ds(s * rows, rows)],
                        acc_sh.at[pl.ds(s * rows, rows)])
        pltpu.sync_copy(src_hbm.at[wid, pl.ds(0, CB)], src_v.at[0])
        pltpu.sync_copy(dst_hbm.at[wid, pl.ds(0, CB)], dst_v.at[0])
        plsc.subcore_barrier()

        pltpu.async_copy(y_hbm.at[src_v.at[0, 0]], rows_a, sem_a)
        pltpu.async_copy(y_hbm.at[src_v.at[0, 1]], rows_b, sem_b)

        def grp(g, carry):
            par = g % 2
            nxt = 1 - par
            more = g + 1 < ngrp

            @pl.when(more)
            def _():
                pltpu.async_copy(src_hbm.at[wid, pl.ds((g + 1) * CB, CB)],
                                 src_v.at[nxt], sem_i)
                pltpu.async_copy(dst_hbm.at[wid, pl.ds((g + 1) * CB, CB)],
                                 dst_v.at[nxt], sem_i)

            for t in range(CB // 2):
                ja = 2 * t
                jb = 2 * t + 1
                last = t == CB // 2 - 1

                pltpu.make_async_copy(y_hbm.at[src_v.at[par, ja]],
                                      rows_a, sem_a).wait()
                pltpu.sync_copy(rows_a, acc_sh.at[dst_v.at[par, ja]],
                                add=True)
                if not last:
                    pltpu.async_copy(y_hbm.at[src_v.at[par, ja + 2]],
                                     rows_a, sem_a)
                else:
                    @pl.when(more)
                    def _():
                        pltpu.make_async_copy(
                            src_hbm.at[wid, pl.ds(0, CB)], src_v.at[nxt],
                            sem_i).wait()
                        pltpu.make_async_copy(
                            dst_hbm.at[wid, pl.ds(0, CB)], dst_v.at[nxt],
                            sem_i).wait()
                        pltpu.async_copy(y_hbm.at[src_v.at[nxt, 0]],
                                         rows_a, sem_a)

                pltpu.make_async_copy(y_hbm.at[src_v.at[par, jb]],
                                      rows_b, sem_b).wait()
                pltpu.sync_copy(rows_b, acc_sh.at[dst_v.at[par, jb]],
                                add=True)
                if not last:
                    pltpu.async_copy(y_hbm.at[src_v.at[par, jb + 2]],
                                     rows_b, sem_b)
                else:
                    @pl.when(more)
                    def _():
                        pltpu.async_copy(y_hbm.at[src_v.at[nxt, 1]],
                                         rows_b, sem_b)

            return carry

        lax.fori_loop(0, ngrp, grp, 0)
        plsc.subcore_barrier()
        pltpu.sync_copy(acc_sh.at[pl.ds(s * rows, rows)],
                        out_hbm.at[c, pl.ds(s * rows, rows)])

    return k(y, src3, dst3, zeros_d)



def _tc_pre(xp, w1, degacc):

    def body(x_ref, w_ref, deg_ref, y_ref, dinv_ref):
        d = deg_ref[0, :, 0:1] + deg_ref[1, :, 0:1] + 1.0
        dinv = lax.rsqrt(d)
        y_ref[...] = jnp.dot(x_ref[...], w_ref[...],
                             preferred_element_type=jnp.float32) * dinv
        dinv_ref[...] = dinv

    return pl.pallas_call(
        body,
        grid=(NP // BLK,),
        in_specs=[
            pl.BlockSpec((BLK, D), lambda i: (i, 0)),
            pl.BlockSpec((D, D), lambda i: (0, 0)),
            pl.BlockSpec((NC, BLK, D), lambda i: (0, i, 0)),
        ],
        out_specs=[
            pl.BlockSpec((BLK, D), lambda i: (i, 0)),
            pl.BlockSpec((BLK, 1), lambda i: (i, 0)),
        ],
        out_shape=[
            jax.ShapeDtypeStruct((NP, D), jnp.float32),
            jax.ShapeDtypeStruct((NP, 1), jnp.float32),
        ],
    )(xp, w1, degacc)


def _tc_mid(acc, y1, dinv, b1, w2):

    def body(acc_ref, y1_ref, dinv_ref, b_ref, w_ref, y2_ref):
        t = (acc_ref[0] + acc_ref[1] + y1_ref[...]) * dinv_ref[...] + b_ref[...]
        h = jnp.maximum(t, 0.0)
        y2_ref[...] = jnp.dot(h, w_ref[...],
                              preferred_element_type=jnp.float32) * dinv_ref[...]

    return pl.pallas_call(
        body,
        grid=(NP // BLK,),
        in_specs=[
            pl.BlockSpec((NC, BLK, D), lambda i: (0, i, 0)),
            pl.BlockSpec((BLK, D), lambda i: (i, 0)),
            pl.BlockSpec((BLK, 1), lambda i: (i, 0)),
            pl.BlockSpec((1, D), lambda i: (0, 0)),
            pl.BlockSpec((D, D), lambda i: (0, 0)),
        ],
        out_specs=pl.BlockSpec((BLK, D), lambda i: (i, 0)),
        out_shape=jax.ShapeDtypeStruct((NP, D), jnp.float32),
    )(acc, y1, dinv, b1, w2)


def _tc_fin(acc, y2, dinv, b2):

    def body(acc_ref, y2_ref, dinv_ref, b_ref, o_ref):
        o_ref[...] = ((acc_ref[0] + acc_ref[1] + y2_ref[...])
                      * dinv_ref[...] + b_ref[...])

    return pl.pallas_call(
        body,
        grid=(NP // BLK,),
        in_specs=[
            pl.BlockSpec((NC, BLK, D), lambda i: (0, i, 0)),
            pl.BlockSpec((BLK, D), lambda i: (i, 0)),
            pl.BlockSpec((BLK, 1), lambda i: (i, 0)),
            pl.BlockSpec((1, D), lambda i: (0, 0)),
        ],
        out_specs=pl.BlockSpec((BLK, D), lambda i: (i, 0)),
        out_shape=jax.ShapeDtypeStruct((NP, D), jnp.float32),
    )(acc, y2, dinv, b2)



def kernel(x, edge_index, W1, b1, W2, b2):
    e = edge_index.shape[1]
    ch = -(-e // (NW * K))
    ch = -(-ch // CB) * CB
    ep = ch * NW * K
    ei = edge_index.astype(jnp.int32)
    pad = N + jnp.arange(ep - e, dtype=jnp.int32) % (NP - N)
    src3 = jnp.concatenate([ei[0], pad]).reshape(NW, ch, K)
    dst3 = jnp.concatenate([ei[1], pad]).reshape(NW, ch, K)
    xp = jnp.pad(x.astype(jnp.float32), ((0, NP - N), (0, 0)))
    zeros_d = jnp.zeros((NP, D), jnp.float32)

    ones_kd = jnp.ones((K, D), jnp.float32)
    degacc = _sc_degree(dst3, ones_kd, zeros_d)
    y1, dinv = _tc_pre(xp, W1.astype(jnp.float32), degacc)
    acc1 = _sc_spread(y1, src3, dst3, zeros_d)
    y2 = _tc_mid(acc1, y1, dinv, b1.reshape(1, D).astype(jnp.float32),
                 W2.astype(jnp.float32))
    acc2 = _sc_spread(y2, src3, dst3, zeros_d)
    out = _tc_fin(acc2, y2, dinv, b2.reshape(1, D).astype(jnp.float32))
    return out[:N]

# --- scband reference (transcript-rebuilt; emitter-appended) ---
"""Pipeline reference for scband-gnnmodel-21320217657455 (READ-ONLY COPY).

The authoritative reference and input builder live on the scoring server;
editing this copy changes nothing except your own understanding.
"""

import jax, jax.numpy as jnp
import numpy as np

N_NODES = 10000
N_EDGES = 320000
D_FEAT = 128
D_HID = 128


def _glorot(key, shape):
    fan_in, fan_out = shape[0], shape[1]
    limit = jnp.sqrt(6.0 / (fan_in + fan_out))
    return jax.random.uniform(key, shape, dtype=jnp.float32, minval=-limit, maxval=limit)


def setup_inputs(seed: int = 0) -> dict:
    key = jax.random.key(seed)
    k_x, k_e, k_w1, k_w2 = jax.random.split(key, 4)
    x = jax.random.normal(k_x, (N_NODES, D_FEAT), dtype=jnp.float32)
    edge_index = jax.random.randint(k_e, (2, N_EDGES), 0, N_NODES, dtype=jnp.int64)
    W1 = _glorot(k_w1, (D_FEAT, D_HID))
    b1 = jnp.zeros((D_HID,), dtype=jnp.float32)
    W2 = _glorot(k_w2, (D_HID, D_FEAT))
    b2 = jnp.zeros((D_FEAT,), dtype=jnp.float32)
    return {"x": x, "edge_index": edge_index, "W1": W1, "b1": b1, "W2": W2, "b2": b2}


def _gcn_conv(x, src, dst, W, b, num_nodes):
    # GCNConv: out = D^{-1/2} (A+I) D^{-1/2} X W + b
    xw = x @ W
    deg = jnp.zeros((num_nodes,), dtype=xw.dtype).at[dst].add(1.0)
    dinv = jnp.where(deg > 0, 1.0 / jnp.sqrt(deg), 0.0)
    norm = dinv[src] * dinv[dst]
    msg = jnp.take(xw, src, axis=0) * norm[:, None]
    out = jnp.zeros((num_nodes, xw.shape[1]), dtype=xw.dtype).at[dst].add(msg)
    return out + b


def reference(x, edge_index, W1, b1, W2, b2):
    num_nodes = x.shape[0]
    self_loops = jnp.arange(num_nodes, dtype=edge_index.dtype)
    src = jnp.concatenate([edge_index[0], self_loops])
    dst = jnp.concatenate([edge_index[1], self_loops])
    h = _gcn_conv(x, src, dst, W1, b1, num_nodes)
    h = jax.nn.relu(h)
    out = _gcn_conv(h, src, dst, W2, b2, num_nodes)
    return out

if __name__ == "__main__":
    import jax
    _d = setup_inputs()
    print(jax.jit(kernel)(*tuple(_d.values())))

</pallas_src>

<mosaic_0001>
#map = affine_map<(d0, d1) -> (0, 0, 0)>
#map1 = affine_map<(d0, d1) -> (0, 0)>
module attributes {stable_mosaic.version = 14 : i64} {
  func.func @k(%arg0: i32, %arg1: i32, %arg2: memref<32x80x128xi32, #tpu.memory_space<hbm>>, %arg3: memref<128x128xf32, #tpu.memory_space<hbm>>, %arg4: memref<10240x128xf32, #tpu.memory_space<hbm>>, %arg5: memref<2x10240x128xf32, #tpu.memory_space<hbm>>, %arg6: memref<80x128xi32, #tpu.memory_space<vmem>>, %arg7: memref<128x128xf32, #tpu.memory_space<vmem>>, %arg8: memref<10240x128xf32, #tpu.memory_space<vmem_shared>>) attributes {dimension_semantics = [#tpu.dimension_semantics<core_parallel>, #tpu.dimension_semantics<subcore_parallel>], iteration_bounds = array<i64: 2, 16>, scalar_prefetch = 0 : i64, scratch_operands = 3 : i64, tpu.core_type = #tpu.core_type<sc_vector_subcore>, window_params = [{transform_indices = #map}, {transform_indices = #map1}, {transform_indices = #map1}, {transform_indices = #map}]} {
    %mul3A = arith.constant 2 : i32
    %mul3A_0 = arith.muli %arg1, %mul3A : i32
    %add3A = arith.addi %mul3A_0, %arg0 : i32
    %mul3A_1 = arith.constant 640 : i32
    %mul3A_2 = arith.muli %arg1, %mul3A_1 : i32
    %mul3A_3 = arith.constant 640 : i32
    %mul3A_4 = arith.muli %arg1, %mul3A_3 : i32
    "tpu.region"() ({
      %run_scoped3A = tpu.sem_alloc : memref<!tpu.dma_semaphore, #tpu.memory_space<semaphore_mem>>
      %dma_start3A = arith.constant 0 : i32
      %dma_start3A_15 = tpu.memref_slice %arg8[%mul3A_4, %dma_start3A] : memref<10240x128xf32, #tpu.memory_space<vmem_shared>> -> memref<640x128xf32, #tpu.memory_space<vmem_shared>>
      %dma_start3A_16 = arith.constant 0 : i32
      %dma_start3A_17 = tpu.memref_slice %arg4[%mul3A_2, %dma_start3A_16] : memref<10240x128xf32, #tpu.memory_space<hbm>> -> memref<640x128xf32, #tpu.memory_space<hbm>>
      tpu.enqueue_dma source(%dma_start3A_17 : memref<640x128xf32, #tpu.memory_space<hbm>>) target(%dma_start3A_15 : memref<640x128xf32, #tpu.memory_space<vmem_shared>>) target_semaphore(%run_scoped3A : memref<!tpu.dma_semaphore, #tpu.memory_space<semaphore_mem>>)
      %dma_wait3A = arith.constant 0 : i32
      %dma_wait3A_18 = tpu.memref_slice %arg8[%mul3A_4, %dma_wait3A] : memref<10240x128xf32, #tpu.memory_space<vmem_shared>> -> memref<640x128xf32, #tpu.memory_space<vmem_shared>>
      %dma_wait3A_19 = arith.constant 0 : i32
      %dma_wait3A_20 = tpu.memref_slice %arg4[%mul3A_2, %dma_wait3A_19] : memref<10240x128xf32, #tpu.memory_space<hbm>> -> memref<640x128xf32, #tpu.memory_space<hbm>>
      tpu.wait_dma2 semaphore(%run_scoped3A : memref<!tpu.dma_semaphore, #tpu.memory_space<semaphore_mem>>) src(%dma_wait3A_20 : memref<640x128xf32, #tpu.memory_space<hbm>>) dst(%dma_wait3A_18 : memref<640x128xf32, #tpu.memory_space<vmem_shared>>)
      tpu.yield
    }) : () -> ()
    "tpu.region"() ({
      %run_scoped3A = tpu.sem_alloc : memref<!tpu.dma_semaphore, #tpu.memory_space<semaphore_mem>>
      %dma_start3A = arith.constant 0 : i32
      %dma_start3A_15 = arith.constant 0 : i32
      %dma_start3A_16 = tpu.memref_slice %arg2[%add3A, %dma_start3A, %dma_start3A_15] : memref<32x80x128xi32, #tpu.memory_space<hbm>> -> memref<1x80x128xi32, #tpu.memory_space<hbm>>
      %dma_start3A_17 = tpu.memref_squeeze %dma_start3A_16 : memref<1x80x128xi32, #tpu.memory_space<hbm>> -> memref<80x128xi32, #tpu.memory_space<hbm>>
      %dma_start3A_18 = arith.constant 0 : i32
      %dma_start3A_19 = arith.constant 0 : i32
      %dma_start3A_20 = tpu.memref_slice %arg2[%add3A, %dma_start3A_18, %dma_start3A_19] : memref<32x80x128xi32, #tpu.memory_space<hbm>> -> memref<1x80x128xi32, #tpu.memory_space<hbm>>
      %dma_start3A_21 = tpu.memref_squeeze %dma_start3A_20 : memref<1x80x128xi32, #tpu.memory_space<hbm>> -> memref<80x128xi32, #tpu.memory_space<hbm>>
      tpu.enqueue_dma source(%dma_start3A_21 : memref<80x128xi32, #tpu.memory_space<hbm>>) target(%arg6 : memref<80x128xi32, #tpu.memory_space<vmem>>) target_semaphore(%run_scoped3A : memref<!tpu.dma_semaphore, #tpu.memory_space<semaphore_mem>>)
      %dma_wait3A = arith.constant 0 : i32
      %dma_wait3A_22 = arith.constant 0 : i32
      %dma_wait3A_23 = tpu.memref_slice %arg2[%add3A, %dma_wait3A, %dma_wait3A_22] : memref<32x80x128xi32, #tpu.memory_space<hbm>> -> memref<1x80x128xi32, #tpu.memory_space<hbm>>
      %dma_wait3A_24 = tpu.memref_squeeze %dma_wait3A_23 : memref<1x80x128xi32, #tpu.memory_space<hbm>> -> memref<80x128xi32, #tpu.memory_space<hbm>>
      %dma_wait3A_25 = arith.constant 0 : i32
      %dma_wait3A_26 = arith.constant 0 : i32
      %dma_wait3A_27 = tpu.memref_slice %arg2[%add3A, %dma_wait3A_25, %dma_wait3A_26] : memref<32x80x128xi32, #tpu.memory_space<hbm>> -> memref<1x80x128xi32, #tpu.memory_space<hbm>>
      %dma_wait3A_28 = tpu.memref_squeeze %dma_wait3A_27 : memref<1x80x128xi32, #tpu.memory_space<hbm>> -> memref<80x128xi32, #tpu.memory_space<hbm>>
      tpu.wait_dma2 semaphore(%run_scoped3A : memref<!tpu.dma_semaphore, #tpu.memory_space<semaphore_mem>>) src(%dma_wait3A_28 : memref<80x128xi32, #tpu.memory_space<hbm>>) dst(%arg6 : memref<80x128xi32, #tpu.memory_space<vmem>>)
      tpu.yield
    }) : () -> ()
    "tpu.region"() ({
      %run_scoped3A = tpu.sem_alloc : memref<!tpu.dma_semaphore, #tpu.memory_space<semaphore_mem>>
      tpu.enqueue_dma source(%arg3 : memref<128x128xf32, #tpu.memory_space<hbm>>) target(%arg7 : memref<128x128xf32, #tpu.memory_space<vmem>>) target_semaphore(%run_scoped3A : memref<!tpu.dma_semaphore, #tpu.memory_space<semaphore_mem>>)
      tpu.wait_dma2 semaphore(%run_scoped3A : memref<!tpu.dma_semaphore, #tpu.memory_space<semaphore_mem>>) src(%arg3 : memref<128x128xf32, #tpu.memory_space<hbm>>) dst(%arg7 : memref<128x128xf32, #tpu.memory_space<vmem>>)
      tpu.yield
    }) : () -> ()
    %barrier3A = arith.constant 0 : index
    tpu.barrier barrier_id(%barrier3A)
    %scan3A = arith.constant 0 : i32
    %scan3A_5 = arith.constant 0 : i32
    %scan3A_6 = arith.constant 80 : i32
    %scan3A_7 = arith.addi %scan3A_5, %scan3A_6 : i32
    %scan3A_8 = arith.constant 1 : i32
    scf.for %scan3A_15 = %scan3A_5 to %scan3A_7 step %scan3A_8  : i32 {
      "tpu.region"() ({
        %run_scoped3A = tpu.sem_alloc : memref<!tpu.dma_semaphore, #tpu.memory_space<semaphore_mem>>
        %dma_start3A = arith.constant 0 : i32
        %dma_start3A_16 = tpu.memref_slice %arg6[%scan3A_15, %dma_start3A] : memref<80x128xi32, #tpu.memory_space<vmem>> -> memref<1x128xi32, #tpu.memory_space<vmem>>
        %dma_start3A_17 = tpu.memref_squeeze %dma_start3A_16 : memref<1x128xi32, #tpu.memory_space<vmem>> -> memref<128xi32, #tpu.memory_space<vmem>>
        %dma_start3A_18 = arith.constant 0 : i32
        %dma_start3A_19 = arith.constant 0 : i32
        %dma_start3A_20 = tpu.memref_slice %arg8[%dma_start3A_18, %dma_start3A_19] : memref<10240x128xf32, #tpu.memory_space<vmem_shared>> -> memref<10240x128xf32, #tpu.memory_space<vmem_shared>>
        tpu.enqueue_indirect_dma source(%arg7 : memref<128x128xf32, #tpu.memory_space<vmem>>) target(%dma_start3A_20 : memref<10240x128xf32, #tpu.memory_space<vmem_shared>>) offsets(%dma_start3A_17 : memref<128xi32, #tpu.memory_space<vmem>>) semaphore(%run_scoped3A : memref<!tpu.dma_semaphore, #tpu.memory_space<semaphore_mem>>) {add = true}
        %dma_wait3A = arith.constant 0 : i32
        %dma_wait3A_21 = tpu.memref_slice %arg6[%scan3A_15, %dma_wait3A] : memref<80x128xi32, #tpu.memory_space<vmem>> -> memref<1x128xi32, #tpu.memory_space<vmem>>
        %dma_wait3A_22 = tpu.memref_squeeze %dma_wait3A_21 : memref<1x128xi32, #tpu.memory_space<vmem>> -> memref<128xi32, #tpu.memory_space<vmem>>
        %dma_wait3A_23 = arith.constant 0 : i32
        %dma_wait3A_24 = arith.constant 0 : i32
        %dma_wait3A_25 = tpu.memref_slice %arg8[%dma_wait3A_23, %dma_wait3A_24] : memref<10240x128xf32, #tpu.memory_space<vmem_shared>> -> memref<10240x128xf32, #tpu.memory_space<vmem_shared>>
        tpu.wait_indirect_dma semaphore(%run_scoped3A : memref<!tpu.dma_semaphore, #tpu.memory_space<semaphore_mem>>) src(%arg7 : memref<128x128xf32, #tpu.memory_space<vmem>>) dst(%dma_wait3A_25 : memref<10240x128xf32, #tpu.memory_space<vmem_shared>>)
        tpu.yield
      }) : () -> ()
    }
    %scan3A_9 = arith.constant 80 : i32
    %barrier3A_10 = arith.constant 0 : index
    tpu.barrier barrier_id(%barrier3A_10)
    %mul3A_11 = arith.constant 640 : i32
    %mul3A_12 = arith.muli %arg1, %mul3A_11 : i32
    %mul3A_13 = arith.constant 640 : i32
    %mul3A_14 = arith.muli %arg1, %mul3A_13 : i32
    "tpu.region"() ({
      %run_scoped3A = tpu.sem_alloc : memref<!tpu.dma_semaphore, #tpu.memory_space<semaphore_mem>>
      %dma_start3A = arith.constant 0 : i32
      %dma_start3A_15 = tpu.memref_slice %arg5[%arg0, %mul3A_14, %dma_start3A] : memref<2x10240x128xf32, #tpu.memory_space<hbm>> -> memref<1x640x128xf32, #tpu.memory_space<hbm>>
      %dma_start3A_16 = tpu.memref_squeeze %dma_start3A_15 : memref<1x640x128xf32, #tpu.memory_space<hbm>> -> memref<640x128xf32, #tpu.memory_space<hbm>>
      %dma_start3A_17 = arith.constant 0 : i32
      %dma_start3A_18 = tpu.memref_slice %arg8[%mul3A_12, %dma_start3A_17] : memref<10240x128xf32, #tpu.memory_space<vmem_shared>> -> memref<640x128xf32, #tpu.memory_space<vmem_shared>>
      tpu.enqueue_dma source(%dma_start3A_18 : memref<640x128xf32, #tpu.memory_space<vmem_shared>>) target(%dma_start3A_16 : memref<640x128xf32, #tpu.memory_space<hbm>>) target_semaphore(%run_scoped3A : memref<!tpu.dma_semaphore, #tpu.memory_space<semaphore_mem>>)
      %dma_wait3A = arith.constant 0 : i32
      %dma_wait3A_19 = tpu.memref_slice %arg5[%arg0, %mul3A_14, %dma_wait3A] : memref<2x10240x128xf32, #tpu.memory_space<hbm>> -> memref<1x640x128xf32, #tpu.memory_space<hbm>>
      %dma_wait3A_20 = tpu.memref_squeeze %dma_wait3A_19 : memref<1x640x128xf32, #tpu.memory_space<hbm>> -> memref<640x128xf32, #tpu.memory_space<hbm>>
      %dma_wait3A_21 = arith.constant 0 : i32
      %dma_wait3A_22 = tpu.memref_slice %arg8[%mul3A_12, %dma_wait3A_21] : memref<10240x128xf32, #tpu.memory_space<vmem_shared>> -> memref<640x128xf32, #tpu.memory_space<vmem_shared>>
      tpu.wait_dma2 semaphore(%run_scoped3A : memref<!tpu.dma_semaphore, #tpu.memory_space<semaphore_mem>>) src(%dma_wait3A_22 : memref<640x128xf32, #tpu.memory_space<vmem_shared>>) dst(%dma_wait3A_20 : memref<640x128xf32, #tpu.memory_space<hbm>>)
      tpu.yield
    }) : () -> ()
    return
  }
}

#map = affine_map<(d0, d1) -> (0, 0)>
#map1 = affine_map<(d0, d1) -> (0, 0, 0)>
module attributes {stable_mosaic.version = 14 : i64} {
  func.func @k(%arg0: i32, %arg1: i32, %arg2: memref<10240x128xf32, #tpu.memory_space<hbm>>, %arg3: memref<32x80x128xi32, #tpu.memory_space<hbm>>, %arg4: memref<32x80x128xi32, #tpu.memory_space<hbm>>, %arg5: memref<10240x128xf32, #tpu.memory_space<hbm>>, %arg6: memref<2x10240x128xf32, #tpu.memory_space<hbm>>, %arg7: memref<2x8x128xi32, #tpu.memory_space<vmem>>, %arg8: memref<2x8x128xi32, #tpu.memory_space<vmem>>, %arg9: memref<128x128xf32, #tpu.memory_space<vmem>>, %arg10: memref<128x128xf32, #tpu.memory_space<vmem>>, %arg11: memref<10240x128xf32, #tpu.memory_space<vmem_shared>>, %arg12: memref<!tpu.dma_semaphore, #tpu.memory_space<semaphore_mem>>, %arg13: memref<!tpu.dma_semaphore, #tpu.memory_space<semaphore_mem>>, %arg14: memref<!tpu.dma_semaphore, #tpu.memory_space<semaphore_mem>>) attributes {dimension_semantics = [#tpu.dimension_semantics<core_parallel>, #tpu.dimension_semantics<subcore_parallel>], iteration_bounds = array<i64: 2, 16>, scalar_prefetch = 0 : i64, scratch_operands = 8 : i64, tpu.core_type = #tpu.core_type<sc_vector_subcore>, window_params = [{transform_indices = #map}, {transform_indices = #map1}, {transform_indices = #map1}, {transform_indices = #map}, {transform_indices = #map1}]} {
    %mul3A = arith.constant 2 : i32
    %mul3A_0 = arith.muli %arg1, %mul3A : i32
    %add3A = arith.addi %mul3A_0, %arg0 : i32
    %mul3A_1 = arith.constant 640 : i32
    %mul3A_2 = arith.muli %arg1, %mul3A_1 : i32
    %mul3A_3 = arith.constant 640 : i32
    %mul3A_4 = arith.muli %arg1, %mul3A_3 : i32
    "tpu.region"() ({
      %run_scoped3A_31 = tpu.sem_alloc : memref<!tpu.dma_semaphore, #tpu.memory_space<semaphore_mem>>
      %dma_start3A_32 = arith.constant 0 : i32
      %dma_start3A_33 = tpu.memref_slice %arg11[%mul3A_4, %dma_start3A_32] : memref<10240x128xf32, #tpu.memory_space<vmem_shared>> -> memref<640x128xf32, #tpu.memory_space<vmem_shared>>
      %dma_start3A_34 = arith.constant 0 : i32
      %dma_start3A_35 = tpu.memref_slice %arg5[%mul3A_2, %dma_start3A_34] : memref<10240x128xf32, #tpu.memory_space<hbm>> -> memref<640x128xf32, #tpu.memory_space<hbm>>
      tpu.enqueue_dma source(%dma_start3A_35 : memref<640x128xf32, #tpu.memory_space<hbm>>) target(%dma_start3A_33 : memref<640x128xf32, #tpu.memory_space<vmem_shared>>) target_semaphore(%run_scoped3A_31 : memref<!tpu.dma_semaphore, #tpu.memory_space<semaphore_mem>>)
      %dma_wait3A = arith.constant 0 : i32
      %dma_wait3A_36 = tpu.memref_slice %arg11[%mul3A_4, %dma_wait3A] : memref<10240x128xf32, #tpu.memory_space<vmem_shared>> -> memref<640x128xf32, #tpu.memory_space<vmem_shared>>
      %dma_wait3A_37 = arith.constant 0 : i32
      %dma_wait3A_38 = tpu.memref_slice %arg5[%mul3A_2, %dma_wait3A_37] : memref<10240x128xf32, #tpu.memory_space<hbm>> -> memref<640x128xf32, #tpu.memory_space<hbm>>
      tpu.wait_dma2 semaphore(%run_scoped3A_31 : memref<!tpu.dma_semaphore, #tpu.memory_space<semaphore_mem>>) src(%dma_wait3A_38 : memref<640x128xf32, #tpu.memory_space<hbm>>) dst(%dma_wait3A_36 : memref<640x128xf32, #tpu.memory_space<vmem_shared>>)
      tpu.yield
    }) : () -> ()
    %run_scoped3A = arith.constant 0 : i32
    "tpu.region"() ({
      %run_scoped3A_31 = tpu.sem_alloc : memref<!tpu.dma_semaphore, #tpu.memory_space<semaphore_mem>>
      %dma_start3A_32 = arith.constant 0 : i32
      %dma_start3A_33 = arith.constant 0 : i32
      %dma_start3A_34 = tpu.memref_slice %arg7[%run_scoped3A, %dma_start3A_32, %dma_start3A_33] : memref<2x8x128xi32, #tpu.memory_space<vmem>> -> memref<1x8x128xi32, #tpu.memory_space<vmem>>
      %dma_start3A_35 = tpu.memref_squeeze %dma_start3A_34 : memref<1x8x128xi32, #tpu.memory_space<vmem>> -> memref<8x128xi32, #tpu.memory_space<vmem>>
      %dma_start3A_36 = arith.constant 0 : i32
      %dma_start3A_37 = arith.constant 0 : i32
      %dma_start3A_38 = tpu.memref_slice %arg3[%add3A, %dma_start3A_36, %dma_start3A_37] : memref<32x80x128xi32, #tpu.memory_space<hbm>> -> memref<1x8x128xi32, #tpu.memory_space<hbm>>
      %dma_start3A_39 = tpu.memref_squeeze %dma_start3A_38 : memref<1x8x128xi32, #tpu.memory_space<hbm>> -> memref<8x128xi32, #tpu.memory_space<hbm>>
      %dma_start3A_40 = arith.constant 0 : i32
      %dma_start3A_41 = arith.constant 0 : i32
      %dma_start3A_42 = tpu.memref_slice %arg7[%run_scoped3A, %dma_start3A_40, %dma_start3A_41] : memref<2x8x128xi32, #tpu.memory_space<vmem>> -> memref<1x8x128xi32, #tpu.memory_space<vmem>>
      %dma_start3A_43 = tpu.memref_squeeze %dma_start3A_42 : memref<1x8x128xi32, #tpu.memory_space<vmem>> -> memref<8x128xi32, #tpu.memory_space<vmem>>
      %dma_start3A_44 = arith.constant 0 : i32
      %dma_start3A_45 = arith.constant 0 : i32
      %dma_start3A_46 = tpu.memref_slice %arg3[%add3A, %dma_start3A_44, %dma_start3A_45] : memref<32x80x128xi32, #tpu.memory_space<hbm>> -> memref<1x8x128xi32, #tpu.memory_space<hbm>>
      %dma_start3A_47 = tpu.memref_squeeze %dma_start3A_46 : memref<1x8x128xi32, #tpu.memory_space<hbm>> -> memref<8x128xi32, #tpu.memory_space<hbm>>
      tpu.enqueue_dma source(%dma_start3A_47 : memref<8x128xi32, #tpu.memory_space<hbm>>) target(%dma_start3A_43 : memref<8x128xi32, #tpu.memory_space<vmem>>) target_semaphore(%run_scoped3A_31 : memref<!tpu.dma_semaphore, #tpu.memory_space<semaphore_mem>>)
      %dma_wait3A = arith.constant 0 : i32
      %dma_wait3A_48 = arith.constant 0 : i32
      %dma_wait3A_49 = tpu.memref_slice %arg7[%run_scoped3A, %dma_wait3A, %dma_wait3A_48] : memref<2x8x128xi32, #tpu.memory_space<vmem>> -> memref<1x8x128xi32, #tpu.memory_space<vmem>>
      %dma_wait3A_50 = tpu.memref_squeeze %dma_wait3A_49 : memref<1x8x128xi32, #tpu.memory_space<vmem>> -> memref<8x128xi32, #tpu.memory_space<vmem>>
      %dma_wait3A_51 = arith.constant 0 : i32
      %dma_wait3A_52 = arith.constant 0 : i32
      %dma_wait3A_53 = tpu.memref_slice %arg3[%add3A, %dma_wait3A_51, %dma_wait3A_52] : memref<32x80x128xi32, #tpu.memory_space<hbm>> -> memref<1x8x128xi32, #tpu.memory_space<hbm>>
      %dma_wait3A_54 = tpu.memref_squeeze %dma_wait3A_53 : memref<1x8x128xi32, #tpu.memory_space<hbm>> -> memref<8x128xi32, #tpu.memory_space<hbm>>
      %dma_wait3A_55 = arith.constant 0 : i32
      %dma_wait3A_56 = arith.constant 0 : i32
      %dma_wait3A_57 = tpu.memref_slice %arg7[%run_scoped3A, %dma_wait3A_55, %dma_wait3A_56] : memref<2x8x128xi32, #tpu.memory_space<vmem>> -> memref<1x8x128xi32, #tpu.memory_space<vmem>>
      %dma_wait3A_58 = tpu.memref_squeeze %dma_wait3A_57 : memref<1x8x128xi32, #tpu.memory_space<vmem>> -> memref<8x128xi32, #tpu.memory_space<vmem>>
      %dma_wait3A_59 = arith.constant 0 : i32
      %dma_wait3A_60 = arith.constant 0 : i32
      %dma_wait3A_61 = tpu.memref_slice %arg3[%add3A, %dma_wait3A_59, %dma_wait3A_60] : memref<32x80x128xi32, #tpu.memory_space<hbm>> -> memref<1x8x128xi32, #tpu.memory_space<hbm>>
      %dma_wait3A_62 = tpu.memref_squeeze %dma_wait3A_61 : memref<1x8x128xi32, #tpu.memory_space<hbm>> -> memref<8x128xi32, #tpu.memory_space<hbm>>
      tpu.wait_dma2 semaphore(%run_scoped3A_31 : memref<!tpu.dma_semaphore, #tpu.memory_space<semaphore_mem>>) src(%dma_wait3A_62 : memref<8x128xi32, #tpu.memory_space<hbm>>) dst(%dma_wait3A_58 : memref<8x128xi32, #tpu.memory_space<vmem>>)
      tpu.yield
    }) : () -> ()
    %run_scoped3A_5 = arith.constant 0 : i32
    "tpu.region"() ({
      %run_scoped3A_31 = tpu.sem_alloc : memref<!tpu.dma_semaphore, #tpu.memory_space<semaphore_mem>>
      %dma_start3A_32 = arith.constant 0 : i32
      %dma_start3A_33 = arith.constant 0 : i32
      %dma_start3A_34 = tpu.memref_slice %arg8[%run_scoped3A_5, %dma_start3A_32, %dma_start3A_33] : memref<2x8x128xi32, #tpu.memory_space<vmem>> -> memref<1x8x128xi32, #tpu.memory_space<vmem>>
      %dma_start3A_35 = tpu.memref_squeeze %dma_start3A_34 : memref<1x8x128xi32, #tpu.memory_space<vmem>> -> memref<8x128xi32, #tpu.memory_space<vmem>>
      %dma_start3A_36 = arith.constant 0 : i32
      %dma_start3A_37 = arith.constant 0 : i32
      %dma_start3A_38 = tpu.memref_slice %arg4[%add3A, %dma_start3A_36, %dma_start3A_37] : memref<32x80x128xi32, #tpu.memory_space<hbm>> -> memref<1x8x128xi32, #tpu.memory_space<hbm>>
      %dma_start3A_39 = tpu.memref_squeeze %dma_start3A_38 : memref<1x8x128xi32, #tpu.memory_space<hbm>> -> memref<8x128xi32, #tpu.memory_space<hbm>>
      %dma_start3A_40 = arith.constant 0 : i32
      %dma_start3A_41 = arith.constant 0 : i32
      %dma_start3A_42 = tpu.memref_slice %arg8[%run_scoped3A_5, %dma_start3A_40, %dma_start3A_41] : memref<2x8x128xi32, #tpu.memory_space<vmem>> -> memref<1x8x128xi32, #tpu.memory_space<vmem>>
      %dma_start3A_43 = tpu.memref_squeeze %dma_start3A_42 : memref<1x8x128xi32, #tpu.memory_space<vmem>> -> memref<8x128xi32, #tpu.memory_space<vmem>>
      %dma_start3A_44 = arith.constant 0 : i32
      %dma_start3A_45 = arith.constant 0 : i32
      %dma_start3A_46 = tpu.memref_slice %arg4[%add3A, %dma_start3A_44, %dma_start3A_45] : memref<32x80x128xi32, #tpu.memory_space<hbm>> -> memref<1x8x128xi32, #tpu.memory_space<hbm>>
      %dma_start3A_47 = tpu.memref_squeeze %dma_start3A_46 : memref<1x8x128xi32, #tpu.memory_space<hbm>> -> memref<8x128xi32, #tpu.memory_space<hbm>>
      tpu.enqueue_dma source(%dma_start3A_47 : memref<8x128xi32, #tpu.memory_space<hbm>>) target(%dma_start3A_43 : memref<8x128xi32, #tpu.memory_space<vmem>>) target_semaphore(%run_scoped3A_31 : memref<!tpu.dma_semaphore, #tpu.memory_space<semaphore_mem>>)
      %dma_wait3A = arith.constant 0 : i32
      %dma_wait3A_48 = arith.constant 0 : i32
      %dma_wait3A_49 = tpu.memref_slice %arg8[%run_scoped3A_5, %dma_wait3A, %dma_wait3A_48] : memref<2x8x128xi32, #tpu.memory_space<vmem>> -> memref<1x8x128xi32, #tpu.memory_space<vmem>>
      %dma_wait3A_50 = tpu.memref_squeeze %dma_wait3A_49 : memref<1x8x128xi32, #tpu.memory_space<vmem>> -> memref<8x128xi32, #tpu.memory_space<vmem>>
      %dma_wait3A_51 = arith.constant 0 : i32
      %dma_wait3A_52 = arith.constant 0 : i32
      %dma_wait3A_53 = tpu.memref_slice %arg4[%add3A, %dma_wait3A_51, %dma_wait3A_52] : memref<32x80x128xi32, #tpu.memory_space<hbm>> -> memref<1x8x128xi32, #tpu.memory_space<hbm>>
      %dma_wait3A_54 = tpu.memref_squeeze %dma_wait3A_53 : memref<1x8x128xi32, #tpu.memory_space<hbm>> -> memref<8x128xi32, #tpu.memory_space<hbm>>
      %dma_wait3A_55 = arith.constant 0 : i32
      %dma_wait3A_56 = arith.constant 0 : i32
      %dma_wait3A_57 = tpu.memref_slice %arg8[%run_scoped3A_5, %dma_wait3A_55, %dma_wait3A_56] : memref<2x8x128xi32, #tpu.memory_space<vmem>> -> memref<1x8x128xi32, #tpu.memory_space<vmem>>
      %dma_wait3A_58 = tpu.memref_squeeze %dma_wait3A_57 : memref<1x8x128xi32, #tpu.memory_space<vmem>> -> memref<8x128xi32, #tpu.memory_space<vmem>>
      %dma_wait3A_59 = arith.constant 0 : i32
      %dma_wait3A_60 = arith.constant 0 : i32
      %dma_wait3A_61 = tpu.memref_slice %arg4[%add3A, %dma_wait3A_59, %dma_wait3A_60] : memref<32x80x128xi32, #tpu.memory_space<hbm>> -> memref<1x8x128xi32, #tpu.memory_space<hbm>>
      %dma_wait3A_62 = tpu.memref_squeeze %dma_wait3A_61 : memref<1x8x128xi32, #tpu.memory_space<hbm>> -> memref<8x128xi32, #tpu.memory_space<hbm>>
      tpu.wait_dma2 semaphore(%run_scoped3A_31 : memref<!tpu.dma_semaphore, #tpu.memory_space<semaphore_mem>>) src(%dma_wait3A_62 : memref<8x128xi32, #tpu.memory_space<hbm>>) dst(%dma_wait3A_58 : memref<8x128xi32, #tpu.memory_space<vmem>>)
      tpu.yield
    }) : () -> ()
    %barrier3A = arith.constant 0 : index
    tpu.barrier barrier_id(%barrier3A)
    %dma_start3A = arith.constant 0 : i32
    %dma_start3A_6 = arith.constant 0 : i32
    %dma_start3A_7 = arith.constant 0 : i32
    %dma_start3A_8 = tpu.memref_slice %arg7[%dma_start3A, %dma_start3A_6, %dma_start3A_7] : memref<2x8x128xi32, #tpu.memory_space<vmem>> -> memref<1x1x128xi32, #tpu.memory_space<vmem>>
    %dma_start3A_9 = tpu.memref_squeeze %dma_start3A_8 : memref<1x1x128xi32, #tpu.memory_space<vmem>> -> memref<128xi32, #tpu.memory_space<vmem>>
    %dma_start3A_10 = arith.constant 0 : i32
    %dma_start3A_11 = arith.constant 0 : i32
    %dma_start3A_12 = tpu.memref_slice %arg2[%dma_start3A_10, %dma_start3A_11] : memref<10240x128xf32, #tpu.memory_space<hbm>> -> memref<10240x128xf32, #tpu.memory_space<hbm>>
    tpu.enqueue_indirect_dma source(%dma_start3A_12 : memref<10240x128xf32, #tpu.memory_space<hbm>>) target(%arg9 : memref<128x128xf32, #tpu.memory_space<vmem>>) offsets(%dma_start3A_9 : memref<128xi32, #tpu.memory_space<vmem>>) semaphore(%arg12 : memref<!tpu.dma_semaphore, #tpu.memory_space<semaphore_mem>>)
    %dma_start3A_13 = arith.constant 0 : i32
    %dma_start3A_14 = arith.constant 1 : i32
    %dma_start3A_15 = arith.constant 0 : i32
    %dma_start3A_16 = tpu.memref_slice %arg7[%dma_start3A_13, %dma_start3A_14, %dma_start3A_15] : memref<2x8x128xi32, #tpu.memory_space<vmem>> -> memref<1x1x128xi32, #tpu.memory_space<vmem>>
    %dma_start3A_17 = tpu.memref_squeeze %dma_start3A_16 : memref<1x1x128xi32, #tpu.memory_space<vmem>> -> memref<128xi32, #tpu.memory_space<vmem>>
    %dma_start3A_18 = arith.constant 0 : i32
    %dma_start3A_19 = arith.constant 0 : i32
    %dma_start3A_20 = tpu.memref_slice %arg2[%dma_start3A_18, %dma_start3A_19] : memref<10240x128xf32, #tpu.memory_space<hbm>> -> memref<10240x128xf32, #tpu.memory_space<hbm>>
    tpu.enqueue_indirect_dma source(%dma_start3A_20 : memref<10240x128xf32, #tpu.memory_space<hbm>>) target(%arg10 : memref<128x128xf32, #tpu.memory_space<vmem>>) offsets(%dma_start3A_17 : memref<128xi32, #tpu.memory_space<vmem>>) semaphore(%arg13 : memref<!tpu.dma_semaphore, #tpu.memory_space<semaphore_mem>>)
    %scan3A = arith.constant 0 : i32
    %scan3A_21 = arith.constant 0 : i32
    %scan3A_22 = arith.constant 10 : i32
    %scan3A_23 = arith.addi %scan3A_21, %scan3A_22 : i32
    %scan3A_24 = arith.constant 1 : i32
    scf.for %scan3A_31 = %scan3A_21 to %scan3A_23 step %scan3A_24  : i32 {
      %jit3A = arith.constant 2 : i32
      %eq3A = arith.constant 0 : i32
      %eq3A_32 = arith.cmpi eq, %jit3A, %eq3A : i32
      %jit3A_33 = arith.constant 1 : i32
      %select_n3A = arith.select %eq3A_32, %jit3A_33, %jit3A : i32
      %rem3A = arith.remsi %scan3A_31, %select_n3A : i32
      %ne3A = arith.constant 0 : i32
      %ne3A_34 = arith.cmpi ne, %rem3A, %ne3A : i32
      %lt3A = arith.constant 0 : i32
      %lt3A_35 = arith.cmpi slt, %rem3A, %lt3A : i32
      %lt3A_36 = arith.constant 0 : i32
      %lt3A_37 = arith.cmpi slt, %select_n3A, %lt3A_36 : i32
      %ne3A_38 = arith.xori %lt3A_35, %lt3A_37 : i1
      %and3A = arith.andi %ne3A_38, %ne3A_34 : i1
      %add3A_39 = arith.addi %rem3A, %select_n3A : i32
      %select_n3A_40 = arith.select %and3A, %add3A_39, %rem3A : i32
      %sub3A = arith.constant 1 : i32
      %sub3A_41 = arith.subi %sub3A, %select_n3A_40 : i32
      %add3A_42 = arith.constant 1 : i32
      %add3A_43 = arith.addi %scan3A_31, %add3A_42 : i32
      %lt3A_44 = arith.constant 10 : i32
      %lt3A_45 = arith.cmpi slt, %add3A_43, %lt3A_44 : i32
      %convert_element_type3A = arith.extui %lt3A_45 : i1 to i32
      %cond3A = arith.constant 0 : i32
      %cond3A_46 = arith.cmpi ne, %convert_element_type3A, %cond3A : i32
      scf.if %cond3A_46 {
        %add3A_158 = arith.constant 1 : i32
        %add3A_159 = arith.addi %scan3A_31, %add3A_158 : i32
        %mul3A_160 = arith.constant 8 : i32
        %mul3A_161 = arith.muli %add3A_159, %mul3A_160 : i32
        %dma_start3A_162 = arith.constant 0 : i32
        %dma_start3A_163 = arith.constant 0 : i32
        %dma_start3A_164 = tpu.memref_slice %arg7[%sub3A_41, %dma_start3A_162, %dma_start3A_163] : memref<2x8x128xi32, #tpu.memory_space<vmem>> -> memref<1x8x128xi32, #tpu.memory_space<vmem>>
        %dma_start3A_165 = tpu.memref_squeeze %dma_start3A_164 : memref<1x8x128xi32, #tpu.memory_space<vmem>> -> memref<8x128xi32, #tpu.memory_space<vmem>>
        %dma_start3A_166 = arith.constant 0 : i32
        %dma_start3A_167 = tpu.memref_slice %arg3[%add3A, %mul3A_161, %dma_start3A_166] : memref<32x80x128xi32, #tpu.memory_space<hbm>> -> memref<1x8x128xi32, #tpu.memory_space<hbm>>
        %dma_start3A_168 = tpu.memref_squeeze %dma_start3A_167 : memref<1x8x128xi32, #tpu.memory_space<hbm>> -> memref<8x128xi32, #tpu.memory_space<hbm>>
        %dma_start3A_169 = arith.constant 0 : i32
        %dma_start3A_170 = arith.constant 0 : i32
        %dma_start3A_171 = tpu.memref_slice %arg7[%sub3A_41, %dma_start3A_169, %dma_start3A_170] : memref<2x8x128xi32, #tpu.memory_space<vmem>> -> memref<1x8x128xi32, #tpu.memory_space<vmem>>
        %dma_start3A_172 = tpu.memref_squeeze %dma_start3A_171 : memref<1x8x128xi32, #tpu.memory_space<vmem>> -> memref<8x128xi32, #tpu.memory_space<vmem>>
        %dma_start3A_173 = arith.constant 0 : i32
        %dma_start3A_174 = tpu.memref_slice %arg3[%add3A, %mul3A_161, %dma_start3A_173] : memref<32x80x128xi32, #tpu.memory_space<hbm>> -> memref<1x8x128xi32, #tpu.memory_space<hbm>>
        %dma_start3A_175 = tpu.memref_squeeze %dma_start3A_174 : memref<1x8x128xi32, #tpu.memory_space<hbm>> -> memref<8x128xi32, #tpu.memory_space<hbm>>
        tpu.enqueue_dma source(%dma_start3A_175 : memref<8x128xi32, #tpu.memory_space<hbm>>) target(%dma_start3A_172 : memref<8x128xi32, #tpu.memory_space<vmem>>) target_semaphore(%arg14 : memref<!tpu.dma_semaphore, #tpu.memory_space<semaphore_mem>>)
        %add3A_176 = arith.constant 1 : i32
        %add3A_177 = arith.addi %scan3A_31, %add3A_176 : i32
        %mul3A_178 = arith.constant 8 : i32
        %mul3A_179 = arith.muli %add3A_177, %mul3A_178 : i32
        %dma_start3A_180 = arith.constant 0 : i32
        %dma_start3A_181 = arith.constant 0 : i32
        %dma_start3A_182 = tpu.memref_slice %arg8[%sub3A_41, %dma_start3A_180, %dma_start3A_181] : memref<2x8x128xi32, #tpu.memory_space<vmem>> -> memref<1x8x128xi32, #tpu.memory_space<vmem>>
        %dma_start3A_183 = tpu.memref_squeeze %dma_start3A_182 : memref<1x8x128xi32, #tpu.memory_space<vmem>> -> memref<8x128xi32, #tpu.memory_space<vmem>>
        %dma_start3A_184 = arith.constant 0 : i32
        %dma_start3A_185 = tpu.memref_slice %arg4[%add3A, %mul3A_179, %dma_start3A_184] : memref<32x80x128xi32, #tpu.memory_space<hbm>> -> memref<1x8x128xi32, #tpu.memory_space<hbm>>
        %dma_start3A_186 = tpu.memref_squeeze %dma_start3A_185 : memref<1x8x128xi32, #tpu.memory_space<hbm>> -> memref<8x128xi32, #tpu.memory_space<hbm>>
        %dma_start3A_187 = arith.constant 0 : i32
        %dma_start3A_188 = arith.constant 0 : i32
        %dma_start3A_189 = tpu.memref_slice %arg8[%sub3A_41, %dma_start3A_187, %dma_start3A_188] : memref<2x8x128xi32, #tpu.memory_space<vmem>> -> memref<1x8x128xi32, #tpu.memory_space<vmem>>
        %dma_start3A_190 = tpu.memref_squeeze %dma_start3A_189 : memref<1x8x128xi32, #tpu.memory_space<vmem>> -> memref<8x128xi32, #tpu.memory_space<vmem>>
        %dma_start3A_191 = arith.constant 0 : i32
        %dma_start3A_192 = tpu.memref_slice %arg4[%add3A, %mul3A_179, %dma_start3A_191] : memref<32x80x128xi32, #tpu.memory_space<hbm>> -> memref<1x8x128xi32, #tpu.memory_space<hbm>>
        %dma_start3A_193 = tpu.memref_squeeze %dma_start3A_192 : memref<1x8x128xi32, #tpu.memory_space<hbm>> -> memref<8x128xi32, #tpu.memory_space<hbm>>
        tpu.enqueue_dma source(%dma_start3A_193 : memref<8x128xi32, #tpu.memory_space<hbm>>) target(%dma_start3A_190 : memref<8x128xi32, #tpu.memory_space<vmem>>) target_semaphore(%arg14 : memref<!tpu.dma_semaphore, #tpu.memory_space<semaphore_mem>>)
      } else {
      }
      %dma_wait3A = arith.constant 0 : i32
      %dma_wait3A_47 = arith.constant 0 : i32
      %dma_wait3A_48 = tpu.memref_slice %arg7[%select_n3A_40, %dma_wait3A, %dma_wait3A_47] : memref<2x8x128xi32, #tpu.memory_space<vmem>> -> memref<1x1x128xi32, #tpu.memory_space<vmem>>
      %dma_wait3A_49 = tpu.memref_squeeze %dma_wait3A_48 : memref<1x1x128xi32, #tpu.memory_space<vmem>> -> memref<128xi32, #tpu.memory_space<vmem>>
      %dma_wait3A_50 = arith.constant 0 : i32
      %dma_wait3A_51 = arith.constant 0 : i32
      %dma_wait3A_52 = tpu.memref_slice %arg2[%dma_wait3A_50, %dma_wait3A_51] : memref<10240x128xf32, #tpu.memory_space<hbm>> -> memref<10240x128xf32, #tpu.memory_space<hbm>>
      tpu.wait_indirect_dma semaphore(%arg12 : memref<!tpu.dma_semaphore, #tpu.memory_space<semaphore_mem>>) src(%dma_wait3A_52 : memref<10240x128xf32, #tpu.memory_space<hbm>>) dst(%arg9 : memref<128x128xf32, #tpu.memory_space<vmem>>)
      %run_scoped3A_53 = arith.constant 0 : i32
      "tpu.region"() ({
        %run_scoped3A_158 = tpu.sem_alloc : memref<!tpu.dma_semaphore, #tpu.memory_space<semaphore_mem>>
        %dma_start3A_159 = arith.constant 0 : i32
        %dma_start3A_160 = tpu.memref_slice %arg8[%select_n3A_40, %run_scoped3A_53, %dma_start3A_159] : memref<2x8x128xi32, #tpu.memory_space<vmem>> -> memref<1x1x128xi32, #tpu.memory_space<vmem>>
        %dma_start3A_161 = tpu.memref_squeeze %dma_start3A_160 : memref<1x1x128xi32, #tpu.memory_space<vmem>> -> memref<128xi32, #tpu.memory_space<vmem>>
        %dma_start3A_162 = arith.constant 0 : i32
        %dma_start3A_163 = arith.constant 0 : i32
        %dma_start3A_164 = tpu.memref_slice %arg11[%dma_start3A_162, %dma_start3A_163] : memref<10240x128xf32, #tpu.memory_space<vmem_shared>> -> memref<10240x128xf32, #tpu.memory_space<vmem_shared>>
        tpu.enqueue_indirect_dma source(%arg9 : memref<128x128xf32, #tpu.memory_space<vmem>>) target(%dma_start3A_164 : memref<10240x128xf32, #tpu.memory_space<vmem_shared>>) offsets(%dma_start3A_161 : memref<128xi32, #tpu.memory_space<vmem>>) semaphore(%run_scoped3A_158 : memref<!tpu.dma_semaphore, #tpu.memory_space<semaphore_mem>>) {add = true}
        %dma_wait3A_165 = arith.constant 0 : i32
        %dma_wait3A_166 = tpu.memref_slice %arg8[%select_n3A_40, %run_scoped3A_53, %dma_wait3A_165] : memref<2x8x128xi32, #tpu.memory_space<vmem>> -> memref<1x1x128xi32, #tpu.memory_space<vmem>>
        %dma_wait3A_167 = tpu.memref_squeeze %dma_wait3A_166 : memref<1x1x128xi32, #tpu.memory_space<vmem>> -> memref<128xi32, #tpu.memory_space<vmem>>
        %dma_wait3A_168 = arith.constant 0 : i32
        %dma_wait3A_169 = arith.constant 0 : i32
        %dma_wait3A_170 = tpu.memref_slice %arg11[%dma_wait3A_168, %dma_wait3A_169] : memref<10240x128xf32, #tpu.memory_space<vmem_shared>> -> memref<10240x128xf32, #tpu.memory_space<vmem_shared>>
        tpu.wait_indirect_dma semaphore(%run_scoped3A_158 : memref<!tpu.dma_semaphore, #tpu.memory_space<semaphore_mem>>) src(%arg9 : memref<128x128xf32, #tpu.memory_space<vmem>>) dst(%dma_wait3A_170 : memref<10240x128xf32, #tpu.memory_space<vmem_shared>>)
        tpu.yield
      }) : () -> ()
      %dma_start3A_54 = arith.constant 2 : i32
      %dma_start3A_55 = arith.constant 0 : i32
      %dma_start3A_56 = tpu.memref_slice %arg7[%select_n3A_40, %dma_start3A_54, %dma_start3A_55] : memref<2x8x128xi32, #tpu.memory_space<vmem>> -> memref<1x1x128xi32, #tpu.memory_space<vmem>>
      %dma_start3A_57 = tpu.memref_squeeze %dma_start3A_56 : memref<1x1x128xi32, #tpu.memory_space<vmem>> -> memref<128xi32, #tpu.memory_space<vmem>>
      %dma_start3A_58 = arith.constant 0 : i32
      %dma_start3A_59 = arith.constant 0 : i32
      %dma_start3A_60 = tpu.memref_slice %arg2[%dma_start3A_58, %dma_start3A_59] : memref<10240x128xf32, #tpu.memory_space<hbm>> -> memref<10240x128xf32, #tpu.memory_space<hbm>>
      tpu.enqueue_indirect_dma source(%dma_start3A_60 : memref<10240x128xf32, #tpu.memory_space<hbm>>) target(%arg9 : memref<128x128xf32, #tpu.memory_space<vmem>>) offsets(%dma_start3A_57 : memref<128xi32, #tpu.memory_space<vmem>>) semaphore(%arg12 : memref<!tpu.dma_semaphore, #tpu.memory_space<semaphore_mem>>)
      %dma_wait3A_61 = arith.constant 1 : i32
      %dma_wait3A_62 = arith.constant 0 : i32
      %dma_wait3A_63 = tpu.memref_slice %arg7[%select_n3A_40, %dma_wait3A_61, %dma_wait3A_62] : memref<2x8x128xi32, #tpu.memory_space<vmem>> -> memref<1x1x128xi32, #tpu.memory_space<vmem>>
      %dma_wait3A_64 = tpu.memref_squeeze %dma_wait3A_63 : memref<1x1x128xi32, #tpu.memory_space<vmem>> -> memref<128xi32, #tpu.memory_space<vmem>>
      %dma_wait3A_65 = arith.constant 0 : i32
      %dma_wait3A_66 = arith.constant 0 : i32
      %dma_wait3A_67 = tpu.memref_slice %arg2[%dma_wait3A_65, %dma_wait3A_66] : memref<10240x128xf32, #tpu.memory_space<hbm>> -> memref<10240x128xf32, #tpu.memory_space<hbm>>
      tpu.wait_indirect_dma semaphore(%arg13 : memref<!tpu.dma_semaphore, #tpu.memory_space<semaphore_mem>>) src(%dma_wait3A_67 : memref<10240x128xf32, #tpu.memory_space<hbm>>) dst(%arg10 : memref<128x128xf32, #tpu.memory_space<vmem>>)
      %run_scoped3A_68 = arith.constant 1 : i32
      "tpu.region"() ({
        %run_scoped3A_158 = tpu.sem_alloc : memref<!tpu.dma_semaphore, #tpu.memory_space<semaphore_mem>>
        %dma_start3A_159 = arith.constant 0 : i32
        %dma_start3A_160 = tpu.memref_slice %arg8[%select_n3A_40, %run_scoped3A_68, %dma_start3A_159] : memref<2x8x128xi32, #tpu.memory_space<vmem>> -> memref<1x1x128xi32, #tpu.memory_space<vmem>>
        %dma_start3A_161 = tpu.memref_squeeze %dma_start3A_160 : memref<1x1x128xi32, #tpu.memory_space<vmem>> -> memref<128xi32, #tpu.memory_space<vmem>>
        %dma_start3A_162 = arith.constant 0 : i32
        %dma_start3A_163 = arith.constant 0 : i32
        %dma_start3A_164 = tpu.memref_slice %arg11[%dma_start3A_162, %dma_start3A_163] : memref<10240x128xf32, #tpu.memory_space<vmem_shared>> -> memref<10240x128xf32, #tpu.memory_space<vmem_shared>>
        tpu.enqueue_indirect_dma source(%arg10 : memref<128x128xf32, #tpu.memory_space<vmem>>) target(%dma_start3A_164 : memref<10240x128xf32, #tpu.memory_space<vmem_shared>>) offsets(%dma_start3A_161 : memref<128xi32, #tpu.memory_space<vmem>>) semaphore(%run_scoped3A_158 : memref<!tpu.dma_semaphore, #tpu.memory_space<semaphore_mem>>) {add = true}
        %dma_wait3A_165 = arith.constant 0 : i32
        %dma_wait3A_166 = tpu.memref_slice %arg8[%select_n3A_40, %run_scoped3A_68, %dma_wait3A_165] : memref<2x8x128xi32, #tpu.memory_space<vmem>> -> memref<1x1x128xi32, #tpu.memory_space<vmem>>
        %dma_wait3A_167 = tpu.memref_squeeze %dma_wait3A_166 : memref<1x1x128xi32, #tpu.memory_space<vmem>> -> memref<128xi32, #tpu.memory_space<vmem>>
        %dma_wait3A_168 = arith.constant 0 : i32
        %dma_wait3A_169 = arith.constant 0 : i32
        %dma_wait3A_170 = tpu.memref_slice %arg11[%dma_wait3A_168, %dma_wait3A_169] : memref<10240x128xf32, #tpu.memory_space<vmem_shared>> -> memref<10240x128xf32, #tpu.memory_space<vmem_shared>>
        tpu.wait_indirect_dma semaphore(%run_scoped3A_158 : memref<!tpu.dma_semaphore, #tpu.memory_space<semaphore_mem>>) src(%arg10 : memref<128x128xf32, #tpu.memory_space<vmem>>) dst(%dma_wait3A_170 : memref<10240x128xf32, #tpu.memory_space<vmem_shared>>)
        tpu.yield
      }) : () -> ()
      %dma_start3A_69 = arith.constant 3 : i32
      %dma_start3A_70 = arith.constant 0 : i32
      %dma_start3A_71 = tpu.memref_slice %arg7[%select_n3A_40, %dma_start3A_69, %dma_start3A_70] : memref<2x8x128xi32, #tpu.memory_space<vmem>> -> memref<1x1x128xi32, #tpu.memory_space<vmem>>
      %dma_start3A_72 = tpu.memref_squeeze %dma_start3A_71 : memref<1x1x128xi32, #tpu.memory_space<vmem>> -> memref<128xi32, #tpu.memory_space<vmem>>
      %dma_start3A_73 = arith.constant 0 : i32
      %dma_start3A_74 = arith.constant 0 : i32
      %dma_start3A_75 = tpu.memref_slice %arg2[%dma_start3A_73, %dma_start3A_74] : memref<10240x128xf32, #tpu.memory_space<hbm>> -> memref<10240x128xf32, #tpu.memory_space<hbm>>
      tpu.enqueue_indirect_dma source(%dma_start3A_75 : memref<10240x128xf32, #tpu.memory_space<hbm>>) target(%arg10 : memref<128x128xf32, #tpu.memory_space<vmem>>) offsets(%dma_start3A_72 : memref<128xi32, #tpu.memory_space<vmem>>) semaphore(%arg13 : memref<!tpu.dma_semaphore, #tpu.memory_space<semaphore_mem>>)
      %dma_wait3A_76 = arith.constant 2 : i32
      %dma_wait3A_77 = arith.constant 0 : i32
      %dma_wait3A_78 = tpu.memref_slice %arg7[%select_n3A_40, %dma_wait3A_76, %dma_wait3A_77] : memref<2x8x128xi32, #tpu.memory_space<vmem>> -> memref<1x1x128xi32, #tpu.memory_space<vmem>>
      %dma_wait3A_79 = tpu.memref_squeeze %dma_wait3A_78 : memref<1x1x128xi32, #tpu.memory_space<vmem>> -> memref<128xi32, #tpu.memory_space<vmem>>
      %dma_wait3A_80 = arith.constant 0 : i32
      %dma_wait3A_81 = arith.constant 0 : i32
      %dma_wait3A_82 = tpu.memref_slice %arg2[%dma_wait3A_80, %dma_wait3A_81] : memref<10240x128xf32, #tpu.memory_space<hbm>> -> memref<10240x128xf32, #tpu.memory_space<hbm>>
      tpu.wait_indirect_dma semaphore(%arg12 : memref<!tpu.dma_semaphore, #tpu.memory_space<semaphore_mem>>) src(%dma_wait3A_82 : memref<10240x128xf32, #tpu.memory_space<hbm>>) dst(%arg9 : memref<128x128xf32, #tpu.memory_space<vmem>>)
      %run_scoped3A_83 = arith.constant 2 : i32
      "tpu.region"() ({
        %run_scoped3A_158 = tpu.sem_alloc : memref<!tpu.dma_semaphore, #tpu.memory_space<semaphore_mem>>
        %dma_start3A_159 = arith.constant 0 : i32
        %dma_start3A_160 = tpu.memref_slice %arg8[%select_n3A_40, %run_scoped3A_83, %dma_start3A_159] : memref<2x8x128xi32, #tpu.memory_space<vmem>> -> memref<1x1x128xi32, #tpu.memory_space<vmem>>
        %dma_start3A_161 = tpu.memref_squeeze %dma_start3A_160 : memref<1x1x128xi32, #tpu.memory_space<vmem>> -> memref<128xi32, #tpu.memory_space<vmem>>
        %dma_start3A_162 = arith.constant 0 : i32
        %dma_start3A_163 = arith.constant 0 : i32
        %dma_start3A_164 = tpu.memref_slice %arg11[%dma_start3A_162, %dma_start3A_163] : memref<10240x128xf32, #tpu.memory_space<vmem_shared>> -> memref<10240x128xf32, #tpu.memory_space<vmem_shared>>
        tpu.enqueue_indirect_dma source(%arg9 : memref<128x128xf32, #tpu.memory_space<vmem>>) target(%dma_start3A_164 : memref<10240x128xf32, #tpu.memory_space<vmem_shared>>) offsets(%dma_start3A_161 : memref<128xi32, #tpu.memory_space<vmem>>) semaphore(%run_scoped3A_158 : memref<!tpu.dma_semaphore, #tpu.memory_space<semaphore_mem>>) {add = true}
        %dma_wait3A_165 = arith.constant 0 : i32
        %dma_wait3A_166 = tpu.memref_slice %arg8[%select_n3A_40, %run_scoped3A_83, %dma_wait3A_165] : memref<2x8x128xi32, #tpu.memory_space<vmem>> -> memref<1x1x128xi32, #tpu.memory_space<vmem>>
        %dma_wait3A_167 = tpu.memref_squeeze %dma_wait3A_166 : memref<1x1x128xi32, #tpu.memory_space<vmem>> -> memref<128xi32, #tpu.memory_space<vmem>>
        %dma_wait3A_168 = arith.constant 0 : i32
        %dma_wait3A_169 = arith.constant 0 : i32
        %dma_wait3A_170 = tpu.memref_slice %arg11[%dma_wait3A_168, %dma_wait3A_169] : memref<10240x128xf32, #tpu.memory_space<vmem_shared>> -> memref<10240x128xf32, #tpu.memory_space<vmem_shared>>
        tpu.wait_indirect_dma semaphore(%run_scoped3A_158 : memref<!tpu.dma_semaphore, #tpu.memory_space<semaphore_mem>>) src(%arg9 : memref<128x128xf32, #tpu.memory_space<vmem>>) dst(%dma_wait3A_170 : memref<10240x128xf32, #tpu.memory_space<vmem_shared>>)
        tpu.yield
      }) : () -> ()
      %dma_start3A_84 = arith.constant 4 : i32
      %dma_start3A_85 = arith.constant 0 : i32
      %dma_start3A_86 = tpu.memref_slice %arg7[%select_n3A_40, %dma_start3A_84, %dma_start3A_85] : memref<2x8x128xi32, #tpu.memory_space<vmem>> -> memref<1x1x128xi32, #tpu.memory_space<vmem>>
      %dma_start3A_87 = tpu.memref_squeeze %dma_start3A_86 : memref<1x1x128xi32, #tpu.memory_space<vmem>> -> memref<128xi32, #tpu.memory_space<vmem>>
      %dma_start3A_88 = arith.constant 0 : i32
      %dma_start3A_89 = arith.constant 0 : i32
      %dma_start3A_90 = tpu.memref_slice %arg2[%dma_start3A_88, %dma_start3A_89] : memref<10240x128xf32, #tpu.memory_space<hbm>> -> memref<10240x128xf32, #tpu.memory_space<hbm>>
      tpu.enqueue_indirect_dma source(%dma_start3A_90 : memref<10240x128xf32, #tpu.memory_space<hbm>>) target(%arg9 : memref<128x128xf32, #tpu.memory_space<vmem>>) offsets(%dma_start3A_87 : memref<128xi32, #tpu.memory_space<vmem>>) semaphore(%arg12 : memref<!tpu.dma_semaphore, #tpu.memory_space<semaphore_mem>>)
      %dma_wait3A_91 = arith.constant 3 : i32
      %dma_wait3A_92 = arith.constant 0 : i32
      %dma_wait3A_93 = tpu.memref_slice %arg7[%select_n3A_40, %dma_wait3A_91, %dma_wait3A_92] : memref<2x8x128xi32, #tpu.memory_space<vmem>> -> memref<1x1x128xi32, #tpu.memory_space<vmem>>
      %dma_wait3A_94 = tpu.memref_squeeze %dma_wait3A_93 : memref<1x1x128xi32, #tpu.memory_space<vmem>> -> memref<128xi32, #tpu.memory_space<vmem>>
      %dma_wait3A_95 = arith.constant 0 : i32
      %dma_wait3A_96 = arith.constant 0 : i32
      %dma_wait3A_97 = tpu.memref_slice %arg2[%dma_wait3A_95, %dma_wait3A_96] : memref<10240x128xf32, #tpu.memory_space<hbm>> -> memref<10240x128xf32, #tpu.memory_space<hbm>>
      tpu.wait_indirect_dma semaphore(%arg13 : memref<!tpu.dma_semaphore, #tpu.memory_space<semaphore_mem>>) src(%dma_wait3A_97 : memref<10240x128xf32, #tpu.memory_space<hbm>>) dst(%arg10 : memref<128x128xf32, #tpu.memory_space<vmem>>)
      %run_scoped3A_98 = arith.constant 3 : i32
      "tpu.region"() ({
        %run_scoped3A_158 = tpu.sem_alloc : memref<!tpu.dma_semaphore, #tpu.memory_space<semaphore_mem>>
        %dma_start3A_159 = arith.constant 0 : i32
        %dma_start3A_160 = tpu.memref_slice %arg8[%select_n3A_40, %run_scoped3A_98, %dma_start3A_159] : memref<2x8x128xi32, #tpu.memory_space<vmem>> -> memref<1x1x128xi32, #tpu.memory_space<vmem>>
        %dma_start3A_161 = tpu.memref_squeeze %dma_start3A_160 : memref<1x1x128xi32, #tpu.memory_space<vmem>> -> memref<128xi32, #tpu.memory_space<vmem>>
        %dma_start3A_162 = arith.constant 0 : i32
        %dma_start3A_163 = arith.constant 0 : i32
        %dma_start3A_164 = tpu.memref_slice %arg11[%dma_start3A_162, %dma_start3A_163] : memref<10240x128xf32, #tpu.memory_space<vmem_shared>> -> memref<10240x128xf32, #tpu.memory_space<vmem_shared>>
        tpu.enqueue_indirect_dma source(%arg10 : memref<128x128xf32, #tpu.memory_space<vmem>>) target(%dma_start3A_164 : memref<10240x128xf32, #tpu.memory_space<vmem_shared>>) offsets(%dma_start3A_161 : memref<128xi32, #tpu.memory_space<vmem>>) semaphore(%run_scoped3A_158 : memref<!tpu.dma_semaphore, #tpu.memory_space<semaphore_mem>>) {add = true}
        %dma_wait3A_165 = arith.constant 0 : i32
        %dma_wait3A_166 = tpu.memref_slice %arg8[%select_n3A_40, %run_scoped3A_98, %dma_wait3A_165] : memref<2x8x128xi32, #tpu.memory_space<vmem>> -> memref<1x1x128xi32, #tpu.memory_space<vmem>>
        %dma_wait3A_167 = tpu.memref_squeeze %dma_wait3A_166 : memref<1x1x128xi32, #tpu.memory_space<vmem>> -> memref<128xi32, #tpu.memory_space<vmem>>
        %dma_wait3A_168 = arith.constant 0 : i32
        %dma_wait3A_169 = arith.constant 0 : i32
        %dma_wait3A_170 = tpu.memref_slice %arg11[%dma_wait3A_168, %dma_wait3A_169] : memref<10240x128xf32, #tpu.memory_space<vmem_shared>> -> memref<10240x128xf32, #tpu.memory_space<vmem_shared>>
        tpu.wait_indirect_dma semaphore(%run_scoped3A_158 : memref<!tpu.dma_semaphore, #tpu.memory_space<semaphore_mem>>) src(%arg10 : memref<128x128xf32, #tpu.memory_space<vmem>>) dst(%dma_wait3A_170 : memref<10240x128xf32, #tpu.memory_space<vmem_shared>>)
        tpu.yield
      }) : () -> ()
      %dma_start3A_99 = arith.constant 5 : i32
      %dma_start3A_100 = arith.constant 0 : i32
      %dma_start3A_101 = tpu.memref_slice %arg7[%select_n3A_40, %dma_start3A_99, %dma_start3A_100] : memref<2x8x128xi32, #tpu.memory_space<vmem>> -> memref<1x1x128xi32, #tpu.memory_space<vmem>>
      %dma_start3A_102 = tpu.memref_squeeze %dma_start3A_101 : memref<1x1x128xi32, #tpu.memory_space<vmem>> -> memref<128xi32, #tpu.memory_space<vmem>>
      %dma_start3A_103 = arith.constant 0 : i32
      %dma_start3A_104 = arith.constant 0 : i32
      %dma_start3A_105 = tpu.memref_slice %arg2[%dma_start3A_103, %dma_start3A_104] : memref<10240x128xf32, #tpu.memory_space<hbm>> -> memref<10240x128xf32, #tpu.memory_space<hbm>>
      tpu.enqueue_indirect_dma source(%dma_start3A_105 : memref<10240x128xf32, #tpu.memory_space<hbm>>) target(%arg10 : memref<128x128xf32, #tpu.memory_space<vmem>>) offsets(%dma_start3A_102 : memref<128xi32, #tpu.memory_space<vmem>>) semaphore(%arg13 : memref<!tpu.dma_semaphore, #tpu.memory_space<semaphore_mem>>)
      %dma_wait3A_106 = arith.constant 4 : i32
      %dma_wait3A_107 = arith.constant 0 : i32
      %dma_wait3A_108 = tpu.memref_slice %arg7[%select_n3A_40, %dma_wait3A_106, %dma_wait3A_107] : memref<2x8x128xi32, #tpu.memory_space<vmem>> -> memref<1x1x128xi32, #tpu.memory_space<vmem>>
      %dma_wait3A_109 = tpu.memref_squeeze %dma_wait3A_108 : memref<1x1x128xi32, #tpu.memory_space<vmem>> -> memref<128xi32, #tpu.memory_space<vmem>>
      %dma_wait3A_110 = arith.constant 0 : i32
      %dma_wait3A_111 = arith.constant 0 : i32
      %dma_wait3A_112 = tpu.memref_slice %arg2[%dma_wait3A_110, %dma_wait3A_111] : memref<10240x128xf32, #tpu.memory_space<hbm>> -> memref<10240x128xf32, #tpu.memory_space<hbm>>
      tpu.wait_indirect_dma semaphore(%arg12 : memref<!tpu.dma_semaphore, #tpu.memory_space<semaphore_mem>>) src(%dma_wait3A_112 : memref<10240x128xf32, #tpu.memory_space<hbm>>) dst(%arg9 : memref<128x128xf32, #tpu.memory_space<vmem>>)
      %run_scoped3A_113 = arith.constant 4 : i32
      "tpu.region"() ({
        %run_scoped3A_158 = tpu.sem_alloc : memref<!tpu.dma_semaphore, #tpu.memory_space<semaphore_mem>>
        %dma_start3A_159 = arith.constant 0 : i32
        %dma_start3A_160 = tpu.memref_slice %arg8[%select_n3A_40, %run_scoped3A_113, %dma_start3A_159] : memref<2x8x128xi32, #tpu.memory_space<vmem>> -> memref<1x1x128xi32, #tpu.memory_space<vmem>>
        %dma_start3A_161 = tpu.memref_squeeze %dma_start3A_160 : memref<1x1x128xi32, #tpu.memory_space<vmem>> -> memref<128xi32, #tpu.memory_space<vmem>>
        %dma_start3A_162 = arith.constant 0 : i32
        %dma_start3A_163 = arith.constant 0 : i32
        %dma_start3A_164 = tpu.memref_slice %arg11[%dma_start3A_162, %dma_start3A_163] : memref<10240x128xf32, #tpu.memory_space<vmem_shared>> -> memref<10240x128xf32, #tpu.memory_space<vmem_shared>>
        tpu.enqueue_indirect_dma source(%arg9 : memref<128x128xf32, #tpu.memory_space<vmem>>) target(%dma_start3A_164 : memref<10240x128xf32, #tpu.memory_space<vmem_shared>>) offsets(%dma_start3A_161 : memref<128xi32, #tpu.memory_space<vmem>>) semaphore(%run_scoped3A_158 : memref<!tpu.dma_semaphore, #tpu.memory_space<semaphore_mem>>) {add = true}
        %dma_wait3A_165 = arith.constant 0 : i32
        %dma_wait3A_166 = tpu.memref_slice %arg8[%select_n3A_40, %run_scoped3A_113, %dma_wait3A_165] : memref<2x8x128xi32, #tpu.memory_space<vmem>> -> memref<1x1x128xi32, #tpu.memory_space<vmem>>
        %dma_wait3A_167 = tpu.memref_squeeze %dma_wait3A_166 : memref<1x1x128xi32, #tpu.memory_space<vmem>> -> memref<128xi32, #tpu.memory_space<vmem>>
        %dma_wait3A_168 = arith.constant 0 : i32
        %dma_wait3A_169 = arith.constant 0 : i32
        %dma_wait3A_170 = tpu.memref_slice %arg11[%dma_wait3A_168, %dma_wait3A_169] : memref<10240x128xf32, #tpu.memory_space<vmem_shared>> -> memref<10240x128xf32, #tpu.memory_space<vmem_shared>>
        tpu.wait_indirect_dma semaphore(%run_scoped3A_158 : memref<!tpu.dma_semaphore, #tpu.memory_space<semaphore_mem>>) src(%arg9 : memref<128x128xf32, #tpu.memory_space<vmem>>) dst(%dma_wait3A_170 : memref<10240x128xf32, #tpu.memory_space<vmem_shared>>)
        tpu.yield
      }) : () -> ()
      %dma_start3A_114 = arith.constant 6 : i32
      %dma_start3A_115 = arith.constant 0 : i32
      %dma_start3A_116 = tpu.memref_slice %arg7[%select_n3A_40, %dma_start3A_114, %dma_start3A_115] : memref<2x8x128xi32, #tpu.memory_space<vmem>> -> memref<1x1x128xi32, #tpu.memory_space<vmem>>
      %dma_start3A_117 = tpu.memref_squeeze %dma_start3A_116 : memref<1x1x128xi32, #tpu.memory_space<vmem>> -> memref<128xi32, #tpu.memory_space<vmem>>
      %dma_start3A_118 = arith.constant 0 : i32
      %dma_start3A_119 = arith.constant 0 : i32
      %dma_start3A_120 = tpu.memref_slice %arg2[%dma_start3A_118, %dma_start3A_119] : memref<10240x128xf32, #tpu.memory_space<hbm>> -> memref<10240x128xf32, #tpu.memory_space<hbm>>
      tpu.enqueue_indirect_dma source(%dma_start3A_120 : memref<10240x128xf32, #tpu.memory_space<hbm>>) target(%arg9 : memref<128x128xf32, #tpu.memory_space<vmem>>) offsets(%dma_start3A_117 : memref<128xi32, #tpu.memory_space<vmem>>) semaphore(%arg12 : memref<!tpu.dma_semaphore, #tpu.memory_space<semaphore_mem>>)
      %dma_wait3A_121 = arith.constant 5 : i32
      %dma_wait3A_122 = arith.constant 0 : i32
      %dma_wait3A_123 = tpu.memref_slice %arg7[%select_n3A_40, %dma_wait3A_121, %dma_wait3A_122] : memref<2x8x128xi32, #tpu.memory_space<vmem>> -> memref<1x1x128xi32, #tpu.memory_space<vmem>>
      %dma_wait3A_124 = tpu.memref_squeeze %dma_wait3A_123 : memref<1x1x128xi32, #tpu.memory_space<vmem>> -> memref<128xi32, #tpu.memory_space<vmem>>
      %dma_wait3A_125 = arith.constant 0 : i32
      %dma_wait3A_126 = arith.constant 0 : i32
      %dma_wait3A_127 = tpu.memref_slice %arg2[%dma_wait3A_125, %dma_wait3A_126] : memref<10240x128xf32, #tpu.memory_space<hbm>> -> memref<10240x128xf32, #tpu.memory_space<hbm>>
      tpu.wait_indirect_dma semaphore(%arg13 : memref<!tpu.dma_semaphore, #tpu.memory_space<semaphore_mem>>) src(%dma_wait3A_127 : memref<10240x128xf32, #tpu.memory_space<hbm>>) dst(%arg10 : memref<128x128xf32, #tpu.memory_space<vmem>>)
      %run_scoped3A_128 = arith.constant 5 : i32
      "tpu.region"() ({
        %run_scoped3A_158 = tpu.sem_alloc : memref<!tpu.dma_semaphore, #tpu.memory_space<semaphore_mem>>
        %dma_start3A_159 = arith.constant 0 : i32
        %dma_start3A_160 = tpu.memref_slice %arg8[%select_n3A_40, %run_scoped3A_128, %dma_start3A_159] : memref<2x8x128xi32, #tpu.memory_space<vmem>> -> memref<1x1x128xi32, #tpu.memory_space<vmem>>
        %dma_start3A_161 = tpu.memref_squeeze %dma_start3A_160 : memref<1x1x128xi32, #tpu.memory_space<vmem>> -> memref<128xi32, #tpu.memory_space<vmem>>
        %dma_start3A_162 = arith.constant 0 : i32
        %dma_start3A_163 = arith.constant 0 : i32
        %dma_start3A_164 = tpu.memref_slice %arg11[%dma_start3A_162, %dma_start3A_163] : memref<10240x128xf32, #tpu.memory_space<vmem_shared>> -> memref<10240x128xf32, #tpu.memory_space<vmem_shared>>
        tpu.enqueue_indirect_dma source(%arg10 : memref<128x128xf32, #tpu.memory_space<vmem>>) target(%dma_start3A_164 : memref<10240x128xf32, #tpu.memory_space<vmem_shared>>) offsets(%dma_start3A_161 : memref<128xi32, #tpu.memory_space<vmem>>) semaphore(%run_scoped3A_158 : memref<!tpu.dma_semaphore, #tpu.memory_space<semaphore_mem>>) {add = true}
        %dma_wait3A_165 = arith.constant 0 : i32
        %dma_wait3A_166 = tpu.memref_slice %arg8[%select_n3A_40, %run_scoped3A_128, %dma_wait3A_165] : memref<2x8x128xi32, #tpu.memory_space<vmem>> -> memref<1x1x128xi32, #tpu.memory_space<vmem>>
        %dma_wait3A_167 = tpu.memref_squeeze %dma_wait3A_166 : memref<1x1x128xi32, #tpu.memory_space<vmem>> -> memref<128xi32, #tpu.memory_space<vmem>>
        %dma_wait3A_168 = arith.constant 0 : i32
        %dma_wait3A_169 = arith.constant 0 : i32
        %dma_wait3A_170 = tpu.memref_slice %arg11[%dma_wait3A_168, %dma_wait3A_169] : memref<10240x128xf32, #tpu.memory_space<vmem_shared>> -> memref<10240x128xf32, #tpu.memory_space<vmem_shared>>
        tpu.wait_indirect_dma semaphore(%run_scoped3A_158 : memref<!tpu.dma_semaphore, #tpu.memory_space<semaphore_mem>>) src(%arg10 : memref<128x128xf32, #tpu.memory_space<vmem>>) dst(%dma_wait3A_170 : memref<10240x128xf32, #tpu.memory_space<vmem_shared>>)
        tpu.yield
      }) : () -> ()
      %dma_start3A_129 = arith.constant 7 : i32
      %dma_start3A_130 = arith.constant 0 : i32
      %dma_start3A_131 = tpu.memref_slice %arg7[%select_n3A_40, %dma_start3A_129, %dma_start3A_130] : memref<2x8x128xi32, #tpu.memory_space<vmem>> -> memref<1x1x128xi32, #tpu.memory_space<vmem>>
      %dma_start3A_132 = tpu.memref_squeeze %dma_start3A_131 : memref<1x1x128xi32, #tpu.memory_space<vmem>> -> memref<128xi32, #tpu.memory_space<vmem>>
      %dma_start3A_133 = arith.constant 0 : i32
      %dma_start3A_134 = arith.constant 0 : i32
      %dma_start3A_135 = tpu.memref_slice %arg2[%dma_start3A_133, %dma_start3A_134] : memref<10240x128xf32, #tpu.memory_space<hbm>> -> memref<10240x128xf32, #tpu.memory_space<hbm>>
      tpu.enqueue_indirect_dma source(%dma_start3A_135 : memref<10240x128xf32, #tpu.memory_space<hbm>>) target(%arg10 : memref<128x128xf32, #tpu.memory_space<vmem>>) offsets(%dma_start3A_132 : memref<128xi32, #tpu.memory_space<vmem>>) semaphore(%arg13 : memref<!tpu.dma_semaphore, #tpu.memory_space<semaphore_mem>>)
      %dma_wait3A_136 = arith.constant 6 : i32
      %dma_wait3A_137 = arith.constant 0 : i32
      %dma_wait3A_138 = tpu.memref_slice %arg7[%select_n3A_40, %dma_wait3A_136, %dma_wait3A_137] : memref<2x8x128xi32, #tpu.memory_space<vmem>> -> memref<1x1x128xi32, #tpu.memory_space<vmem>>
      %dma_wait3A_139 = tpu.memref_squeeze %dma_wait3A_138 : memref<1x1x128xi32, #tpu.memory_space<vmem>> -> memref<128xi32, #tpu.memory_space<vmem>>
      %dma_wait3A_140 = arith.constant 0 : i32
      %dma_wait3A_141 = arith.constant 0 : i32
      %dma_wait3A_142 = tpu.memref_slice %arg2[%dma_wait3A_140, %dma_wait3A_141] : memref<10240x128xf32, #tpu.memory_space<hbm>> -> memref<10240x128xf32, #tpu.memory_space<hbm>>
      tpu.wait_indirect_dma semaphore(%arg12 : memref<!tpu.dma_semaphore, #tpu.memory_space<semaphore_mem>>) src(%dma_wait3A_142 : memref<10240x128xf32, #tpu.memory_space<hbm>>) dst(%arg9 : memref<128x128xf32, #tpu.memory_space<vmem>>)
      %run_scoped3A_143 = arith.constant 6 : i32
      "tpu.region"() ({
        %run_scoped3A_158 = tpu.sem_alloc : memref<!tpu.dma_semaphore, #tpu.memory_space<semaphore_mem>>
        %dma_start3A_159 = arith.constant 0 : i32
        %dma_start3A_160 = tpu.memref_slice %arg8[%select_n3A_40, %run_scoped3A_143, %dma_start3A_159] : memref<2x8x128xi32, #tpu.memory_space<vmem>> -> memref<1x1x128xi32, #tpu.memory_space<vmem>>
        %dma_start3A_161 = tpu.memref_squeeze %dma_start3A_160 : memref<1x1x128xi32, #tpu.memory_space<vmem>> -> memref<128xi32, #tpu.memory_space<vmem>>
        %dma_start3A_162 = arith.constant 0 : i32
        %dma_start3A_163 = arith.constant 0 : i32
        %dma_start3A_164 = tpu.memref_slice %arg11[%dma_start3A_162, %dma_start3A_163] : memref<10240x128xf32, #tpu.memory_space<vmem_shared>> -> memref<10240x128xf32, #tpu.memory_space<vmem_shared>>
        tpu.enqueue_indirect_dma source(%arg9 : memref<128x128xf32, #tpu.memory_space<vmem>>) target(%dma_start3A_164 : memref<10240x128xf32, #tpu.memory_space<vmem_shared>>) offsets(%dma_start3A_161 : memref<128xi32, #tpu.memory_space<vmem>>) semaphore(%run_scoped3A_158 : memref<!tpu.dma_semaphore, #tpu.memory_space<semaphore_mem>>) {add = true}
        %dma_wait3A_165 = arith.constant 0 : i32
        %dma_wait3A_166 = tpu.memref_slice %arg8[%select_n3A_40, %run_scoped3A_143, %dma_wait3A_165] : memref<2x8x128xi32, #tpu.memory_space<vmem>> -> memref<1x1x128xi32, #tpu.memory_space<vmem>>
        %dma_wait3A_167 = tpu.memref_squeeze %dma_wait3A_166 : memref<1x1x128xi32, #tpu.memory_space<vmem>> -> memref<128xi32, #tpu.memory_space<vmem>>
        %dma_wait3A_168 = arith.constant 0 : i32
        %dma_wait3A_169 = arith.constant 0 : i32
        %dma_wait3A_170 = tpu.memref_slice %arg11[%dma_wait3A_168, %dma_wait3A_169] : memref<10240x128xf32, #tpu.memory_space<vmem_shared>> -> memref<10240x128xf32, #tpu.memory_space<vmem_shared>>
        tpu.wait_indirect_dma semaphore(%run_scoped3A_158 : memref<!tpu.dma_semaphore, #tpu.memory_space<semaphore_mem>>) src(%arg9 : memref<128x128xf32, #tpu.memory_space<vmem>>) dst(%dma_wait3A_170 : memref<10240x128xf32, #tpu.memory_space<vmem_shared>>)
        tpu.yield
      }) : () -> ()
      %convert_element_type3A_144 = arith.extui %lt3A_45 : i1 to i32
      %cond3A_145 = arith.constant 0 : i32
      %cond3A_146 = arith.cmpi ne, %convert_element_type3A_144, %cond3A_145 : i32
      scf.if %cond3A_146 {
        %dma_wait3A_158 = arith.constant 0 : i32
        %dma_wait3A_159 = arith.constant 0 : i32
        %dma_wait3A_160 = tpu.memref_slice %arg7[%sub3A_41, %dma_wait3A_158, %dma_wait3A_159] : memref<2x8x128xi32, #tpu.memory_space<vmem>> -> memref<1x8x128xi32, #tpu.memory_space<vmem>>
        %dma_wait3A_161 = tpu.memref_squeeze %dma_wait3A_160 : memref<1x8x128xi32, #tpu.memory_space<vmem>> -> memref<8x128xi32, #tpu.memory_space<vmem>>
        %dma_wait3A_162 = arith.constant 0 : i32
        %dma_wait3A_163 = arith.constant 0 : i32
        %dma_wait3A_164 = tpu.memref_slice %arg3[%add3A, %dma_wait3A_162, %dma_wait3A_163] : memref<32x80x128xi32, #tpu.memory_space<hbm>> -> memref<1x8x128xi32, #tpu.memory_space<hbm>>
        %dma_wait3A_165 = tpu.memref_squeeze %dma_wait3A_164 : memref<1x8x128xi32, #tpu.memory_space<hbm>> -> memref<8x128xi32, #tpu.memory_space<hbm>>
        %dma_wait3A_166 = arith.constant 0 : i32
        %dma_wait3A_167 = arith.constant 0 : i32
        %dma_wait3A_168 = tpu.memref_slice %arg7[%sub3A_41, %dma_wait3A_166, %dma_wait3A_167] : memref<2x8x128xi32, #tpu.memory_space<vmem>> -> memref<1x8x128xi32, #tpu.memory_space<vmem>>
        %dma_wait3A_169 = tpu.memref_squeeze %dma_wait3A_168 : memref<1x8x128xi32, #tpu.memory_space<vmem>> -> memref<8x128xi32, #tpu.memory_space<vmem>>
        %dma_wait3A_170 = arith.constant 0 : i32
        %dma_wait3A_171 = arith.constant 0 : i32
        %dma_wait3A_172 = tpu.memref_slice %arg3[%add3A, %dma_wait3A_170, %dma_wait3A_171] : memref<32x80x128xi32, #tpu.memory_space<hbm>> -> memref<1x8x128xi32, #tpu.memory_space<hbm>>
        %dma_wait3A_173 = tpu.memref_squeeze %dma_wait3A_172 : memref<1x8x128xi32, #tpu.memory_space<hbm>> -> memref<8x128xi32, #tpu.memory_space<hbm>>
        tpu.wait_dma2 semaphore(%arg14 : memref<!tpu.dma_semaphore, #tpu.memory_space<semaphore_mem>>) src(%dma_wait3A_173 : memref<8x128xi32, #tpu.memory_space<hbm>>) dst(%dma_wait3A_169 : memref<8x128xi32, #tpu.memory_space<vmem>>)
        %dma_wait3A_174 = arith.constant 0 : i32
        %dma_wait3A_175 = arith.constant 0 : i32
        %dma_wait3A_176 = tpu.memref_slice %arg8[%sub3A_41, %dma_wait3A_174, %dma_wait3A_175] : memref<2x8x128xi32, #tpu.memory_space<vmem>> -> memref<1x8x128xi32, #tpu.memory_space<vmem>>
        %dma_wait3A_177 = tpu.memref_squeeze %dma_wait3A_176 : memref<1x8x128xi32, #tpu.memory_space<vmem>> -> memref<8x128xi32, #tpu.memory_space<vmem>>
        %dma_wait3A_178 = arith.constant 0 : i32
        %dma_wait3A_179 = arith.constant 0 : i32
        %dma_wait3A_180 = tpu.memref_slice %arg4[%add3A, %dma_wait3A_178, %dma_wait3A_179] : memref<32x80x128xi32, #tpu.memory_space<hbm>> -> memref<1x8x128xi32, #tpu.memory_space<hbm>>
        %dma_wait3A_181 = tpu.memref_squeeze %dma_wait3A_180 : memref<1x8x128xi32, #tpu.memory_space<hbm>> -> memref<8x128xi32, #tpu.memory_space<hbm>>
        %dma_wait3A_182 = arith.constant 0 : i32
        %dma_wait3A_183 = arith.constant 0 : i32
        %dma_wait3A_184 = tpu.memref_slice %arg8[%sub3A_41, %dma_wait3A_182, %dma_wait3A_183] : memref<2x8x128xi32, #tpu.memory_space<vmem>> -> memref<1x8x128xi32, #tpu.memory_space<vmem>>
        %dma_wait3A_185 = tpu.memref_squeeze %dma_wait3A_184 : memref<1x8x128xi32, #tpu.memory_space<vmem>> -> memref<8x128xi32, #tpu.memory_space<vmem>>
        %dma_wait3A_186 = arith.constant 0 : i32
        %dma_wait3A_187 = arith.constant 0 : i32
        %dma_wait3A_188 = tpu.memref_slice %arg4[%add3A, %dma_wait3A_186, %dma_wait3A_187] : memref<32x80x128xi32, #tpu.memory_space<hbm>> -> memref<1x8x128xi32, #tpu.memory_space<hbm>>
        %dma_wait3A_189 = tpu.memref_squeeze %dma_wait3A_188 : memref<1x8x128xi32, #tpu.memory_space<hbm>> -> memref<8x128xi32, #tpu.memory_space<hbm>>
        tpu.wait_dma2 semaphore(%arg14 : memref<!tpu.dma_semaphore, #tpu.memory_space<semaphore_mem>>) src(%dma_wait3A_189 : memref<8x128xi32, #tpu.memory_space<hbm>>) dst(%dma_wait3A_185 : memref<8x128xi32, #tpu.memory_space<vmem>>)
        %dma_start3A_190 = arith.constant 0 : i32
        %dma_start3A_191 = arith.constant 0 : i32
        %dma_start3A_192 = tpu.memref_slice %arg7[%sub3A_41, %dma_start3A_190, %dma_start3A_191] : memref<2x8x128xi32, #tpu.memory_space<vmem>> -> memref<1x1x128xi32, #tpu.memory_space<vmem>>
        %dma_start3A_193 = tpu.memref_squeeze %dma_start3A_192 : memref<1x1x128xi32, #tpu.memory_space<vmem>> -> memref<128xi32, #tpu.memory_space<vmem>>
        %dma_start3A_194 = arith.constant 0 : i32
        %dma_start3A_195 = arith.constant 0 : i32
        %dma_start3A_196 = tpu.memref_slice %arg2[%dma_start3A_194, %dma_start3A_195] : memref<10240x128xf32, #tpu.memory_space<hbm>> -> memref<10240x128xf32, #tpu.memory_space<hbm>>
        tpu.enqueue_indirect_dma source(%dma_start3A_196 : memref<10240x128xf32, #tpu.memory_space<hbm>>) target(%arg9 : memref<128x128xf32, #tpu.memory_space<vmem>>) offsets(%dma_start3A_193 : memref<128xi32, #tpu.memory_space<vmem>>) semaphore(%arg12 : memref<!tpu.dma_semaphore, #tpu.memory_space<semaphore_mem>>)
      } else {
      }
      %dma_wait3A_147 = arith.constant 7 : i32
      %dma_wait3A_148 = arith.constant 0 : i32
      %dma_wait3A_149 = tpu.memref_slice %arg7[%select_n3A_40, %dma_wait3A_147, %dma_wait3A_148] : memref<2x8x128xi32, #tpu.memory_space<vmem>> -> memref<1x1x128xi32, #tpu.memory_space<vmem>>
      %dma_wait3A_150 = tpu.memref_squeeze %dma_wait3A_149 : memref<1x1x128xi32, #tpu.memory_space<vmem>> -> memref<128xi32, #tpu.memory_space<vmem>>
      %dma_wait3A_151 = arith.constant 0 : i32
      %dma_wait3A_152 = arith.constant 0 : i32
      %dma_wait3A_153 = tpu.memref_slice %arg2[%dma_wait3A_151, %dma_wait3A_152] : memref<10240x128xf32, #tpu.memory_space<hbm>> -> memref<10240x128xf32, #tpu.memory_space<hbm>>
      tpu.wait_indirect_dma semaphore(%arg13 : memref<!tpu.dma_semaphore, #tpu.memory_space<semaphore_mem>>) src(%dma_wait3A_153 : memref<10240x128xf32, #tpu.memory_space<hbm>>) dst(%arg10 : memref<128x128xf32, #tpu.memory_space<vmem>>)
      %run_scoped3A_154 = arith.constant 7 : i32
      "tpu.region"() ({
        %run_scoped3A_158 = tpu.sem_alloc : memref<!tpu.dma_semaphore, #tpu.memory_space<semaphore_mem>>
        %dma_start3A_159 = arith.constant 0 : i32
        %dma_start3A_160 = tpu.memref_slice %arg8[%select_n3A_40, %run_scoped3A_154, %dma_start3A_159] : memref<2x8x128xi32, #tpu.memory_space<vmem>> -> memref<1x1x128xi32, #tpu.memory_space<vmem>>
        %dma_start3A_161 = tpu.memref_squeeze %dma_start3A_160 : memref<1x1x128xi32, #tpu.memory_space<vmem>> -> memref<128xi32, #tpu.memory_space<vmem>>
        %dma_start3A_162 = arith.constant 0 : i32
        %dma_start3A_163 = arith.constant 0 : i32
        %dma_start3A_164 = tpu.memref_slice %arg11[%dma_start3A_162, %dma_start3A_163] : memref<10240x128xf32, #tpu.memory_space<vmem_shared>> -> memref<10240x128xf32, #tpu.memory_space<vmem_shared>>
        tpu.enqueue_indirect_dma source(%arg10 : memref<128x128xf32, #tpu.memory_space<vmem>>) target(%dma_start3A_164 : memref<10240x128xf32, #tpu.memory_space<vmem_shared>>) offsets(%dma_start3A_161 : memref<128xi32, #tpu.memory_space<vmem>>) semaphore(%run_scoped3A_158 : memref<!tpu.dma_semaphore, #tpu.memory_space<semaphore_mem>>) {add = true}
        %dma_wait3A_165 = arith.constant 0 : i32
        %dma_wait3A_166 = tpu.memref_slice %arg8[%select_n3A_40, %run_scoped3A_154, %dma_wait3A_165] : memref<2x8x128xi32, #tpu.memory_space<vmem>> -> memref<1x1x128xi32, #tpu.memory_space<vmem>>
        %dma_wait3A_167 = tpu.memref_squeeze %dma_wait3A_166 : memref<1x1x128xi32, #tpu.memory_space<vmem>> -> memref<128xi32, #tpu.memory_space<vmem>>
        %dma_wait3A_168 = arith.constant 0 : i32
        %dma_wait3A_169 = arith.constant 0 : i32
        %dma_wait3A_170 = tpu.memref_slice %arg11[%dma_wait3A_168, %dma_wait3A_169] : memref<10240x128xf32, #tpu.memory_space<vmem_shared>> -> memref<10240x128xf32, #tpu.memory_space<vmem_shared>>
        tpu.wait_indirect_dma semaphore(%run_scoped3A_158 : memref<!tpu.dma_semaphore, #tpu.memory_space<semaphore_mem>>) src(%arg10 : memref<128x128xf32, #tpu.memory_space<vmem>>) dst(%dma_wait3A_170 : memref<10240x128xf32, #tpu.memory_space<vmem_shared>>)
        tpu.yield
      }) : () -> ()
      %convert_element_type3A_155 = arith.extui %lt3A_45 : i1 to i32
      %cond3A_156 = arith.constant 0 : i32
      %cond3A_157 = arith.cmpi ne, %convert_element_type3A_155, %cond3A_156 : i32
      scf.if %cond3A_157 {
        %dma_start3A_158 = arith.constant 1 : i32
        %dma_start3A_159 = arith.constant 0 : i32
        %dma_start3A_160 = tpu.memref_slice %arg7[%sub3A_41, %dma_start3A_158, %dma_start3A_159] : memref<2x8x128xi32, #tpu.memory_space<vmem>> -> memref<1x1x128xi32, #tpu.memory_space<vmem>>
        %dma_start3A_161 = tpu.memref_squeeze %dma_start3A_160 : memref<1x1x128xi32, #tpu.memory_space<vmem>> -> memref<128xi32, #tpu.memory_space<vmem>>
        %dma_start3A_162 = arith.constant 0 : i32
        %dma_start3A_163 = arith.constant 0 : i32
        %dma_start3A_164 = tpu.memref_slice %arg2[%dma_start3A_162, %dma_start3A_163] : memref<10240x128xf32, #tpu.memory_space<hbm>> -> memref<10240x128xf32, #tpu.memory_space<hbm>>
        tpu.enqueue_indirect_dma source(%dma_start3A_164 : memref<10240x128xf32, #tpu.memory_space<hbm>>) target(%arg10 : memref<128x128xf32, #tpu.memory_space<vmem>>) offsets(%dma_start3A_161 : memref<128xi32, #tpu.memory_space<vmem>>) semaphore(%arg13 : memref<!tpu.dma_semaphore, #tpu.memory_space<semaphore_mem>>)
      } else {
      }
    }
    %scan3A_25 = arith.constant 10 : i32
    %barrier3A_26 = arith.constant 0 : index
    tpu.barrier barrier_id(%barrier3A_26)
    %mul3A_27 = arith.constant 640 : i32
    %mul3A_28 = arith.muli %arg1, %mul3A_27 : i32
    %mul3A_29 = arith.constant 640 : i32
    %mul3A_30 = arith.muli %arg1, %mul3A_29 : i32
    "tpu.region"() ({
      %run_scoped3A_31 = tpu.sem_alloc : memref<!tpu.dma_semaphore, #tpu.memory_space<semaphore_mem>>
      %dma_start3A_32 = arith.constant 0 : i32
      %dma_start3A_33 = tpu.memref_slice %arg6[%arg0, %mul3A_30, %dma_start3A_32] : memref<2x10240x128xf32, #tpu.memory_space<hbm>> -> memref<1x640x128xf32, #tpu.memory_space<hbm>>
      %dma_start3A_34 = tpu.memref_squeeze %dma_start3A_33 : memref<1x640x128xf32, #tpu.memory_space<hbm>> -> memref<640x128xf32, #tpu.memory_space<hbm>>
      %dma_start3A_35 = arith.constant 0 : i32
      %dma_start3A_36 = tpu.memref_slice %arg11[%mul3A_28, %dma_start3A_35] : memref<10240x128xf32, #tpu.memory_space<vmem_shared>> -> memref<640x128xf32, #tpu.memory_space<vmem_shared>>
      tpu.enqueue_dma source(%dma_start3A_36 : memref<640x128xf32, #tpu.memory_space<vmem_shared>>) target(%dma_start3A_34 : memref<640x128xf32, #tpu.memory_space<hbm>>) target_semaphore(%run_scoped3A_31 : memref<!tpu.dma_semaphore, #tpu.memory_space<semaphore_mem>>)
      %dma_wait3A = arith.constant 0 : i32
      %dma_wait3A_37 = tpu.memref_slice %arg6[%arg0, %mul3A_30, %dma_wait3A] : memref<2x10240x128xf32, #tpu.memory_space<hbm>> -> memref<1x640x128xf32, #tpu.memory_space<hbm>>
      %dma_wait3A_38 = tpu.memref_squeeze %dma_wait3A_37 : memref<1x640x128xf32, #tpu.memory_space<hbm>> -> memref<640x128xf32, #tpu.memory_space<hbm>>
      %dma_wait3A_39 = arith.constant 0 : i32
      %dma_wait3A_40 = tpu.memref_slice %arg11[%mul3A_28, %dma_wait3A_39] : memref<10240x128xf32, #tpu.memory_space<vmem_shared>> -> memref<640x128xf32, #tpu.memory_space<vmem_shared>>
      tpu.wait_dma2 semaphore(%run_scoped3A_31 : memref<!tpu.dma_semaphore, #tpu.memory_space<semaphore_mem>>) src(%dma_wait3A_40 : memref<640x128xf32, #tpu.memory_space<vmem_shared>>) dst(%dma_wait3A_38 : memref<640x128xf32, #tpu.memory_space<hbm>>)
      tpu.yield
    }) : () -> ()
    return
  }
}

#map = affine_map<(d0, d1) -> (0, 0)>
#map1 = affine_map<(d0, d1) -> (0, 0, 0)>
module attributes {stable_mosaic.version = 14 : i64} {
  func.func @k(%arg0: i32, %arg1: i32, %arg2: memref<10240x128xf32, #tpu.memory_space<hbm>>, %arg3: memref<32x80x128xi32, #tpu.memory_space<hbm>>, %arg4: memref<32x80x128xi32, #tpu.memory_space<hbm>>, %arg5: memref<10240x128xf32, #tpu.memory_space<hbm>>, %arg6: memref<2x10240x128xf32, #tpu.memory_space<hbm>>, %arg7: memref<2x8x128xi32, #tpu.memory_space<vmem>>, %arg8: memref<2x8x128xi32, #tpu.memory_space<vmem>>, %arg9: memref<128x128xf32, #tpu.memory_space<vmem>>, %arg10: memref<128x128xf32, #tpu.memory_space<vmem>>, %arg11: memref<10240x128xf32, #tpu.memory_space<vmem_shared>>, %arg12: memref<!tpu.dma_semaphore, #tpu.memory_space<semaphore_mem>>, %arg13: memref<!tpu.dma_semaphore, #tpu.memory_space<semaphore_mem>>, %arg14: memref<!tpu.dma_semaphore, #tpu.memory_space<semaphore_mem>>) attributes {dimension_semantics = [#tpu.dimension_semantics<core_parallel>, #tpu.dimension_semantics<subcore_parallel>], iteration_bounds = array<i64: 2, 16>, scalar_prefetch = 0 : i64, scratch_operands = 8 : i64, tpu.core_type = #tpu.core_type<sc_vector_subcore>, window_params = [{transform_indices = #map}, {transform_indices = #map1}, {transform_indices = #map1}, {transform_indices = #map}, {transform_indices = #map1}]} {
    %mul3A = arith.constant 2 : i32
    %mul3A_0 = arith.muli %arg1, %mul3A : i32
    %add3A = arith.addi %mul3A_0, %arg0 : i32
    %mul3A_1 = arith.constant 640 : i32
    %mul3A_2 = arith.muli %arg1, %mul3A_1 : i32
    %mul3A_3 = arith.constant 640 : i32
    %mul3A_4 = arith.muli %arg1, %mul3A_3 : i32
    "tpu.region"() ({
      %run_scoped3A_31 = tpu.sem_alloc : memref<!tpu.dma_semaphore, #tpu.memory_space<semaphore_mem>>
      %dma_start3A_32 = arith.constant 0 : i32
      %dma_start3A_33 = tpu.memref_slice %arg11[%mul3A_4, %dma_start3A_32] : memref<10240x128xf32, #tpu.memory_space<vmem_shared>> -> memref<640x128xf32, #tpu.memory_space<vmem_shared>>
      %dma_start3A_34 = arith.constant 0 : i32
      %dma_start3A_35 = tpu.memref_slice %arg5[%mul3A_2, %dma_start3A_34] : memref<10240x128xf32, #tpu.memory_space<hbm>> -> memref<640x128xf32, #tpu.memory_space<hbm>>
      tpu.enqueue_dma source(%dma_start3A_35 : memref<640x128xf32, #tpu.memory_space<hbm>>) target(%dma_start3A_33 : memref<640x128xf32, #tpu.memory_space<vmem_shared>>) target_semaphore(%run_scoped3A_31 : memref<!tpu.dma_semaphore, #tpu.memory_space<semaphore_mem>>)
      %dma_wait3A = arith.constant 0 : i32
      %dma_wait3A_36 = tpu.memref_slice %arg11[%mul3A_4, %dma_wait3A] : memref<10240x128xf32, #tpu.memory_space<vmem_shared>> -> memref<640x128xf32, #tpu.memory_space<vmem_shared>>
      %dma_wait3A_37 = arith.constant 0 : i32
      %dma_wait3A_38 = tpu.memref_slice %arg5[%mul3A_2, %dma_wait3A_37] : memref<10240x128xf32, #tpu.memory_space<hbm>> -> memref<640x128xf32, #tpu.memory_space<hbm>>
      tpu.wait_dma2 semaphore(%run_scoped3A_31 : memref<!tpu.dma_semaphore, #tpu.memory_space<semaphore_mem>>) src(%dma_wait3A_38 : memref<640x128xf32, #tpu.memory_space<hbm>>) dst(%dma_wait3A_36 : memref<640x128xf32, #tpu.memory_space<vmem_shared>>)
      tpu.yield
    }) : () -> ()
    %run_scoped3A = arith.constant 0 : i32
    "tpu.region"() ({
      %run_scoped3A_31 = tpu.sem_alloc : memref<!tpu.dma_semaphore, #tpu.memory_space<semaphore_mem>>
      %dma_start3A_32 = arith.constant 0 : i32
      %dma_start3A_33 = arith.constant 0 : i32
      %dma_start3A_34 = tpu.memref_slice %arg7[%run_scoped3A, %dma_start3A_32, %dma_start3A_33] : memref<2x8x128xi32, #tpu.memory_space<vmem>> -> memref<1x8x128xi32, #tpu.memory_space<vmem>>
      %dma_start3A_35 = tpu.memref_squeeze %dma_start3A_34 : memref<1x8x128xi32, #tpu.memory_space<vmem>> -> memref<8x128xi32, #tpu.memory_space<vmem>>
      %dma_start3A_36 = arith.constant 0 : i32
      %dma_start3A_37 = arith.constant 0 : i32
      %dma_start3A_38 = tpu.memref_slice %arg3[%add3A, %dma_start3A_36, %dma_start3A_37] : memref<32x80x128xi32, #tpu.memory_space<hbm>> -> memref<1x8x128xi32, #tpu.memory_space<hbm>>
      %dma_start3A_39 = tpu.memref_squeeze %dma_start3A_38 : memref<1x8x128xi32, #tpu.memory_space<hbm>> -> memref<8x128xi32, #tpu.memory_space<hbm>>
      %dma_start3A_40 = arith.constant 0 : i32
      %dma_start3A_41 = arith.constant 0 : i32
      %dma_start3A_42 = tpu.memref_slice %arg7[%run_scoped3A, %dma_start3A_40, %dma_start3A_41] : memref<2x8x128xi32, #tpu.memory_space<vmem>> -> memref<1x8x128xi32, #tpu.memory_space<vmem>>
      %dma_start3A_43 = tpu.memref_squeeze %dma_start3A_42 : memref<1x8x128xi32, #tpu.memory_space<vmem>> -> memref<8x128xi32, #tpu.memory_space<vmem>>
      %dma_start3A_44 = arith.constant 0 : i32
      %dma_start3A_45 = arith.constant 0 : i32
      %dma_start3A_46 = tpu.memref_slice %arg3[%add3A, %dma_start3A_44, %dma_start3A_45] : memref<32x80x128xi32, #tpu.memory_space<hbm>> -> memref<1x8x128xi32, #tpu.memory_space<hbm>>
      %dma_start3A_47 = tpu.memref_squeeze %dma_start3A_46 : memref<1x8x128xi32, #tpu.memory_space<hbm>> -> memref<8x128xi32, #tpu.memory_space<hbm>>
      tpu.enqueue_dma source(%dma_start3A_47 : memref<8x128xi32, #tpu.memory_space<hbm>>) target(%dma_start3A_43 : memref<8x128xi32, #tpu.memory_space<vmem>>) target_semaphore(%run_scoped3A_31 : memref<!tpu.dma_semaphore, #tpu.memory_space<semaphore_mem>>)
      %dma_wait3A = arith.constant 0 : i32
      %dma_wait3A_48 = arith.constant 0 : i32
      %dma_wait3A_49 = tpu.memref_slice %arg7[%run_scoped3A, %dma_wait3A, %dma_wait3A_48] : memref<2x8x128xi32, #tpu.memory_space<vmem>> -> memref<1x8x128xi32, #tpu.memory_space<vmem>>
      %dma_wait3A_50 = tpu.memref_squeeze %dma_wait3A_49 : memref<1x8x128xi32, #tpu.memory_space<vmem>> -> memref<8x128xi32, #tpu.memory_space<vmem>>
      %dma_wait3A_51 = arith.constant 0 : i32
      %dma_wait3A_52 = arith.constant 0 : i32
      %dma_wait3A_53 = tpu.memref_slice %arg3[%add3A, %dma_wait3A_51, %dma_wait3A_52] : memref<32x80x128xi32, #tpu.memory_space<hbm>> -> memref<1x8x128xi32, #tpu.memory_space<hbm>>
      %dma_wait3A_54 = tpu.memref_squeeze %dma_wait3A_53 : memref<1x8x128xi32, #tpu.memory_space<hbm>> -> memref<8x128xi32, #tpu.memory_space<hbm>>
      %dma_wait3A_55 = arith.constant 0 : i32
      %dma_wait3A_56 = arith.constant 0 : i32
      %dma_wait3A_57 = tpu.memref_slice %arg7[%run_scoped3A, %dma_wait3A_55, %dma_wait3A_56] : memref<2x8x128xi32, #tpu.memory_space<vmem>> -> memref<1x8x128xi32, #tpu.memory_space<vmem>>
      %dma_wait3A_58 = tpu.memref_squeeze %dma_wait3A_57 : memref<1x8x128xi32, #tpu.memory_space<vmem>> -> memref<8x128xi32, #tpu.memory_space<vmem>>
      %dma_wait3A_59 = arith.constant 0 : i32
      %dma_wait3A_60 = arith.constant 0 : i32
      %dma_wait3A_61 = tpu.memref_slice %arg3[%add3A, %dma_wait3A_59, %dma_wait3A_60] : memref<32x80x128xi32, #tpu.memory_space<hbm>> -> memref<1x8x128xi32, #tpu.memory_space<hbm>>
      %dma_wait3A_62 = tpu.memref_squeeze %dma_wait3A_61 : memref<1x8x128xi32, #tpu.memory_space<hbm>> -> memref<8x128xi32, #tpu.memory_space<hbm>>
      tpu.wait_dma2 semaphore(%run_scoped3A_31 : memref<!tpu.dma_semaphore, #tpu.memory_space<semaphore_mem>>) src(%dma_wait3A_62 : memref<8x128xi32, #tpu.memory_space<hbm>>) dst(%dma_wait3A_58 : memref<8x128xi32, #tpu.memory_space<vmem>>)
      tpu.yield
    }) : () -> ()
    %run_scoped3A_5 = arith.constant 0 : i32
    "tpu.region"() ({
      %run_scoped3A_31 = tpu.sem_alloc : memref<!tpu.dma_semaphore, #tpu.memory_space<semaphore_mem>>
      %dma_start3A_32 = arith.constant 0 : i32
      %dma_start3A_33 = arith.constant 0 : i32
      %dma_start3A_34 = tpu.memref_slice %arg8[%run_scoped3A_5, %dma_start3A_32, %dma_start3A_33] : memref<2x8x128xi32, #tpu.memory_space<vmem>> -> memref<1x8x128xi32, #tpu.memory_space<vmem>>
      %dma_start3A_35 = tpu.memref_squeeze %dma_start3A_34 : memref<1x8x128xi32, #tpu.memory_space<vmem>> -> memref<8x128xi32, #tpu.memory_space<vmem>>
      %dma_start3A_36 = arith.constant 0 : i32
      %dma_start3A_37 = arith.constant 0 : i32
      %dma_start3A_38 = tpu.memref_slice %arg4[%add3A, %dma_start3A_36, %dma_start3A_37] : memref<32x80x128xi32, #tpu.memory_space<hbm>> -> memref<1x8x128xi32, #tpu.memory_space<hbm>>
      %dma_start3A_39 = tpu.memref_squeeze %dma_start3A_38 : memref<1x8x128xi32, #tpu.memory_space<hbm>> -> memref<8x128xi32, #tpu.memory_space<hbm>>
      %dma_start3A_40 = arith.constant 0 : i32
      %dma_start3A_41 = arith.constant 0 : i32
      %dma_start3A_42 = tpu.memref_slice %arg8[%run_scoped3A_5, %dma_start3A_40, %dma_start3A_41] : memref<2x8x128xi32, #tpu.memory_space<vmem>> -> memref<1x8x128xi32, #tpu.memory_space<vmem>>
      %dma_start3A_43 = tpu.memref_squeeze %dma_start3A_42 : memref<1x8x128xi32, #tpu.memory_space<vmem>> -> memref<8x128xi32, #tpu.memory_space<vmem>>
      %dma_start3A_44 = arith.constant 0 : i32
      %dma_start3A_45 = arith.constant 0 : i32
      %dma_start3A_46 = tpu.memref_slice %arg4[%add3A, %dma_start3A_44, %dma_start3A_45] : memref<32x80x128xi32, #tpu.memory_space<hbm>> -> memref<1x8x128xi32, #tpu.memory_space<hbm>>
      %dma_start3A_47 = tpu.memref_squeeze %dma_start3A_46 : memref<1x8x128xi32, #tpu.memory_space<hbm>> -> memref<8x128xi32, #tpu.memory_space<hbm>>
      tpu.enqueue_dma source(%dma_start3A_47 : memref<8x128xi32, #tpu.memory_space<hbm>>) target(%dma_start3A_43 : memref<8x128xi32, #tpu.memory_space<vmem>>) target_semaphore(%run_scoped3A_31 : memref<!tpu.dma_semaphore, #tpu.memory_space<semaphore_mem>>)
      %dma_wait3A = arith.constant 0 : i32
      %dma_wait3A_48 = arith.constant 0 : i32
      %dma_wait3A_49 = tpu.memref_slice %arg8[%run_scoped3A_5, %dma_wait3A, %dma_wait3A_48] : memref<2x8x128xi32, #tpu.memory_space<vmem>> -> memref<1x8x128xi32, #tpu.memory_space<vmem>>
      %dma_wait3A_50 = tpu.memref_squeeze %dma_wait3A_49 : memref<1x8x128xi32, #tpu.memory_space<vmem>> -> memref<8x128xi32, #tpu.memory_space<vmem>>
      %dma_wait3A_51 = arith.constant 0 : i32
      %dma_wait3A_52 = arith.constant 0 : i32
      %dma_wait3A_53 = tpu.memref_slice %arg4[%add3A, %dma_wait3A_51, %dma_wait3A_52] : memref<32x80x128xi32, #tpu.memory_space<hbm>> -> memref<1x8x128xi32, #tpu.memory_space<hbm>>
      %dma_wait3A_54 = tpu.memref_squeeze %dma_wait3A_53 : memref<1x8x128xi32, #tpu.memory_space<hbm>> -> memref<8x128xi32, #tpu.memory_space<hbm>>
      %dma_wait3A_55 = arith.constant 0 : i32
      %dma_wait3A_56 = arith.constant 0 : i32
      %dma_wait3A_57 = tpu.memref_slice %arg8[%run_scoped3A_5, %dma_wait3A_55, %dma_wait3A_56] : memref<2x8x128xi32, #tpu.memory_space<vmem>> -> memref<1x8x128xi32, #tpu.memory_space<vmem>>
      %dma_wait3A_58 = tpu.memref_squeeze %dma_wait3A_57 : memref<1x8x128xi32, #tpu.memory_space<vmem>> -> memref<8x128xi32, #tpu.memory_space<vmem>>
      %dma_wait3A_59 = arith.constant 0 : i32
      %dma_wait3A_60 = arith.constant 0 : i32
      %dma_wait3A_61 = tpu.memref_slice %arg4[%add3A, %dma_wait3A_59, %dma_wait3A_60] : memref<32x80x128xi32, #tpu.memory_space<hbm>> -> memref<1x8x128xi32, #tpu.memory_space<hbm>>
      %dma_wait3A_62 = tpu.memref_squeeze %dma_wait3A_61 : memref<1x8x128xi32, #tpu.memory_space<hbm>> -> memref<8x128xi32, #tpu.memory_space<hbm>>
      tpu.wait_dma2 semaphore(%run_scoped3A_31 : memref<!tpu.dma_semaphore, #tpu.memory_space<semaphore_mem>>) src(%dma_wait3A_62 : memref<8x128xi32, #tpu.memory_space<hbm>>) dst(%dma_wait3A_58 : memref<8x128xi32, #tpu.memory_space<vmem>>)
      tpu.yield
    }) : () -> ()
    %barrier3A = arith.constant 0 : index
    tpu.barrier barrier_id(%barrier3A)
    %dma_start3A = arith.constant 0 : i32
    %dma_start3A_6 = arith.constant 0 : i32
    %dma_start3A_7 = arith.constant 0 : i32
    %dma_start3A_8 = tpu.memref_slice %arg7[%dma_start3A, %dma_start3A_6, %dma_start3A_7] : memref<2x8x128xi32, #tpu.memory_space<vmem>> -> memref<1x1x128xi32, #tpu.memory_space<vmem>>
    %dma_start3A_9 = tpu.memref_squeeze %dma_start3A_8 : memref<1x1x128xi32, #tpu.memory_space<vmem>> -> memref<128xi32, #tpu.memory_space<vmem>>
    %dma_start3A_10 = arith.constant 0 : i32
    %dma_start3A_11 = arith.constant 0 : i32
    %dma_start3A_12 = tpu.memref_slice %arg2[%dma_start3A_10, %dma_start3A_11] : memref<10240x128xf32, #tpu.memory_space<hbm>> -> memref<10240x128xf32, #tpu.memory_space<hbm>>
    tpu.enqueue_indirect_dma source(%dma_start3A_12 : memref<10240x128xf32, #tpu.memory_space<hbm>>) target(%arg9 : memref<128x128xf32, #tpu.memory_space<vmem>>) offsets(%dma_start3A_9 : memref<128xi32, #tpu.memory_space<vmem>>) semaphore(%arg12 : memref<!tpu.dma_semaphore, #tpu.memory_space<semaphore_mem>>)
    %dma_start3A_13 = arith.constant 0 : i32
    %dma_start3A_14 = arith.constant 1 : i32
    %dma_start3A_15 = arith.constant 0 : i32
    %dma_start3A_16 = tpu.memref_slice %arg7[%dma_start3A_13, %dma_start3A_14, %dma_start3A_15] : memref<2x8x128xi32, #tpu.memory_space<vmem>> -> memref<1x1x128xi32, #tpu.memory_space<vmem>>
    %dma_start3A_17 = tpu.memref_squeeze %dma_start3A_16 : memref<1x1x128xi32, #tpu.memory_space<vmem>> -> memref<128xi32, #tpu.memory_space<vmem>>
    %dma_start3A_18 = arith.constant 0 : i32
    %dma_start3A_19 = arith.constant 0 : i32
    %dma_start3A_20 = tpu.memref_slice %arg2[%dma_start3A_18, %dma_start3A_19] : memref<10240x128xf32, #tpu.memory_space<hbm>> -> memref<10240x128xf32, #tpu.memory_space<hbm>>
    tpu.enqueue_indirect_dma source(%dma_start3A_20 : memref<10240x128xf32, #tpu.memory_space<hbm>>) target(%arg10 : memref<128x128xf32, #tpu.memory_space<vmem>>) offsets(%dma_start3A_17 : memref<128xi32, #tpu.memory_space<vmem>>) semaphore(%arg13 : memref<!tpu.dma_semaphore, #tpu.memory_space<semaphore_mem>>)
    %scan3A = arith.constant 0 : i32
    %scan3A_21 = arith.constant 0 : i32
    %scan3A_22 = arith.constant 10 : i32
    %scan3A_23 = arith.addi %scan3A_21, %scan3A_22 : i32
    %scan3A_24 = arith.constant 1 : i32
    scf.for %scan3A_31 = %scan3A_21 to %scan3A_23 step %scan3A_24  : i32 {
      %jit3A = arith.constant 2 : i32
      %eq3A = arith.constant 0 : i32
      %eq3A_32 = arith.cmpi eq, %jit3A, %eq3A : i32
      %jit3A_33 = arith.constant 1 : i32
      %select_n3A = arith.select %eq3A_32, %jit3A_33, %jit3A : i32
      %rem3A = arith.remsi %scan3A_31, %select_n3A : i32
      %ne3A = arith.constant 0 : i32
      %ne3A_34 = arith.cmpi ne, %rem3A, %ne3A : i32
      %lt3A = arith.constant 0 : i32
      %lt3A_35 = arith.cmpi slt, %rem3A, %lt3A : i32
      %lt3A_36 = arith.constant 0 : i32
      %lt3A_37 = arith.cmpi slt, %select_n3A, %lt3A_36 : i32
      %ne3A_38 = arith.xori %lt3A_35, %lt3A_37 : i1
      %and3A = arith.andi %ne3A_38, %ne3A_34 : i1
      %add3A_39 = arith.addi %rem3A, %select_n3A : i32
      %select_n3A_40 = arith.select %and3A, %add3A_39, %rem3A : i32
      %sub3A = arith.constant 1 : i32
      %sub3A_41 = arith.subi %sub3A, %select_n3A_40 : i32
      %add3A_42 = arith.constant 1 : i32
      %add3A_43 = arith.addi %scan3A_31, %add3A_42 : i32
      %lt3A_44 = arith.constant 10 : i32
      %lt3A_45 = arith.cmpi slt, %add3A_43, %lt3A_44 : i32
      %convert_element_type3A = arith.extui %lt3A_45 : i1 to i32
      %cond3A = arith.constant 0 : i32
      %cond3A_46 = arith.cmpi ne, %convert_element_type3A, %cond3A : i32
      scf.if %cond3A_46 {
        %add3A_158 = arith.constant 1 : i32
        %add3A_159 = arith.addi %scan3A_31, %add3A_158 : i32
        %mul3A_160 = arith.constant 8 : i32
        %mul3A_161 = arith.muli %add3A_159, %mul3A_160 : i32
        %dma_start3A_162 = arith.constant 0 : i32
        %dma_start3A_163 = arith.constant 0 : i32
        %dma_start3A_164 = tpu.memref_slice %arg7[%sub3A_41, %dma_start3A_162, %dma_start3A_163] : memref<2x8x128xi32, #tpu.memory_space<vmem>> -> memref<1x8x128xi32, #tpu.memory_space<vmem>>
        %dma_start3A_165 = tpu.memref_squeeze %dma_start3A_164 : memref<1x8x128xi32, #tpu.memory_space<vmem>> -> memref<8x128xi32, #tpu.memory_space<vmem>>
        %dma_start3A_166 = arith.constant 0 : i32
        %dma_start3A_167 = tpu.memref_slice %arg3[%add3A, %mul3A_161, %dma_start3A_166] : memref<32x80x128xi32, #tpu.memory_space<hbm>> -> memref<1x8x128xi32, #tpu.memory_space<hbm>>
        %dma_start3A_168 = tpu.memref_squeeze %dma_start3A_167 : memref<1x8x128xi32, #tpu.memory_space<hbm>> -> memref<8x128xi32, #tpu.memory_space<hbm>>
        %dma_start3A_169 = arith.constant 0 : i32
        %dma_start3A_170 = arith.constant 0 : i32
        %dma_start3A_171 = tpu.memref_slice %arg7[%sub3A_41, %dma_start3A_169, %dma_start3A_170] : memref<2x8x128xi32, #tpu.memory_space<vmem>> -> memref<1x8x128xi32, #tpu.memory_space<vmem>>
        %dma_start3A_172 = tpu.memref_squeeze %dma_start3A_171 : memref<1x8x128xi32, #tpu.memory_space<vmem>> -> memref<8x128xi32, #tpu.memory_space<vmem>>
        %dma_start3A_173 = arith.constant 0 : i32
        %dma_start3A_174 = tpu.memref_slice %arg3[%add3A, %mul3A_161, %dma_start3A_173] : memref<32x80x128xi32, #tpu.memory_space<hbm>> -> memref<1x8x128xi32, #tpu.memory_space<hbm>>
        %dma_start3A_175 = tpu.memref_squeeze %dma_start3A_174 : memref<1x8x128xi32, #tpu.memory_space<hbm>> -> memref<8x128xi32, #tpu.memory_space<hbm>>
        tpu.enqueue_dma source(%dma_start3A_175 : memref<8x128xi32, #tpu.memory_space<hbm>>) target(%dma_start3A_172 : memref<8x128xi32, #tpu.memory_space<vmem>>) target_semaphore(%arg14 : memref<!tpu.dma_semaphore, #tpu.memory_space<semaphore_mem>>)
        %add3A_176 = arith.constant 1 : i32
        %add3A_177 = arith.addi %scan3A_31, %add3A_176 : i32
        %mul3A_178 = arith.constant 8 : i32
        %mul3A_179 = arith.muli %add3A_177, %mul3A_178 : i32
        %dma_start3A_180 = arith.constant 0 : i32
        %dma_start3A_181 = arith.constant 0 : i32
        %dma_start3A_182 = tpu.memref_slice %arg8[%sub3A_41, %dma_start3A_180, %dma_start3A_181] : memref<2x8x128xi32, #tpu.memory_space<vmem>> -> memref<1x8x128xi32, #tpu.memory_space<vmem>>
        %dma_start3A_183 = tpu.memref_squeeze %dma_start3A_182 : memref<1x8x128xi32, #tpu.memory_space<vmem>> -> memref<8x128xi32, #tpu.memory_space<vmem>>
        %dma_start3A_184 = arith.constant 0 : i32
        %dma_start3A_185 = tpu.memref_slice %arg4[%add3A, %mul3A_179, %dma_start3A_184] : memref<32x80x128xi32, #tpu.memory_space<hbm>> -> memref<1x8x128xi32, #tpu.memory_space<hbm>>
        %dma_start3A_186 = tpu.memref_squeeze %dma_start3A_185 : memref<1x8x128xi32, #tpu.memory_space<hbm>> -> memref<8x128xi32, #tpu.memory_space<hbm>>
        %dma_start3A_187 = arith.constant 0 : i32
        %dma_start3A_188 = arith.constant 0 : i32
        %dma_start3A_189 = tpu.memref_slice %arg8[%sub3A_41, %dma_start3A_187, %dma_start3A_188] : memref<2x8x128xi32, #tpu.memory_space<vmem>> -> memref<1x8x128xi32, #tpu.memory_space<vmem>>
        %dma_start3A_190 = tpu.memref_squeeze %dma_start3A_189 : memref<1x8x128xi32, #tpu.memory_space<vmem>> -> memref<8x128xi32, #tpu.memory_space<vmem>>
        %dma_start3A_191 = arith.constant 0 : i32
        %dma_start3A_192 = tpu.memref_slice %arg4[%add3A, %mul3A_179, %dma_start3A_191] : memref<32x80x128xi32, #tpu.memory_space<hbm>> -> memref<1x8x128xi32, #tpu.memory_space<hbm>>
        %dma_start3A_193 = tpu.memref_squeeze %dma_start3A_192 : memref<1x8x128xi32, #tpu.memory_space<hbm>> -> memref<8x128xi32, #tpu.memory_space<hbm>>
        tpu.enqueue_dma source(%dma_start3A_193 : memref<8x128xi32, #tpu.memory_space<hbm>>) target(%dma_start3A_190 : memref<8x128xi32, #tpu.memory_space<vmem>>) target_semaphore(%arg14 : memref<!tpu.dma_semaphore, #tpu.memory_space<semaphore_mem>>)
      } else {
      }
      %dma_wait3A = arith.constant 0 : i32
      %dma_wait3A_47 = arith.constant 0 : i32
      %dma_wait3A_48 = tpu.memref_slice %arg7[%select_n3A_40, %dma_wait3A, %dma_wait3A_47] : memref<2x8x128xi32, #tpu.memory_space<vmem>> -> memref<1x1x128xi32, #tpu.memory_space<vmem>>
      %dma_wait3A_49 = tpu.memref_squeeze %dma_wait3A_48 : memref<1x1x128xi32, #tpu.memory_space<vmem>> -> memref<128xi32, #tpu.memory_space<vmem>>
      %dma_wait3A_50 = arith.constant 0 : i32
      %dma_wait3A_51 = arith.constant 0 : i32
      %dma_wait3A_52 = tpu.memref_slice %arg2[%dma_wait3A_50, %dma_wait3A_51] : memref<10240x128xf32, #tpu.memory_space<hbm>> -> memref<10240x128xf32, #tpu.memory_space<hbm>>
      tpu.wait_indirect_dma semaphore(%arg12 : memref<!tpu.dma_semaphore, #tpu.memory_space<semaphore_mem>>) src(%dma_wait3A_52 : memref<10240x128xf32, #tpu.memory_space<hbm>>) dst(%arg9 : memref<128x128xf32, #tpu.memory_space<vmem>>)
      %run_scoped3A_53 = arith.constant 0 : i32
      "tpu.region"() ({
        %run_scoped3A_158 = tpu.sem_alloc : memref<!tpu.dma_semaphore, #tpu.memory_space<semaphore_mem>>
        %dma_start3A_159 = arith.constant 0 : i32
        %dma_start3A_160 = tpu.memref_slice %arg8[%select_n3A_40, %run_scoped3A_53, %dma_start3A_159] : memref<2x8x128xi32, #tpu.memory_space<vmem>> -> memref<1x1x128xi32, #tpu.memory_space<vmem>>
        %dma_start3A_161 = tpu.memref_squeeze %dma_start3A_160 : memref<1x1x128xi32, #tpu.memory_space<vmem>> -> memref<128xi32, #tpu.memory_space<vmem>>
        %dma_start3A_162 = arith.constant 0 : i32
        %dma_start3A_163 = arith.constant 0 : i32
        %dma_start3A_164 = tpu.memref_slice %arg11[%dma_start3A_162, %dma_start3A_163] : memref<10240x128xf32, #tpu.memory_space<vmem_shared>> -> memref<10240x128xf32, #tpu.memory_space<vmem_shared>>
        tpu.enqueue_indirect_dma source(%arg9 : memref<128x128xf32, #tpu.memory_space<vmem>>) target(%dma_start3A_164 : memref<10240x128xf32, #tpu.memory_space<vmem_shared>>) offsets(%dma_start3A_161 : memref<128xi32, #tpu.memory_space<vmem>>) semaphore(%run_scoped3A_158 : memref<!tpu.dma_semaphore, #tpu.memory_space<semaphore_mem>>) {add = true}
        %dma_wait3A_165 = arith.constant 0 : i32
        %dma_wait3A_166 = tpu.memref_slice %arg8[%select_n3A_40, %run_scoped3A_53, %dma_wait3A_165] : memref<2x8x128xi32, #tpu.memory_space<vmem>> -> memref<1x1x128xi32, #tpu.memory_space<vmem>>
        %dma_wait3A_167 = tpu.memref_squeeze %dma_wait3A_166 : memref<1x1x128xi32, #tpu.memory_space<vmem>> -> memref<128xi32, #tpu.memory_space<vmem>>
        %dma_wait3A_168 = arith.constant 0 : i32
        %dma_wait3A_169 = arith.constant 0 : i32
        %dma_wait3A_170 = tpu.memref_slice %arg11[%dma_wait3A_168, %dma_wait3A_169] : memref<10240x128xf32, #tpu.memory_space<vmem_shared>> -> memref<10240x128xf32, #tpu.memory_space<vmem_shared>>
        tpu.wait_indirect_dma semaphore(%run_scoped3A_158 : memref<!tpu.dma_semaphore, #tpu.memory_space<semaphore_mem>>) src(%arg9 : memref<128x128xf32, #tpu.memory_space<vmem>>) dst(%dma_wait3A_170 : memref<10240x128xf32, #tpu.memory_space<vmem_shared>>)
        tpu.yield
      }) : () -> ()
      %dma_start3A_54 = arith.constant 2 : i32
      %dma_start3A_55 = arith.constant 0 : i32
      %dma_start3A_56 = tpu.memref_slice %arg7[%select_n3A_40, %dma_start3A_54, %dma_start3A_55] : memref<2x8x128xi32, #tpu.memory_space<vmem>> -> memref<1x1x128xi32, #tpu.memory_space<vmem>>
      %dma_start3A_57 = tpu.memref_squeeze %dma_start3A_56 : memref<1x1x128xi32, #tpu.memory_space<vmem>> -> memref<128xi32, #tpu.memory_space<vmem>>
      %dma_start3A_58 = arith.constant 0 : i32
      %dma_start3A_59 = arith.constant 0 : i32
      %dma_start3A_60 = tpu.memref_slice %arg2[%dma_start3A_58, %dma_start3A_59] : memref<10240x128xf32, #tpu.memory_space<hbm>> -> memref<10240x128xf32, #tpu.memory_space<hbm>>
      tpu.enqueue_indirect_dma source(%dma_start3A_60 : memref<10240x128xf32, #tpu.memory_space<hbm>>) target(%arg9 : memref<128x128xf32, #tpu.memory_space<vmem>>) offsets(%dma_start3A_57 : memref<128xi32, #tpu.memory_space<vmem>>) semaphore(%arg12 : memref<!tpu.dma_semaphore, #tpu.memory_space<semaphore_mem>>)
      %dma_wait3A_61 = arith.constant 1 : i32
      %dma_wait3A_62 = arith.constant 0 : i32
      %dma_wait3A_63 = tpu.memref_slice %arg7[%select_n3A_40, %dma_wait3A_61, %dma_wait3A_62] : memref<2x8x128xi32, #tpu.memory_space<vmem>> -> memref<1x1x128xi32, #tpu.memory_space<vmem>>
      %dma_wait3A_64 = tpu.memref_squeeze %dma_wait3A_63 : memref<1x1x128xi32, #tpu.memory_space<vmem>> -> memref<128xi32, #tpu.memory_space<vmem>>
      %dma_wait3A_65 = arith.constant 0 : i32
      %dma_wait3A_66 = arith.constant 0 : i32
      %dma_wait3A_67 = tpu.memref_slice %arg2[%dma_wait3A_65, %dma_wait3A_66] : memref<10240x128xf32, #tpu.memory_space<hbm>> -> memref<10240x128xf32, #tpu.memory_space<hbm>>
      tpu.wait_indirect_dma semaphore(%arg13 : memref<!tpu.dma_semaphore, #tpu.memory_space<semaphore_mem>>) src(%dma_wait3A_67 : memref<10240x128xf32, #tpu.memory_space<hbm>>) dst(%arg10 : memref<128x128xf32, #tpu.memory_space<vmem>>)
      %run_scoped3A_68 = arith.constant 1 : i32
      "tpu.region"() ({
        %run_scoped3A_158 = tpu.sem_alloc : memref<!tpu.dma_semaphore, #tpu.memory_space<semaphore_mem>>
        %dma_start3A_159 = arith.constant 0 : i32
        %dma_start3A_160 = tpu.memref_slice %arg8[%select_n3A_40, %run_scoped3A_68, %dma_start3A_159] : memref<2x8x128xi32, #tpu.memory_space<vmem>> -> memref<1x1x128xi32, #tpu.memory_space<vmem>>
        %dma_start3A_161 = tpu.memref_squeeze %dma_start3A_160 : memref<1x1x128xi32, #tpu.memory_space<vmem>> -> memref<128xi32, #tpu.memory_space<vmem>>
        %dma_start3A_162 = arith.constant 0 : i32
        %dma_start3A_163 = arith.constant 0 : i32
        %dma_start3A_164 = tpu.memref_slice %arg11[%dma_start3A_162, %dma_start3A_163] : memref<10240x128xf32, #tpu.memory_space<vmem_shared>> -> memref<10240x128xf32, #tpu.memory_space<vmem_shared>>
        tpu.enqueue_indirect_dma source(%arg10 : memref<128x128xf32, #tpu.memory_space<vmem>>) target(%dma_start3A_164 : memref<10240x128xf32, #tpu.memory_space<vmem_shared>>) offsets(%dma_start3A_161 : memref<128xi32, #tpu.memory_space<vmem>>) semaphore(%run_scoped3A_158 : memref<!tpu.dma_semaphore, #tpu.memory_space<semaphore_mem>>) {add = true}
        %dma_wait3A_165 = arith.constant 0 : i32
        %dma_wait3A_166 = tpu.memref_slice %arg8[%select_n3A_40, %run_scoped3A_68, %dma_wait3A_165] : memref<2x8x128xi32, #tpu.memory_space<vmem>> -> memref<1x1x128xi32, #tpu.memory_space<vmem>>
        %dma_wait3A_167 = tpu.memref_squeeze %dma_wait3A_166 : memref<1x1x128xi32, #tpu.memory_space<vmem>> -> memref<128xi32, #tpu.memory_space<vmem>>
        %dma_wait3A_168 = arith.constant 0 : i32
        %dma_wait3A_169 = arith.constant 0 : i32
        %dma_wait3A_170 = tpu.memref_slice %arg11[%dma_wait3A_168, %dma_wait3A_169] : memref<10240x128xf32, #tpu.memory_space<vmem_shared>> -> memref<10240x128xf32, #tpu.memory_space<vmem_shared>>
        tpu.wait_indirect_dma semaphore(%run_scoped3A_158 : memref<!tpu.dma_semaphore, #tpu.memory_space<semaphore_mem>>) src(%arg10 : memref<128x128xf32, #tpu.memory_space<vmem>>) dst(%dma_wait3A_170 : memref<10240x128xf32, #tpu.memory_space<vmem_shared>>)
        tpu.yield
      }) : () -> ()
      %dma_start3A_69 = arith.constant 3 : i32
      %dma_start3A_70 = arith.constant 0 : i32
      %dma_start3A_71 = tpu.memref_slice %arg7[%select_n3A_40, %dma_start3A_69, %dma_start3A_70] : memref<2x8x128xi32, #tpu.memory_space<vmem>> -> memref<1x1x128xi32, #tpu.memory_space<vmem>>
      %dma_start3A_72 = tpu.memref_squeeze %dma_start3A_71 : memref<1x1x128xi32, #tpu.memory_space<vmem>> -> memref<128xi32, #tpu.memory_space<vmem>>
      %dma_start3A_73 = arith.constant 0 : i32
      %dma_start3A_74 = arith.constant 0 : i32
      %dma_start3A_75 = tpu.memref_slice %arg2[%dma_start3A_73, %dma_start3A_74] : memref<10240x128xf32, #tpu.memory_space<hbm>> -> memref<10240x128xf32, #tpu.memory_space<hbm>>
      tpu.enqueue_indirect_dma source(%dma_start3A_75 : memref<10240x128xf32, #tpu.memory_space<hbm>>) target(%arg10 : memref<128x128xf32, #tpu.memory_space<vmem>>) offsets(%dma_start3A_72 : memref<128xi32, #tpu.memory_space<vmem>>) semaphore(%arg13 : memref<!tpu.dma_semaphore, #tpu.memory_space<semaphore_mem>>)
      %dma_wait3A_76 = arith.constant 2 : i32
      %dma_wait3A_77 = arith.constant 0 : i32
      %dma_wait3A_78 = tpu.memref_slice %arg7[%select_n3A_40, %dma_wait3A_76, %dma_wait3A_77] : memref<2x8x128xi32, #tpu.memory_space<vmem>> -> memref<1x1x128xi32, #tpu.memory_space<vmem>>
      %dma_wait3A_79 = tpu.memref_squeeze %dma_wait3A_78 : memref<1x1x128xi32, #tpu.memory_space<vmem>> -> memref<128xi32, #tpu.memory_space<vmem>>
      %dma_wait3A_80 = arith.constant 0 : i32
      %dma_wait3A_81 = arith.constant 0 : i32
      %dma_wait3A_82 = tpu.memref_slice %arg2[%dma_wait3A_80, %dma_wait3A_81] : memref<10240x128xf32, #tpu.memory_space<hbm>> -> memref<10240x128xf32, #tpu.memory_space<hbm>>
      tpu.wait_indirect_dma semaphore(%arg12 : memref<!tpu.dma_semaphore, #tpu.memory_space<semaphore_mem>>) src(%dma_wait3A_82 : memref<10240x128xf32, #tpu.memory_space<hbm>>) dst(%arg9 : memref<128x128xf32, #tpu.memory_space<vmem>>)
      %run_scoped3A_83 = arith.constant 2 : i32
      "tpu.region"() ({
        %run_scoped3A_158 = tpu.sem_alloc : memref<!tpu.dma_semaphore, #tpu.memory_space<semaphore_mem>>
        %dma_start3A_159 = arith.constant 0 : i32
        %dma_start3A_160 = tpu.memref_slice %arg8[%select_n3A_40, %run_scoped3A_83, %dma_start3A_159] : memref<2x8x128xi32, #tpu.memory_space<vmem>> -> memref<1x1x128xi32, #tpu.memory_space<vmem>>
        %dma_start3A_161 = tpu.memref_squeeze %dma_start3A_160 : memref<1x1x128xi32, #tpu.memory_space<vmem>> -> memref<128xi32, #tpu.memory_space<vmem>>
        %dma_start3A_162 = arith.constant 0 : i32
        %dma_start3A_163 = arith.constant 0 : i32
        %dma_start3A_164 = tpu.memref_slice %arg11[%dma_start3A_162, %dma_start3A_163] : memref<10240x128xf32, #tpu.memory_space<vmem_shared>> -> memref<10240x128xf32, #tpu.memory_space<vmem_shared>>
        tpu.enqueue_indirect_dma source(%arg9 : memref<128x128xf32, #tpu.memory_space<vmem>>) target(%dma_start3A_164 : memref<10240x128xf32, #tpu.memory_space<vmem_shared>>) offsets(%dma_start3A_161 : memref<128xi32, #tpu.memory_space<vmem>>) semaphore(%run_scoped3A_158 : memref<!tpu.dma_semaphore, #tpu.memory_space<semaphore_mem>>) {add = true}
        %dma_wait3A_165 = arith.constant 0 : i32
        %dma_wait3A_166 = tpu.memref_slice %arg8[%select_n3A_40, %run_scoped3A_83, %dma_wait3A_165] : memref<2x8x128xi32, #tpu.memory_space<vmem>> -> memref<1x1x128xi32, #tpu.memory_space<vmem>>
        %dma_wait3A_167 = tpu.memref_squeeze %dma_wait3A_166 : memref<1x1x128xi32, #tpu.memory_space<vmem>> -> memref<128xi32, #tpu.memory_space<vmem>>
        %dma_wait3A_168 = arith.constant 0 : i32
        %dma_wait3A_169 = arith.constant 0 : i32
        %dma_wait3A_170 = tpu.memref_slice %arg11[%dma_wait3A_168, %dma_wait3A_169] : memref<10240x128xf32, #tpu.memory_space<vmem_shared>> -> memref<10240x128xf32, #tpu.memory_space<vmem_shared>>
        tpu.wait_indirect_dma semaphore(%run_scoped3A_158 : memref<!tpu.dma_semaphore, #tpu.memory_space<semaphore_mem>>) src(%arg9 : memref<128x128xf32, #tpu.memory_space<vmem>>) dst(%dma_wait3A_170 : memref<10240x128xf32, #tpu.memory_space<vmem_shared>>)
        tpu.yield
      }) : () -> ()
      %dma_start3A_84 = arith.constant 4 : i32
      %dma_start3A_85 = arith.constant 0 : i32
      %dma_start3A_86 = tpu.memref_slice %arg7[%select_n3A_40, %dma_start3A_84, %dma_start3A_85] : memref<2x8x128xi32, #tpu.memory_space<vmem>> -> memref<1x1x128xi32, #tpu.memory_space<vmem>>
      %dma_start3A_87 = tpu.memref_squeeze %dma_start3A_86 : memref<1x1x128xi32, #tpu.memory_space<vmem>> -> memref<128xi32, #tpu.memory_space<vmem>>
      %dma_start3A_88 = arith.constant 0 : i32
      %dma_start3A_89 = arith.constant 0 : i32
      %dma_start3A_90 = tpu.memref_slice %arg2[%dma_start3A_88, %dma_start3A_89] : memref<10240x128xf32, #tpu.memory_space<hbm>> -> memref<10240x128xf32, #tpu.memory_space<hbm>>
      tpu.enqueue_indirect_dma source(%dma_start3A_90 : memref<10240x128xf32, #tpu.memory_space<hbm>>) target(%arg9 : memref<128x128xf32, #tpu.memory_space<vmem>>) offsets(%dma_start3A_87 : memref<128xi32, #tpu.memory_space<vmem>>) semaphore(%arg12 : memref<!tpu.dma_semaphore, #tpu.memory_space<semaphore_mem>>)
      %dma_wait3A_91 = arith.constant 3 : i32
      %dma_wait3A_92 = arith.constant 0 : i32
      %dma_wait3A_93 = tpu.memref_slice %arg7[%select_n3A_40, %dma_wait3A_91, %dma_wait3A_92] : memref<2x8x128xi32, #tpu.memory_space<vmem>> -> memref<1x1x128xi32, #tpu.memory_space<vmem>>
      %dma_wait3A_94 = tpu.memref_squeeze %dma_wait3A_93 : memref<1x1x128xi32, #tpu.memory_space<vmem>> -> memref<128xi32, #tpu.memory_space<vmem>>
      %dma_wait3A_95 = arith.constant 0 : i32
      %dma_wait3A_96 = arith.constant 0 : i32
      %dma_wait3A_97 = tpu.memref_slice %arg2[%dma_wait3A_95, %dma_wait3A_96] : memref<10240x128xf32, #tpu.memory_space<hbm>> -> memref<10240x128xf32, #tpu.memory_space<hbm>>
      tpu.wait_indirect_dma semaphore(%arg13 : memref<!tpu.dma_semaphore, #tpu.memory_space<semaphore_mem>>) src(%dma_wait3A_97 : memref<10240x128xf32, #tpu.memory_space<hbm>>) dst(%arg10 : memref<128x128xf32, #tpu.memory_space<vmem>>)
      %run_scoped3A_98 = arith.constant 3 : i32
      "tpu.region"() ({
        %run_scoped3A_158 = tpu.sem_alloc : memref<!tpu.dma_semaphore, #tpu.memory_space<semaphore_mem>>
        %dma_start3A_159 = arith.constant 0 : i32
        %dma_start3A_160 = tpu.memref_slice %arg8[%select_n3A_40, %run_scoped3A_98, %dma_start3A_159] : memref<2x8x128xi32, #tpu.memory_space<vmem>> -> memref<1x1x128xi32, #tpu.memory_space<vmem>>
        %dma_start3A_161 = tpu.memref_squeeze %dma_start3A_160 : memref<1x1x128xi32, #tpu.memory_space<vmem>> -> memref<128xi32, #tpu.memory_space<vmem>>
        %dma_start3A_162 = arith.constant 0 : i32
        %dma_start3A_163 = arith.constant 0 : i32
        %dma_start3A_164 = tpu.memref_slice %arg11[%dma_start3A_162, %dma_start3A_163] : memref<10240x128xf32, #tpu.memory_space<vmem_shared>> -> memref<10240x128xf32, #tpu.memory_space<vmem_shared>>
        tpu.enqueue_indirect_dma source(%arg10 : memref<128x128xf32, #tpu.memory_space<vmem>>) target(%dma_start3A_164 : memref<10240x128xf32, #tpu.memory_space<vmem_shared>>) offsets(%dma_start3A_161 : memref<128xi32, #tpu.memory_space<vmem>>) semaphore(%run_scoped3A_158 : memref<!tpu.dma_semaphore, #tpu.memory_space<semaphore_mem>>) {add = true}
        %dma_wait3A_165 = arith.constant 0 : i32
        %dma_wait3A_166 = tpu.memref_slice %arg8[%select_n3A_40, %run_scoped3A_98, %dma_wait3A_165] : memref<2x8x128xi32, #tpu.memory_space<vmem>> -> memref<1x1x128xi32, #tpu.memory_space<vmem>>
        %dma_wait3A_167 = tpu.memref_squeeze %dma_wait3A_166 : memref<1x1x128xi32, #tpu.memory_space<vmem>> -> memref<128xi32, #tpu.memory_space<vmem>>
        %dma_wait3A_168 = arith.constant 0 : i32
        %dma_wait3A_169 = arith.constant 0 : i32
        %dma_wait3A_170 = tpu.memref_slice %arg11[%dma_wait3A_168, %dma_wait3A_169] : memref<10240x128xf32, #tpu.memory_space<vmem_shared>> -> memref<10240x128xf32, #tpu.memory_space<vmem_shared>>
        tpu.wait_indirect_dma semaphore(%run_scoped3A_158 : memref<!tpu.dma_semaphore, #tpu.memory_space<semaphore_mem>>) src(%arg10 : memref<128x128xf32, #tpu.memory_space<vmem>>) dst(%dma_wait3A_170 : memref<10240x128xf32, #tpu.memory_space<vmem_shared>>)
        tpu.yield
      }) : () -> ()
      %dma_start3A_99 = arith.constant 5 : i32
      %dma_start3A_100 = arith.constant 0 : i32
      %dma_start3A_101 = tpu.memref_slice %arg7[%select_n3A_40, %dma_start3A_99, %dma_start3A_100] : memref<2x8x128xi32, #tpu.memory_space<vmem>> -> memref<1x1x128xi32, #tpu.memory_space<vmem>>
      %dma_start3A_102 = tpu.memref_squeeze %dma_start3A_101 : memref<1x1x128xi32, #tpu.memory_space<vmem>> -> memref<128xi32, #tpu.memory_space<vmem>>
      %dma_start3A_103 = arith.constant 0 : i32
      %dma_start3A_104 = arith.constant 0 : i32
      %dma_start3A_105 = tpu.memref_slice %arg2[%dma_start3A_103, %dma_start3A_104] : memref<10240x128xf32, #tpu.memory_space<hbm>> -> memref<10240x128xf32, #tpu.memory_space<hbm>>
      tpu.enqueue_indirect_dma source(%dma_start3A_105 : memref<10240x128xf32, #tpu.memory_space<hbm>>) target(%arg10 : memref<128x128xf32, #tpu.memory_space<vmem>>) offsets(%dma_start3A_102 : memref<128xi32, #tpu.memory_space<vmem>>) semaphore(%arg13 : memref<!tpu.dma_semaphore, #tpu.memory_space<semaphore_mem>>)
      %dma_wait3A_106 = arith.constant 4 : i32
      %dma_wait3A_107 = arith.constant 0 : i32
      %dma_wait3A_108 = tpu.memref_slice %arg7[%select_n3A_40, %dma_wait3A_106, %dma_wait3A_107] : memref<2x8x128xi32, #tpu.memory_space<vmem>> -> memref<1x1x128xi32, #tpu.memory_space<vmem>>
      %dma_wait3A_109 = tpu.memref_squeeze %dma_wait3A_108 : memref<1x1x128xi32, #tpu.memory_space<vmem>> -> memref<128xi32, #tpu.memory_space<vmem>>
      %dma_wait3A_110 = arith.constant 0 : i32
      %dma_wait3A_111 = arith.constant 0 : i32
      %dma_wait3A_112 = tpu.memref_slice %arg2[%dma_wait3A_110, %dma_wait3A_111] : memref<10240x128xf32, #tpu.memory_space<hbm>> -> memref<10240x128xf32, #tpu.memory_space<hbm>>
      tpu.wait_indirect_dma semaphore(%arg12 : memref<!tpu.dma_semaphore, #tpu.memory_space<semaphore_mem>>) src(%dma_wait3A_112 : memref<10240x128xf32, #tpu.memory_space<hbm>>) dst(%arg9 : memref<128x128xf32, #tpu.memory_space<vmem>>)
      %run_scoped3A_113 = arith.constant 4 : i32
      "tpu.region"() ({
        %run_scoped3A_158 = tpu.sem_alloc : memref<!tpu.dma_semaphore, #tpu.memory_space<semaphore_mem>>
        %dma_start3A_159 = arith.constant 0 : i32
        %dma_start3A_160 = tpu.memref_slice %arg8[%select_n3A_40, %run_scoped3A_113, %dma_start3A_159] : memref<2x8x128xi32, #tpu.memory_space<vmem>> -> memref<1x1x128xi32, #tpu.memory_space<vmem>>
        %dma_start3A_161 = tpu.memref_squeeze %dma_start3A_160 : memref<1x1x128xi32, #tpu.memory_space<vmem>> -> memref<128xi32, #tpu.memory_space<vmem>>
        %dma_start3A_162 = arith.constant 0 : i32
        %dma_start3A_163 = arith.constant 0 : i32
        %dma_start3A_164 = tpu.memref_slice %arg11[%dma_start3A_162, %dma_start3A_163] : memref<10240x128xf32, #tpu.memory_space<vmem_shared>> -> memref<10240x128xf32, #tpu.memory_space<vmem_shared>>
        tpu.enqueue_indirect_dma source(%arg9 : memref<128x128xf32, #tpu.memory_space<vmem>>) target(%dma_start3A_164 : memref<10240x128xf32, #tpu.memory_space<vmem_shared>>) offsets(%dma_start3A_161 : memref<128xi32, #tpu.memory_space<vmem>>) semaphore(%run_scoped3A_158 : memref<!tpu.dma_semaphore, #tpu.memory_space<semaphore_mem>>) {add = true}
        %dma_wait3A_165 = arith.constant 0 : i32
        %dma_wait3A_166 = tpu.memref_slice %arg8[%select_n3A_40, %run_scoped3A_113, %dma_wait3A_165] : memref<2x8x128xi32, #tpu.memory_space<vmem>> -> memref<1x1x128xi32, #tpu.memory_space<vmem>>
        %dma_wait3A_167 = tpu.memref_squeeze %dma_wait3A_166 : memref<1x1x128xi32, #tpu.memory_space<vmem>> -> memref<128xi32, #tpu.memory_space<vmem>>
        %dma_wait3A_168 = arith.constant 0 : i32
        %dma_wait3A_169 = arith.constant 0 : i32
        %dma_wait3A_170 = tpu.memref_slice %arg11[%dma_wait3A_168, %dma_wait3A_169] : memref<10240x128xf32, #tpu.memory_space<vmem_shared>> -> memref<10240x128xf32, #tpu.memory_space<vmem_shared>>
        tpu.wait_indirect_dma semaphore(%run_scoped3A_158 : memref<!tpu.dma_semaphore, #tpu.memory_space<semaphore_mem>>) src(%arg9 : memref<128x128xf32, #tpu.memory_space<vmem>>) dst(%dma_wait3A_170 : memref<10240x128xf32, #tpu.memory_space<vmem_shared>>)
        tpu.yield
      }) : () -> ()
      %dma_start3A_114 = arith.constant 6 : i32
      %dma_start3A_115 = arith.constant 0 : i32
      %dma_start3A_116 = tpu.memref_slice %arg7[%select_n3A_40, %dma_start3A_114, %dma_start3A_115] : memref<2x8x128xi32, #tpu.memory_space<vmem>> -> memref<1x1x128xi32, #tpu.memory_space<vmem>>
      %dma_start3A_117 = tpu.memref_squeeze %dma_start3A_116 : memref<1x1x128xi32, #tpu.memory_space<vmem>> -> memref<128xi32, #tpu.memory_space<vmem>>
      %dma_start3A_118 = arith.constant 0 : i32
      %dma_start3A_119 = arith.constant 0 : i32
      %dma_start3A_120 = tpu.memref_slice %arg2[%dma_start3A_118, %dma_start3A_119] : memref<10240x128xf32, #tpu.memory_space<hbm>> -> memref<10240x128xf32, #tpu.memory_space<hbm>>
      tpu.enqueue_indirect_dma source(%dma_start3A_120 : memref<10240x128xf32, #tpu.memory_space<hbm>>) target(%arg9 : memref<128x128xf32, #tpu.memory_space<vmem>>) offsets(%dma_start3A_117 : memref<128xi32, #tpu.memory_space<vmem>>) semaphore(%arg12 : memref<!tpu.dma_semaphore, #tpu.memory_space<semaphore_mem>>)
      %dma_wait3A_121 = arith.constant 5 : i32
      %dma_wait3A_122 = arith.constant 0 : i32
      %dma_wait3A_123 = tpu.memref_slice %arg7[%select_n3A_40, %dma_wait3A_121, %dma_wait3A_122] : memref<2x8x128xi32, #tpu.memory_space<vmem>> -> memref<1x1x128xi32, #tpu.memory_space<vmem>>
      %dma_wait3A_124 = tpu.memref_squeeze %dma_wait3A_123 : memref<1x1x128xi32, #tpu.memory_space<vmem>> -> memref<128xi32, #tpu.memory_space<vmem>>
      %dma_wait3A_125 = arith.constant 0 : i32
      %dma_wait3A_126 = arith.constant 0 : i32
      %dma_wait3A_127 = tpu.memref_slice %arg2[%dma_wait3A_125, %dma_wait3A_126] : memref<10240x128xf32, #tpu.memory_space<hbm>> -> memref<10240x128xf32, #tpu.memory_space<hbm>>
      tpu.wait_indirect_dma semaphore(%arg13 : memref<!tpu.dma_semaphore, #tpu.memory_space<semaphore_mem>>) src(%dma_wait3A_127 : memref<10240x128xf32, #tpu.memory_space<hbm>>) dst(%arg10 : memref<128x128xf32, #tpu.memory_space<vmem>>)
      %run_scoped3A_128 = arith.constant 5 : i32
      "tpu.region"() ({
        %run_scoped3A_158 = tpu.sem_alloc : memref<!tpu.dma_semaphore, #tpu.memory_space<semaphore_mem>>
        %dma_start3A_159 = arith.constant 0 : i32
        %dma_start3A_160 = tpu.memref_slice %arg8[%select_n3A_40, %run_scoped3A_128, %dma_start3A_159] : memref<2x8x128xi32, #tpu.memory_space<vmem>> -> memref<1x1x128xi32, #tpu.memory_space<vmem>>
        %dma_start3A_161 = tpu.memref_squeeze %dma_start3A_160 : memref<1x1x128xi32, #tpu.memory_space<vmem>> -> memref<128xi32, #tpu.memory_space<vmem>>
        %dma_start3A_162 = arith.constant 0 : i32
        %dma_start3A_163 = arith.constant 0 : i32
        %dma_start3A_164 = tpu.memref_slice %arg11[%dma_start3A_162, %dma_start3A_163] : memref<10240x128xf32, #tpu.memory_space<vmem_shared>> -> memref<10240x128xf32, #tpu.memory_space<vmem_shared>>
        tpu.enqueue_indirect_dma source(%arg10 : memref<128x128xf32, #tpu.memory_space<vmem>>) target(%dma_start3A_164 : memref<10240x128xf32, #tpu.memory_space<vmem_shared>>) offsets(%dma_start3A_161 : memref<128xi32, #tpu.memory_space<vmem>>) semaphore(%run_scoped3A_158 : memref<!tpu.dma_semaphore, #tpu.memory_space<semaphore_mem>>) {add = true}
        %dma_wait3A_165 = arith.constant 0 : i32
        %dma_wait3A_166 = tpu.memref_slice %arg8[%select_n3A_40, %run_scoped3A_128, %dma_wait3A_165] : memref<2x8x128xi32, #tpu.memory_space<vmem>> -> memref<1x1x128xi32, #tpu.memory_space<vmem>>
        %dma_wait3A_167 = tpu.memref_squeeze %dma_wait3A_166 : memref<1x1x128xi32, #tpu.memory_space<vmem>> -> memref<128xi32, #tpu.memory_space<vmem>>
        %dma_wait3A_168 = arith.constant 0 : i32
        %dma_wait3A_169 = arith.constant 0 : i32
        %dma_wait3A_170 = tpu.memref_slice %arg11[%dma_wait3A_168, %dma_wait3A_169] : memref<10240x128xf32, #tpu.memory_space<vmem_shared>> -> memref<10240x128xf32, #tpu.memory_space<vmem_shared>>
        tpu.wait_indirect_dma semaphore(%run_scoped3A_158 : memref<!tpu.dma_semaphore, #tpu.memory_space<semaphore_mem>>) src(%arg10 : memref<128x128xf32, #tpu.memory_space<vmem>>) dst(%dma_wait3A_170 : memref<10240x128xf32, #tpu.memory_space<vmem_shared>>)
        tpu.yield
      }) : () -> ()
      %dma_start3A_129 = arith.constant 7 : i32
      %dma_start3A_130 = arith.constant 0 : i32
      %dma_start3A_131 = tpu.memref_slice %arg7[%select_n3A_40, %dma_start3A_129, %dma_start3A_130] : memref<2x8x128xi32, #tpu.memory_space<vmem>> -> memref<1x1x128xi32, #tpu.memory_space<vmem>>
      %dma_start3A_132 = tpu.memref_squeeze %dma_start3A_131 : memref<1x1x128xi32, #tpu.memory_space<vmem>> -> memref<128xi32, #tpu.memory_space<vmem>>
      %dma_start3A_133 = arith.constant 0 : i32
      %dma_start3A_134 = arith.constant 0 : i32
      %dma_start3A_135 = tpu.memref_slice %arg2[%dma_start3A_133, %dma_start3A_134] : memref<10240x128xf32, #tpu.memory_space<hbm>> -> memref<10240x128xf32, #tpu.memory_space<hbm>>
      tpu.enqueue_indirect_dma source(%dma_start3A_135 : memref<10240x128xf32, #tpu.memory_space<hbm>>) target(%arg10 : memref<128x128xf32, #tpu.memory_space<vmem>>) offsets(%dma_start3A_132 : memref<128xi32, #tpu.memory_space<vmem>>) semaphore(%arg13 : memref<!tpu.dma_semaphore, #tpu.memory_space<semaphore_mem>>)
      %dma_wait3A_136 = arith.constant 6 : i32
      %dma_wait3A_137 = arith.constant 0 : i32
      %dma_wait3A_138 = tpu.memref_slice %arg7[%select_n3A_40, %dma_wait3A_136, %dma_wait3A_137] : memref<2x8x128xi32, #tpu.memory_space<vmem>> -> memref<1x1x128xi32, #tpu.memory_space<vmem>>
      %dma_wait3A_139 = tpu.memref_squeeze %dma_wait3A_138 : memref<1x1x128xi32, #tpu.memory_space<vmem>> -> memref<128xi32, #tpu.memory_space<vmem>>
      %dma_wait3A_140 = arith.constant 0 : i32
      %dma_wait3A_141 = arith.constant 0 : i32
      %dma_wait3A_142 = tpu.memref_slice %arg2[%dma_wait3A_140, %dma_wait3A_141] : memref<10240x128xf32, #tpu.memory_space<hbm>> -> memref<10240x128xf32, #tpu.memory_space<hbm>>
      tpu.wait_indirect_dma semaphore(%arg12 : memref<!tpu.dma_semaphore, #tpu.memory_space<semaphore_mem>>) src(%dma_wait3A_142 : memref<10240x128xf32, #tpu.memory_space<hbm>>) dst(%arg9 : memref<128x128xf32, #tpu.memory_space<vmem>>)
      %run_scoped3A_143 = arith.constant 6 : i32
      "tpu.region"() ({
        %run_scoped3A_158 = tpu.sem_alloc : memref<!tpu.dma_semaphore, #tpu.memory_space<semaphore_mem>>
        %dma_start3A_159 = arith.constant 0 : i32
        %dma_start3A_160 = tpu.memref_slice %arg8[%select_n3A_40, %run_scoped3A_143, %dma_start3A_159] : memref<2x8x128xi32, #tpu.memory_space<vmem>> -> memref<1x1x128xi32, #tpu.memory_space<vmem>>
        %dma_start3A_161 = tpu.memref_squeeze %dma_start3A_160 : memref<1x1x128xi32, #tpu.memory_space<vmem>> -> memref<128xi32, #tpu.memory_space<vmem>>
        %dma_start3A_162 = arith.constant 0 : i32
        %dma_start3A_163 = arith.constant 0 : i32
        %dma_start3A_164 = tpu.memref_slice %arg11[%dma_start3A_162, %dma_start3A_163] : memref<10240x128xf32, #tpu.memory_space<vmem_shared>> -> memref<10240x128xf32, #tpu.memory_space<vmem_shared>>
        tpu.enqueue_indirect_dma source(%arg9 : memref<128x128xf32, #tpu.memory_space<vmem>>) target(%dma_start3A_164 : memref<10240x128xf32, #tpu.memory_space<vmem_shared>>) offsets(%dma_start3A_161 : memref<128xi32, #tpu.memory_space<vmem>>) semaphore(%run_scoped3A_158 : memref<!tpu.dma_semaphore, #tpu.memory_space<semaphore_mem>>) {add = true}
        %dma_wait3A_165 = arith.constant 0 : i32
        %dma_wait3A_166 = tpu.memref_slice %arg8[%select_n3A_40, %run_scoped3A_143, %dma_wait3A_165] : memref<2x8x128xi32, #tpu.memory_space<vmem>> -> memref<1x1x128xi32, #tpu.memory_space<vmem>>
        %dma_wait3A_167 = tpu.memref_squeeze %dma_wait3A_166 : memref<1x1x128xi32, #tpu.memory_space<vmem>> -> memref<128xi32, #tpu.memory_space<vmem>>
        %dma_wait3A_168 = arith.constant 0 : i32
        %dma_wait3A_169 = arith.constant 0 : i32
        %dma_wait3A_170 = tpu.memref_slice %arg11[%dma_wait3A_168, %dma_wait3A_169] : memref<10240x128xf32, #tpu.memory_space<vmem_shared>> -> memref<10240x128xf32, #tpu.memory_space<vmem_shared>>
        tpu.wait_indirect_dma semaphore(%run_scoped3A_158 : memref<!tpu.dma_semaphore, #tpu.memory_space<semaphore_mem>>) src(%arg9 : memref<128x128xf32, #tpu.memory_space<vmem>>) dst(%dma_wait3A_170 : memref<10240x128xf32, #tpu.memory_space<vmem_shared>>)
        tpu.yield
      }) : () -> ()
      %convert_element_type3A_144 = arith.extui %lt3A_45 : i1 to i32
      %cond3A_145 = arith.constant 0 : i32
      %cond3A_146 = arith.cmpi ne, %convert_element_type3A_144, %cond3A_145 : i32
      scf.if %cond3A_146 {
        %dma_wait3A_158 = arith.constant 0 : i32
        %dma_wait3A_159 = arith.constant 0 : i32
        %dma_wait3A_160 = tpu.memref_slice %arg7[%sub3A_41, %dma_wait3A_158, %dma_wait3A_159] : memref<2x8x128xi32, #tpu.memory_space<vmem>> -> memref<1x8x128xi32, #tpu.memory_space<vmem>>
        %dma_wait3A_161 = tpu.memref_squeeze %dma_wait3A_160 : memref<1x8x128xi32, #tpu.memory_space<vmem>> -> memref<8x128xi32, #tpu.memory_space<vmem>>
        %dma_wait3A_162 = arith.constant 0 : i32
        %dma_wait3A_163 = arith.constant 0 : i32
        %dma_wait3A_164 = tpu.memref_slice %arg3[%add3A, %dma_wait3A_162, %dma_wait3A_163] : memref<32x80x128xi32, #tpu.memory_space<hbm>> -> memref<1x8x128xi32, #tpu.memory_space<hbm>>
        %dma_wait3A_165 = tpu.memref_squeeze %dma_wait3A_164 : memref<1x8x128xi32, #tpu.memory_space<hbm>> -> memref<8x128xi32, #tpu.memory_space<hbm>>
        %dma_wait3A_166 = arith.constant 0 : i32
        %dma_wait3A_167 = arith.constant 0 : i32
        %dma_wait3A_168 = tpu.memref_slice %arg7[%sub3A_41, %dma_wait3A_166, %dma_wait3A_167] : memref<2x8x128xi32, #tpu.memory_space<vmem>> -> memref<1x8x128xi32, #tpu.memory_space<vmem>>
        %dma_wait3A_169 = tpu.memref_squeeze %dma_wait3A_168 : memref<1x8x128xi32, #tpu.memory_space<vmem>> -> memref<8x128xi32, #tpu.memory_space<vmem>>
        %dma_wait3A_170 = arith.constant 0 : i32
        %dma_wait3A_171 = arith.constant 0 : i32
        %dma_wait3A_172 = tpu.memref_slice %arg3[%add3A, %dma_wait3A_170, %dma_wait3A_171] : memref<32x80x128xi32, #tpu.memory_space<hbm>> -> memref<1x8x128xi32, #tpu.memory_space<hbm>>
        %dma_wait3A_173 = tpu.memref_squeeze %dma_wait3A_172 : memref<1x8x128xi32, #tpu.memory_space<hbm>> -> memref<8x128xi32, #tpu.memory_space<hbm>>
        tpu.wait_dma2 semaphore(%arg14 : memref<!tpu.dma_semaphore, #tpu.memory_space<semaphore_mem>>) src(%dma_wait3A_173 : memref<8x128xi32, #tpu.memory_space<hbm>>) dst(%dma_wait3A_169 : memref<8x128xi32, #tpu.memory_space<vmem>>)
        %dma_wait3A_174 = arith.constant 0 : i32
        %dma_wait3A_175 = arith.constant 0 : i32
        %dma_wait3A_176 = tpu.memref_slice %arg8[%sub3A_41, %dma_wait3A_174, %dma_wait3A_175] : memref<2x8x128xi32, #tpu.memory_space<vmem>> -> memref<1x8x128xi32, #tpu.memory_space<vmem>>
        %dma_wait3A_177 = tpu.memref_squeeze %dma_wait3A_176 : memref<1x8x128xi32, #tpu.memory_space<vmem>> -> memref<8x128xi32, #tpu.memory_space<vmem>>
        %dma_wait3A_178 = arith.constant 0 : i32
        %dma_wait3A_179 = arith.constant 0 : i32
        %dma_wait3A_180 = tpu.memref_slice %arg4[%add3A, %dma_wait3A_178, %dma_wait3A_179] : memref<32x80x128xi32, #tpu.memory_space<hbm>> -> memref<1x8x128xi32, #tpu.memory_space<hbm>>
        %dma_wait3A_181 = tpu.memref_squeeze %dma_wait3A_180 : memref<1x8x128xi32, #tpu.memory_space<hbm>> -> memref<8x128xi32, #tpu.memory_space<hbm>>
        %dma_wait3A_182 = arith.constant 0 : i32
        %dma_wait3A_183 = arith.constant 0 : i32
        %dma_wait3A_184 = tpu.memref_slice %arg8[%sub3A_41, %dma_wait3A_182, %dma_wait3A_183] : memref<2x8x128xi32, #tpu.memory_space<vmem>> -> memref<1x8x128xi32, #tpu.memory_space<vmem>>
        %dma_wait3A_185 = tpu.memref_squeeze %dma_wait3A_184 : memref<1x8x128xi32, #tpu.memory_space<vmem>> -> memref<8x128xi32, #tpu.memory_space<vmem>>
        %dma_wait3A_186 = arith.constant 0 : i32
        %dma_wait3A_187 = arith.constant 0 : i32
        %dma_wait3A_188 = tpu.memref_slice %arg4[%add3A, %dma_wait3A_186, %dma_wait3A_187] : memref<32x80x128xi32, #tpu.memory_space<hbm>> -> memref<1x8x128xi32, #tpu.memory_space<hbm>>
        %dma_wait3A_189 = tpu.memref_squeeze %dma_wait3A_188 : memref<1x8x128xi32, #tpu.memory_space<hbm>> -> memref<8x128xi32, #tpu.memory_space<hbm>>
        tpu.wait_dma2 semaphore(%arg14 : memref<!tpu.dma_semaphore, #tpu.memory_space<semaphore_mem>>) src(%dma_wait3A_189 : memref<8x128xi32, #tpu.memory_space<hbm>>) dst(%dma_wait3A_185 : memref<8x128xi32, #tpu.memory_space<vmem>>)
        %dma_start3A_190 = arith.constant 0 : i32
        %dma_start3A_191 = arith.constant 0 : i32
        %dma_start3A_192 = tpu.memref_slice %arg7[%sub3A_41, %dma_start3A_190, %dma_start3A_191] : memref<2x8x128xi32, #tpu.memory_space<vmem>> -> memref<1x1x128xi32, #tpu.memory_space<vmem>>
        %dma_start3A_193 = tpu.memref_squeeze %dma_start3A_192 : memref<1x1x128xi32, #tpu.memory_space<vmem>> -> memref<128xi32, #tpu.memory_space<vmem>>
        %dma_start3A_194 = arith.constant 0 : i32
        %dma_start3A_195 = arith.constant 0 : i32
        %dma_start3A_196 = tpu.memref_slice %arg2[%dma_start3A_194, %dma_start3A_195] : memref<10240x128xf32, #tpu.memory_space<hbm>> -> memref<10240x128xf32, #tpu.memory_space<hbm>>
        tpu.enqueue_indirect_dma source(%dma_start3A_196 : memref<10240x128xf32, #tpu.memory_space<hbm>>) target(%arg9 : memref<128x128xf32, #tpu.memory_space<vmem>>) offsets(%dma_start3A_193 : memref<128xi32, #tpu.memory_space<vmem>>) semaphore(%arg12 : memref<!tpu.dma_semaphore, #tpu.memory_space<semaphore_mem>>)
      } else {
      }
      %dma_wait3A_147 = arith.constant 7 : i32
      %dma_wait3A_148 = arith.constant 0 : i32
      %dma_wait3A_149 = tpu.memref_slice %arg7[%select_n3A_40, %dma_wait3A_147, %dma_wait3A_148] : memref<2x8x128xi32, #tpu.memory_space<vmem>> -> memref<1x1x128xi32, #tpu.memory_space<vmem>>
      %dma_wait3A_150 = tpu.memref_squeeze %dma_wait3A_149 : memref<1x1x128xi32, #tpu.memory_space<vmem>> -> memref<128xi32, #tpu.memory_space<vmem>>
      %dma_wait3A_151 = arith.constant 0 : i32
      %dma_wait3A_152 = arith.constant 0 : i32
      %dma_wait3A_153 = tpu.memref_slice %arg2[%dma_wait3A_151, %dma_wait3A_152] : memref<10240x128xf32, #tpu.memory_space<hbm>> -> memref<10240x128xf32, #tpu.memory_space<hbm>>
      tpu.wait_indirect_dma semaphore(%arg13 : memref<!tpu.dma_semaphore, #tpu.memory_space<semaphore_mem>>) src(%dma_wait3A_153 : memref<10240x128xf32, #tpu.memory_space<hbm>>) dst(%arg10 : memref<128x128xf32, #tpu.memory_space<vmem>>)
      %run_scoped3A_154 = arith.constant 7 : i32
      "tpu.region"() ({
        %run_scoped3A_158 = tpu.sem_alloc : memref<!tpu.dma_semaphore, #tpu.memory_space<semaphore_mem>>
        %dma_start3A_159 = arith.constant 0 : i32
        %dma_start3A_160 = tpu.memref_slice %arg8[%select_n3A_40, %run_scoped3A_154, %dma_start3A_159] : memref<2x8x128xi32, #tpu.memory_space<vmem>> -> memref<1x1x128xi32, #tpu.memory_space<vmem>>
        %dma_start3A_161 = tpu.memref_squeeze %dma_start3A_160 : memref<1x1x128xi32, #tpu.memory_space<vmem>> -> memref<128xi32, #tpu.memory_space<vmem>>
        %dma_start3A_162 = arith.constant 0 : i32
        %dma_start3A_163 = arith.constant 0 : i32
        %dma_start3A_164 = tpu.memref_slice %arg11[%dma_start3A_162, %dma_start3A_163] : memref<10240x128xf32, #tpu.memory_space<vmem_shared>> -> memref<10240x128xf32, #tpu.memory_space<vmem_shared>>
        tpu.enqueue_indirect_dma source(%arg10 : memref<128x128xf32, #tpu.memory_space<vmem>>) target(%dma_start3A_164 : memref<10240x128xf32, #tpu.memory_space<vmem_shared>>) offsets(%dma_start3A_161 : memref<128xi32, #tpu.memory_space<vmem>>) semaphore(%run_scoped3A_158 : memref<!tpu.dma_semaphore, #tpu.memory_space<semaphore_mem>>) {add = true}
        %dma_wait3A_165 = arith.constant 0 : i32
        %dma_wait3A_166 = tpu.memref_slice %arg8[%select_n3A_40, %run_scoped3A_154, %dma_wait3A_165] : memref<2x8x128xi32, #tpu.memory_space<vmem>> -> memref<1x1x128xi32, #tpu.memory_space<vmem>>
        %dma_wait3A_167 = tpu.memref_squeeze %dma_wait3A_166 : memref<1x1x128xi32, #tpu.memory_space<vmem>> -> memref<128xi32, #tpu.memory_space<vmem>>
        %dma_wait3A_168 = arith.constant 0 : i32
        %dma_wait3A_169 = arith.constant 0 : i32
        %dma_wait3A_170 = tpu.memref_slice %arg11[%dma_wait3A_168, %dma_wait3A_169] : memref<10240x128xf32, #tpu.memory_space<vmem_shared>> -> memref<10240x128xf32, #tpu.memory_space<vmem_shared>>
        tpu.wait_indirect_dma semaphore(%run_scoped3A_158 : memref<!tpu.dma_semaphore, #tpu.memory_space<semaphore_mem>>) src(%arg10 : memref<128x128xf32, #tpu.memory_space<vmem>>) dst(%dma_wait3A_170 : memref<10240x128xf32, #tpu.memory_space<vmem_shared>>)
        tpu.yield
      }) : () -> ()
      %convert_element_type3A_155 = arith.extui %lt3A_45 : i1 to i32
      %cond3A_156 = arith.constant 0 : i32
      %cond3A_157 = arith.cmpi ne, %convert_element_type3A_155, %cond3A_156 : i32
      scf.if %cond3A_157 {
        %dma_start3A_158 = arith.constant 1 : i32
        %dma_start3A_159 = arith.constant 0 : i32
        %dma_start3A_160 = tpu.memref_slice %arg7[%sub3A_41, %dma_start3A_158, %dma_start3A_159] : memref<2x8x128xi32, #tpu.memory_space<vmem>> -> memref<1x1x128xi32, #tpu.memory_space<vmem>>
        %dma_start3A_161 = tpu.memref_squeeze %dma_start3A_160 : memref<1x1x128xi32, #tpu.memory_space<vmem>> -> memref<128xi32, #tpu.memory_space<vmem>>
        %dma_start3A_162 = arith.constant 0 : i32
        %dma_start3A_163 = arith.constant 0 : i32
        %dma_start3A_164 = tpu.memref_slice %arg2[%dma_start3A_162, %dma_start3A_163] : memref<10240x128xf32, #tpu.memory_space<hbm>> -> memref<10240x128xf32, #tpu.memory_space<hbm>>
        tpu.enqueue_indirect_dma source(%dma_start3A_164 : memref<10240x128xf32, #tpu.memory_space<hbm>>) target(%arg10 : memref<128x128xf32, #tpu.memory_space<vmem>>) offsets(%dma_start3A_161 : memref<128xi32, #tpu.memory_space<vmem>>) semaphore(%arg13 : memref<!tpu.dma_semaphore, #tpu.memory_space<semaphore_mem>>)
      } else {
      }
    }
    %scan3A_25 = arith.constant 10 : i32
    %barrier3A_26 = arith.constant 0 : index
    tpu.barrier barrier_id(%barrier3A_26)
    %mul3A_27 = arith.constant 640 : i32
    %mul3A_28 = arith.muli %arg1, %mul3A_27 : i32
    %mul3A_29 = arith.constant 640 : i32
    %mul3A_30 = arith.muli %arg1, %mul3A_29 : i32
    "tpu.region"() ({
      %run_scoped3A_31 = tpu.sem_alloc : memref<!tpu.dma_semaphore, #tpu.memory_space<semaphore_mem>>
      %dma_start3A_32 = arith.constant 0 : i32
      %dma_start3A_33 = tpu.memref_slice %arg6[%arg0, %mul3A_30, %dma_start3A_32] : memref<2x10240x128xf32, #tpu.memory_space<hbm>> -> memref<1x640x128xf32, #tpu.memory_space<hbm>>
      %dma_start3A_34 = tpu.memref_squeeze %dma_start3A_33 : memref<1x640x128xf32, #tpu.memory_space<hbm>> -> memref<640x128xf32, #tpu.memory_space<hbm>>
      %dma_start3A_35 = arith.constant 0 : i32
      %dma_start3A_36 = tpu.memref_slice %arg11[%mul3A_28, %dma_start3A_35] : memref<10240x128xf32, #tpu.memory_space<vmem_shared>> -> memref<640x128xf32, #tpu.memory_space<vmem_shared>>
      tpu.enqueue_dma source(%dma_start3A_36 : memref<640x128xf32, #tpu.memory_space<vmem_shared>>) target(%dma_start3A_34 : memref<640x128xf32, #tpu.memory_space<hbm>>) target_semaphore(%run_scoped3A_31 : memref<!tpu.dma_semaphore, #tpu.memory_space<semaphore_mem>>)
      %dma_wait3A = arith.constant 0 : i32
      %dma_wait3A_37 = tpu.memref_slice %arg6[%arg0, %mul3A_30, %dma_wait3A] : memref<2x10240x128xf32, #tpu.memory_space<hbm>> -> memref<1x640x128xf32, #tpu.memory_space<hbm>>
      %dma_wait3A_38 = tpu.memref_squeeze %dma_wait3A_37 : memref<1x640x128xf32, #tpu.memory_space<hbm>> -> memref<640x128xf32, #tpu.memory_space<hbm>>
      %dma_wait3A_39 = arith.constant 0 : i32
      %dma_wait3A_40 = tpu.memref_slice %arg11[%mul3A_28, %dma_wait3A_39] : memref<10240x128xf32, #tpu.memory_space<vmem_shared>> -> memref<640x128xf32, #tpu.memory_space<vmem_shared>>
      tpu.wait_dma2 semaphore(%run_scoped3A_31 : memref<!tpu.dma_semaphore, #tpu.memory_space<semaphore_mem>>) src(%dma_wait3A_40 : memref<640x128xf32, #tpu.memory_space<vmem_shared>>) dst(%dma_wait3A_38 : memref<640x128xf32, #tpu.memory_space<hbm>>)
      tpu.yield
    }) : () -> ()
    return
  }
}

module attributes {stable_mosaic.version = 14 : i64} {
  func.func @body(%arg0: i32, %arg1: memref<1024x128xf32, #tpu.memory_space<vmem>>, %arg2: memref<128x128xf32, #tpu.memory_space<vmem>>, %arg3: memref<2x1024x128xf32, #tpu.memory_space<vmem>>, %arg4: memref<1024x128xf32, #tpu.memory_space<vmem>>, %arg5: memref<1024x1xf32, #tpu.memory_space<vmem>>) attributes {dimension_semantics = [#tpu.dimension_semantics<arbitrary>], iteration_bounds = array<i64: 10>, scalar_prefetch = 0 : i64, scratch_operands = 0 : i64, tpu.core_type = #tpu.core_type<tc>, window_params = [{transform_indices = @transform_0, window_bounds = array<i64: 1024, 128>}, {pipeline_mode = #tpu.pipeline_mode<synchronous>, transform_indices = @transform_1, window_bounds = array<i64: 128, 128>}, {transform_indices = @transform_2, window_bounds = array<i64: 2, 1024, 128>}, {transform_indices = @transform_3, window_bounds = array<i64: 1024, 128>}, {transform_indices = @transform_4, window_bounds = array<i64: 1024, 1>}]} {
    %get3A = arith.constant 0 : index
    %get3A_0 = arith.constant 0 : index
    %get3A_1 = arith.constant 0 : index
    %get3A_2 = vector.load %arg3[%get3A, %get3A_0, %get3A_1] : memref<2x1024x128xf32, #tpu.memory_space<vmem>>, vector<1x1024x1xf32>
    %get3A_3 = vector.shape_cast %get3A_2 : vector<1x1024x1xf32> to vector<1024x1xf32>
    %get3A_4 = arith.constant 1 : index
    %get3A_5 = arith.constant 0 : index
    %get3A_6 = arith.constant 0 : index
    %get3A_7 = vector.load %arg3[%get3A_4, %get3A_5, %get3A_6] : memref<2x1024x128xf32, #tpu.memory_space<vmem>>, vector<1x1024x1xf32>
    %get3A_8 = vector.shape_cast %get3A_7 : vector<1x1024x1xf32> to vector<1024x1xf32>
    %add3A = arith.addf %get3A_3, %get3A_8 : vector<1024x1xf32>
    %add3A_9 = arith.constant 1.000000e+00 : f32
    %add3A_10 = vector.broadcast %add3A_9 : f32 to vector<1024x1xf32>
    %add3A_11 = arith.addf %add3A, %add3A_10 : vector<1024x1xf32>
    %rsqrt3A = math.rsqrt %add3A_11 : vector<1024x1xf32>
    %get3A_12 = arith.constant 0 : index
    %get3A_13 = arith.constant 0 : index
    %get3A_14 = vector.load %arg1[%get3A_12, %get3A_13] : memref<1024x128xf32, #tpu.memory_space<vmem>>, vector<1024x128xf32>
    %get3A_15 = arith.constant 0 : index
    %get3A_16 = arith.constant 0 : index
    %get3A_17 = vector.load %arg2[%get3A_15, %get3A_16] : memref<128x128xf32, #tpu.memory_space<vmem>>, vector<128x128xf32>
    %dot_general3A = arith.constant dense<0.000000e+00> : vector<1024x128xf32>
    %dot_general3A_18 = tpu.matmul %get3A_14, %get3A_17, %dot_general3A {dimension_numbers = #tpu.dot_dimension_numbers<[1], [0], [0], [1], [0, 0, 1, 1], [], []>, transpose_lhs_hint = false} : vector<1024x128xf32>, vector<128x128xf32>, vector<1024x128xf32> -> vector<1024x128xf32>
    %mul3A = vector.broadcast %rsqrt3A : vector<1024x1xf32> to vector<1024x128xf32>
    %mul3A_19 = arith.mulf %dot_general3A_18, %mul3A : vector<1024x128xf32>
    %swap3A = arith.constant 0 : index
    %swap3A_20 = arith.constant 0 : index
    %swap3A_21 = vector.load %arg4[%swap3A, %swap3A_20] : memref<1024x128xf32, #tpu.memory_space<vmem>>, vector<1024x128xf32>
    tpu.vector_store %arg4[%swap3A, %swap3A_20], %mul3A_19 {strides = array<i32>} : memref<1024x128xf32, #tpu.memory_space<vmem>>, vector<1024x128xf32>,
    %swap3A_22 = arith.constant 0 : index
    %swap3A_23 = arith.constant 0 : index
    %swap3A_24 = vector.load %arg5[%swap3A_22, %swap3A_23] : memref<1024x1xf32, #tpu.memory_space<vmem>>, vector<1024x1xf32>
    tpu.vector_store %arg5[%swap3A_22, %swap3A_23], %rsqrt3A {strides = array<i32>} : memref<1024x1xf32, #tpu.memory_space<vmem>>, vector<1024x1xf32>,
    return
  }
  func.func @transform_0(%arg0: i32) -> (i32, i32) {
    %c0_i32 = arith.constant 0 : i32
    %c0_i32_0 = arith.constant 0 : i32
    return %arg0, %c0_i32 : i32, i32
  }
  func.func @transform_1(%arg0: i32) -> (i32, i32) {
    %c0_i32 = arith.constant 0 : i32
    %c0_i32_0 = arith.constant 0 : i32
    %c0_i32_1 = arith.constant 0 : i32
    return %c0_i32, %c0_i32_0 : i32, i32
  }
  func.func @transform_2(%arg0: i32) -> (i32, i32, i32) {
    %c0_i32 = arith.constant 0 : i32
    %c0_i32_0 = arith.constant 0 : i32
    %c0_i32_1 = arith.constant 0 : i32
    return %c0_i32, %arg0, %c0_i32_0 : i32, i32, i32
  }
  func.func @transform_3(%arg0: i32) -> (i32, i32) {
    %c0_i32 = arith.constant 0 : i32
    %c0_i32_0 = arith.constant 0 : i32
    return %arg0, %c0_i32 : i32, i32
  }
  func.func @transform_4(%arg0: i32) -> (i32, i32) {
    %c0_i32 = arith.constant 0 : i32
    %c0_i32_0 = arith.constant 0 : i32
    return %arg0, %c0_i32 : i32, i32
  }
}

module attributes {stable_mosaic.version = 14 : i64} {
  func.func @body(%arg0: i32, %arg1: memref<2x1024x128xf32, #tpu.memory_space<vmem>>, %arg2: memref<1024x128xf32, #tpu.memory_space<vmem>>, %arg3: memref<1024x1xf32, #tpu.memory_space<vmem>>, %arg4: memref<1x128xf32, #tpu.memory_space<vmem>>, %arg5: memref<1024x128xf32, #tpu.memory_space<vmem>>) attributes {dimension_semantics = [#tpu.dimension_semantics<arbitrary>], iteration_bounds = array<i64: 10>, scalar_prefetch = 0 : i64, scratch_operands = 0 : i64, tpu.core_type = #tpu.core_type<tc>, window_params = [{transform_indices = @transform_0, window_bounds = array<i64: 2, 1024, 128>}, {transform_indices = @transform_1, window_bounds = array<i64: 1024, 128>}, {transform_indices = @transform_2, window_bounds = array<i64: 1024, 1>}, {pipeline_mode = #tpu.pipeline_mode<synchronous>, transform_indices = @transform_3, window_bounds = array<i64: 1, 128>}, {transform_indices = @transform_4, window_bounds = array<i64: 1024, 128>}]} {
    %get3A = arith.constant 0 : index
    %get3A_0 = arith.constant 0 : index
    %get3A_1 = arith.constant 0 : index
    %get3A_2 = vector.load %arg1[%get3A, %get3A_0, %get3A_1] : memref<2x1024x128xf32, #tpu.memory_space<vmem>>, vector<1x1024x128xf32>
    %get3A_3 = vector.shape_cast %get3A_2 : vector<1x1024x128xf32> to vector<1024x128xf32>
    %get3A_4 = arith.constant 1 : index
    %get3A_5 = arith.constant 0 : index
    %get3A_6 = arith.constant 0 : index
    %get3A_7 = vector.load %arg1[%get3A_4, %get3A_5, %get3A_6] : memref<2x1024x128xf32, #tpu.memory_space<vmem>>, vector<1x1024x128xf32>
    %get3A_8 = vector.shape_cast %get3A_7 : vector<1x1024x128xf32> to vector<1024x128xf32>
    %add3A = arith.addf %get3A_3, %get3A_8 : vector<1024x128xf32>
    %get3A_9 = arith.constant 0 : index
    %get3A_10 = arith.constant 0 : index
    %get3A_11 = vector.load %arg2[%get3A_9, %get3A_10] : memref<1024x128xf32, #tpu.memory_space<vmem>>, vector<1024x128xf32>
    %add3A_12 = arith.addf %add3A, %get3A_11 : vector<1024x128xf32>
    %get3A_13 = arith.constant 0 : index
    %get3A_14 = arith.constant 0 : index
    %get3A_15 = vector.load %arg3[%get3A_13, %get3A_14] : memref<1024x1xf32, #tpu.memory_space<vmem>>, vector<1024x1xf32>
    %mul3A = vector.broadcast %get3A_15 : vector<1024x1xf32> to vector<1024x128xf32>
    %mul3A_16 = arith.mulf %add3A_12, %mul3A : vector<1024x128xf32>
    %get3A_17 = arith.constant 0 : index
    %get3A_18 = arith.constant 0 : index
    %get3A_19 = vector.load %arg4[%get3A_17, %get3A_18] : memref<1x128xf32, #tpu.memory_space<vmem>>, vector<1x128xf32>
    %add3A_20 = vector.broadcast %get3A_19 : vector<1x128xf32> to vector<1024x128xf32>
    %add3A_21 = arith.addf %mul3A_16, %add3A_20 : vector<1024x128xf32>
    %swap3A = arith.constant 0 : index
    %swap3A_22 = arith.constant 0 : index
    %swap3A_23 = vector.load %arg5[%swap3A, %swap3A_22] : memref<1024x128xf32, #tpu.memory_space<vmem>>, vector<1024x128xf32>
    tpu.vector_store %arg5[%swap3A, %swap3A_22], %add3A_21 {strides = array<i32>} : memref<1024x128xf32, #tpu.memory_space<vmem>>, vector<1024x128xf32>,
    return
  }
  func.func @transform_0(%arg0: i32) -> (i32, i32, i32) {
    %c0_i32 = arith.constant 0 : i32
    %c0_i32_0 = arith.constant 0 : i32
    %c0_i32_1 = arith.constant 0 : i32
    return %c0_i32, %arg0, %c0_i32_0 : i32, i32, i32
  }
  func.func @transform_1(%arg0: i32) -> (i32, i32) {
    %c0_i32 = arith.constant 0 : i32
    %c0_i32_0 = arith.constant 0 : i32
    return %arg0, %c0_i32 : i32, i32
  }
  func.func @transform_2(%arg0: i32) -> (i32, i32) {
    %c0_i32 = arith.constant 0 : i32
    %c0_i32_0 = arith.constant 0 : i32
    return %arg0, %c0_i32 : i32, i32
  }
  func.func @transform_3(%arg0: i32) -> (i32, i32) {
    %c0_i32 = arith.constant 0 : i32
    %c0_i32_0 = arith.constant 0 : i32
    %c0_i32_1 = arith.constant 0 : i32
    return %c0_i32, %c0_i32_0 : i32, i32
  }
  func.func @transform_4(%arg0: i32) -> (i32, i32) {
    %c0_i32 = arith.constant 0 : i32
    %c0_i32_0 = arith.constant 0 : i32
    return %arg0, %c0_i32 : i32, i32
  }
}

module attributes {stable_mosaic.version = 14 : i64} {
  func.func @body(%arg0: i32, %arg1: memref<2x1024x128xf32, #tpu.memory_space<vmem>>, %arg2: memref<1024x128xf32, #tpu.memory_space<vmem>>, %arg3: memref<1024x1xf32, #tpu.memory_space<vmem>>, %arg4: memref<1x128xf32, #tpu.memory_space<vmem>>, %arg5: memref<128x128xf32, #tpu.memory_space<vmem>>, %arg6: memref<1024x128xf32, #tpu.memory_space<vmem>>) attributes {dimension_semantics = [#tpu.dimension_semantics<arbitrary>], iteration_bounds = array<i64: 10>, scalar_prefetch = 0 : i64, scratch_operands = 0 : i64, tpu.core_type = #tpu.core_type<tc>, window_params = [{transform_indices = @transform_0, window_bounds = array<i64: 2, 1024, 128>}, {transform_indices = @transform_1, window_bounds = array<i64: 1024, 128>}, {transform_indices = @transform_2, window_bounds = array<i64: 1024, 1>}, {pipeline_mode = #tpu.pipeline_mode<synchronous>, transform_indices = @transform_3, window_bounds = array<i64: 1, 128>}, {pipeline_mode = #tpu.pipeline_mode<synchronous>, transform_indices = @transform_4, window_bounds = array<i64: 128, 128>}, {transform_indices = @transform_5, window_bounds = array<i64: 1024, 128>}]} {
    %get3A = arith.constant 0 : index
    %get3A_0 = arith.constant 0 : index
    %get3A_1 = arith.constant 0 : index
    %get3A_2 = vector.load %arg1[%get3A, %get3A_0, %get3A_1] : memref<2x1024x128xf32, #tpu.memory_space<vmem>>, vector<1x1024x128xf32>
    %get3A_3 = vector.shape_cast %get3A_2 : vector<1x1024x128xf32> to vector<1024x128xf32>
    %get3A_4 = arith.constant 1 : index
    %get3A_5 = arith.constant 0 : index
    %get3A_6 = arith.constant 0 : index
    %get3A_7 = vector.load %arg1[%get3A_4, %get3A_5, %get3A_6] : memref<2x1024x128xf32, #tpu.memory_space<vmem>>, vector<1x1024x128xf32>
    %get3A_8 = vector.shape_cast %get3A_7 : vector<1x1024x128xf32> to vector<1024x128xf32>
    %add3A = arith.addf %get3A_3, %get3A_8 : vector<1024x128xf32>
    %get3A_9 = arith.constant 0 : index
    %get3A_10 = arith.constant 0 : index
    %get3A_11 = vector.load %arg2[%get3A_9, %get3A_10] : memref<1024x128xf32, #tpu.memory_space<vmem>>, vector<1024x128xf32>
    %add3A_12 = arith.addf %add3A, %get3A_11 : vector<1024x128xf32>
    %get3A_13 = arith.constant 0 : index
    %get3A_14 = arith.constant 0 : index
    %get3A_15 = vector.load %arg3[%get3A_13, %get3A_14] : memref<1024x1xf32, #tpu.memory_space<vmem>>, vector<1024x1xf32>
    %mul3A = vector.broadcast %get3A_15 : vector<1024x1xf32> to vector<1024x128xf32>
    %mul3A_16 = arith.mulf %add3A_12, %mul3A : vector<1024x128xf32>
    %get3A_17 = arith.constant 0 : index
    %get3A_18 = arith.constant 0 : index
    %get3A_19 = vector.load %arg4[%get3A_17, %get3A_18] : memref<1x128xf32, #tpu.memory_space<vmem>>, vector<1x128xf32>
    %add3A_20 = vector.broadcast %get3A_19 : vector<1x128xf32> to vector<1024x128xf32>
    %add3A_21 = arith.addf %mul3A_16, %add3A_20 : vector<1024x128xf32>
    %max3A = arith.constant 0.000000e+00 : f32
    %max3A_22 = vector.broadcast %max3A : f32 to vector<1024x128xf32>
    %max3A_23 = arith.maximumf %add3A_21, %max3A_22 : vector<1024x128xf32>
    %get3A_24 = arith.constant 0 : index
    %get3A_25 = arith.constant 0 : index
    %get3A_26 = vector.load %arg5[%get3A_24, %get3A_25] : memref<128x128xf32, #tpu.memory_space<vmem>>, vector<128x128xf32>
    %dot_general3A = arith.constant dense<0.000000e+00> : vector<1024x128xf32>
    %dot_general3A_27 = tpu.matmul %max3A_23, %get3A_26, %dot_general3A {dimension_numbers = #tpu.dot_dimension_numbers<[1], [0], [0], [1], [0, 0, 1, 1], [], []>, transpose_lhs_hint = false} : vector<1024x128xf32>, vector<128x128xf32>, vector<1024x128xf32> -> vector<1024x128xf32>
    %get3A_28 = arith.constant 0 : index
    %get3A_29 = arith.constant 0 : index
    %get3A_30 = vector.load %arg3[%get3A_28, %get3A_29] : memref<1024x1xf32, #tpu.memory_space<vmem>>, vector<1024x1xf32>
    %mul3A_31 = vector.broadcast %get3A_30 : vector<1024x1xf32> to vector<1024x128xf32>
    %mul3A_32 = arith.mulf %dot_general3A_27, %mul3A_31 : vector<1024x128xf32>
    %swap3A = arith.constant 0 : index
    %swap3A_33 = arith.constant 0 : index
    %swap3A_34 = vector.load %arg6[%swap3A, %swap3A_33] : memref<1024x128xf32, #tpu.memory_space<vmem>>, vector<1024x128xf32>
    tpu.vector_store %arg6[%swap3A, %swap3A_33], %mul3A_32 {strides = array<i32>} : memref<1024x128xf32, #tpu.memory_space<vmem>>, vector<1024x128xf32>,
    return
  }
  func.func @transform_0(%arg0: i32) -> (i32, i32, i32) {
    %c0_i32 = arith.constant 0 : i32
    %c0_i32_0 = arith.constant 0 : i32
    %c0_i32_1 = arith.constant 0 : i32
    return %c0_i32, %arg0, %c0_i32_0 : i32, i32, i32
  }
  func.func @transform_1(%arg0: i32) -> (i32, i32) {
    %c0_i32 = arith.constant 0 : i32
    %c0_i32_0 = arith.constant 0 : i32
    return %arg0, %c0_i32 : i32, i32
  }
  func.func @transform_2(%arg0: i32) -> (i32, i32) {
    %c0_i32 = arith.constant 0 : i32
    %c0_i32_0 = arith.constant 0 : i32
    return %arg0, %c0_i32 : i32, i32
  }
  func.func @transform_3(%arg0: i32) -> (i32, i32) {
    %c0_i32 = arith.constant 0 : i32
    %c0_i32_0 = arith.constant 0 : i32
    %c0_i32_1 = arith.constant 0 : i32
    return %c0_i32, %c0_i32_0 : i32, i32
  }
  func.func @transform_4(%arg0: i32) -> (i32, i32) {
    %c0_i32 = arith.constant 0 : i32
    %c0_i32_0 = arith.constant 0 : i32
    %c0_i32_1 = arith.constant 0 : i32
    return %c0_i32, %c0_i32_0 : i32, i32
  }
  func.func @transform_5(%arg0: i32) -> (i32, i32) {
    %c0_i32 = arith.constant 0 : i32
    %c0_i32_0 = arith.constant 0 : i32
    return %arg0, %c0_i32 : i32, i32
  }
}

</mosaic_0001>

<sc_bundles>
// kernel: kernel.11.cloned.1.call-start
scs
__scs_entry_jumppad:
0x0: {  	(pc) =	sbr.rel $0x88, $3  }
0x1: {  	(tag) =	ssettag $0x0;
	lr =	simm.s32 $0x1  }
0x2: {  	[smem:$0x3F9B] =	sst lr;
	_ =	strace $0xD0000000  }
0x3: {  	_ = 	snop  }
0x4: {  	_ = 	snop  }
0x5: {  	_ = 	snop  }
0x6: {  	_ = 	snop  }
0x7: {  	_ = 	snop  }
__scs_overlays_trampoline_lowered:
0x8: {  	[smem:$0x3FAA] =	sst s0  }
0x9: {  	[smem:$0x3FAB] =	sst s1  }
0xa: {  	[smem:$0x3FAC] =	sst s2  }
0xb: {  	[smem:$0x3FAD] =	sst s3  }
0xc: {  	[smem:$0x3FAE] =	sst s4  }
0xd: {  	[smem:$0x3FAF] =	sst s5  }
0xe: {  	[smem:$0x3FB0] =	sst s6  }
0xf: {  	[smem:$0x3FB1] =	sst s7  }
0x10: {  	[smem:$0x3FB2] =	sst s8  }
0x11: {  	[smem:$0x3FB3] =	sst s9;
	s0 =	simm.s32 @!p0 $0x0  }
0x12: {  	s1 =	sld [smem:$0x3F99];
	s0 =	simm.s32 @p0 $0x1  }
0x13: {  	[smem:$0x3FB4] =	sst s0;
	s0 =	simm.s32 @!p1 $0x0  }
0x14: {  	s2 =	sld [smem:$0x3F98];
	s0 =	simm.s32 @p1 $0x1  }
0x15: {  	[smem:$0x3FB5] =	sst s0;
	s0 =	simm.s32 @!p2 $0x0  }
0x16: {  	s3 =	sld [smem:$0x3FDB];
	s0 =	simm.s32 @p2 $0x1  }
0x17: {  	s4 =	simm.s32 $0x1BF5;
	[smem:$0x3FB7] =	sst s0  }
0x18: {  	s0 =	sld [smem:$0x3F9A];
	_ =	swait.ge [sflag:s4], $0x0  }
0x19: {  	s7 =	sld [smem:$0x3F9B]  }
0x1a: {  	s8 =	sadd.s32 $0xFFFFE003, lr  }
0x1b: {  	s9 =	sadd.s32 $0xFFFFFEF7, lr;
	s5 =	simm.s32 $0xFFFFFFFF;
	p2 =	slt.u32 s8, $0xFFFFF086  }
0x1c: {  	p1 =	slt.u32 s9, $0xF7A;
	s5 =	simm.s32 @!p2 $0x0  }
0x1d: {  	s5 =	simm.s32 @p1 $0x1;
	p0 =	seq.s32 s7, s2  }
0x1e: {  	s7 =	smul.u32 @!p0 $0xF7A, s2;
	p2 =	seq.s32 @!p0 s5, $0x0  }
0x1f: {  	s9 =	smul.u32 $0xF7A, s1;
	s8 =	simm.s32 @!p0 $0x1BF5;
	p2 =	por !p2, p0  }
0x20: {  	[sflag:s8] =	ssyncset.s32 @!p0 $0xFFFFF086;
	s6 =	sadd.s32 @!p0 s3, s7;
	s7 =	simm.s32 @!p0 $0x108  }
0x21: {  	s3 =	sadd.s32 s3, s9;
	s6 =	sadd.s32 @!p0 $0x88, s6;
	s7 =	simm.s32 @p2 $0x1082  }
0x22: {  	[simem:s7], [sflag:s8] =	dma.local @!p0 [hbm:s6], $0xF7A  }
0x23: {  	s9 =	sor.u32 $0xD0000000, s2;
	s6 =	simm.s32 $0x108;
	_ =	swait.ge @!p0 [sflag:s8], $0x0  }
0x24: {  	s3 =	sadd.s32 $0x88, s3;
	s6 =	simm.s32 @!p1 $0x1082;
	[sflag:s4] =	ssyncset.s32 $0xFFFFF086  }
0x25: {  	[simem:s6], [sflag:s4] =	dma.local [hbm:s3], $0xF7A  }
0x26: {  	[smem:$0x3F9B] =	sst s1;
	(tag) =	ssettag s2;
	_ =	strace s9  }
0x27: {  	s1 =	sld [smem:$0x3FAB]  }
0x28: {  	s2 =	sld [smem:$0x3FAC]  }
0x29: {  	s4 =	sld [smem:$0x3FAE]  }
0x2a: {  	p0 =	seq.s32 s5, $0x0;
	s5 =	sld [smem:$0x3FAF]  }
0x2b: {  	s6 =	sld [smem:$0x3FB0]  }
0x2c: {  	s7 =	sld [smem:$0x3FB1]  }
0x2d: {  	s3 =	simm.s32 $0x108;
	s8 =	sld [smem:$0x3FB2]  }
0x2e: {  	s3 =	simm.s32 @!p0 $0x1082;
	s9 =	sld [smem:$0x3FB3]  }
0x2f: {  	lr =	sadd.s32 s0, s3;
	s0 =	sld [smem:$0x3FAA]  }
0x30: {  	s3 =	sld [smem:$0x3FAD]  }
0x31: {  	[smem:$0x3FB6] =	sst s10  }
0x32: {  	s10 =	sld [smem:$0x3FB4];
	_ =	sdelay $0x3  }
0x33: {  	p0 =	seq.s32 s10, $0x1;
	s10 =	sld [smem:$0x3FB6];
	_ =	sdelay $0x3  }
0x34: {  	[smem:$0x3FB6] =	sst s10  }
0x35: {  	s10 =	sld [smem:$0x3FB5];
	_ =	sdelay $0x3  }
0x36: {  	p1 =	seq.s32 s10, $0x1;
	s10 =	sld [smem:$0x3FB6];
	_ =	sdelay $0x3  }
0x37: {  	[smem:$0x3FB6] =	sst s10  }
0x38: {  	s10 =	sld [smem:$0x3FB7]  }
0x39: {  	_ = 	snop;
	(pc) =	sbr.ind lr, $3  }
0x3a: {  	_ = 	snop  }
0x3b: {  	_ = 	snop  }
0x3c: {  	p2 =	seq.s32 s10, $0x1;
	s10 =	sld [smem:$0x3FB6]  }
0x3d: {  	_ =	shalt  }
0x3e: {  	_ =	shalt  }
0x3f: {  	_ =	shalt  }
0x40: {  	_ =	shalt  }
0x41: {  	_ =	shalt  }
0x42: {  	_ =	shalt  }
0x43: {  	_ =	shalt  }
0x44: {  	_ =	shalt  }
0x45: {  	_ =	shalt  }
0x46: {  	_ =	shalt  }
0x47: {  	_ =	shalt  }
0x48: {  	_ =	shalt  }
0x49: {  	_ =	shalt  }
0x4a: {  	_ =	shalt  }
0x4b: {  	_ =	shalt  }
0x4c: {  	_ =	shalt  }
0x4d: {  	_ =	shalt  }
0x4e: {  	_ =	shalt  }
0x4f: {  	_ =	shalt  }
0x50: {  	_ =	shalt  }
0x51: {  	_ =	shalt  }
0x52: {  	_ =	shalt  }
0x53: {  	_ =	shalt  }
0x54: {  	_ =	shalt  }
0x55: {  	_ =	shalt  }
0x56: {  	_ =	shalt  }
0x57: {  	_ =	shalt  }
0x58: {  	_ =	shalt  }
0x59: {  	_ =	shalt  }
0x5a: {  	_ =	shalt  }
0x5b: {  	_ =	shalt  }
0x5c: {  	_ =	shalt  }
0x5d: {  	_ =	shalt  }
0x5e: {  	_ =	shalt  }
0x5f: {  	_ =	shalt  }
0x60: {  	_ =	shalt  }
0x61: {  	_ =	shalt  }
0x62: {  	_ =	shalt  }
0x63: {  	_ =	shalt  }
0x64: {  	_ =	shalt  }
0x65: {  	_ =	shalt  }
0x66: {  	_ =	shalt  }
0x67: {  	_ =	shalt  }
0x68: {  	_ =	shalt  }
0x69: {  	_ =	shalt  }
0x6a: {  	_ =	shalt  }
0x6b: {  	_ =	shalt  }
0x6c: {  	_ =	shalt  }
0x6d: {  	_ =	shalt  }
0x6e: {  	_ =	shalt  }
0x6f: {  	_ =	shalt  }
0x70: {  	_ =	shalt  }
0x71: {  	_ =	shalt  }
0x72: {  	_ =	shalt  }
0x73: {  	_ =	shalt  }
0x74: {  	_ =	shalt  }
0x75: {  	_ =	shalt  }
0x76: {  	_ =	shalt  }
0x77: {  	_ =	shalt  }
0x78: {  	_ =	shalt  }
0x79: {  	_ =	shalt  }
0x7a: {  	_ =	shalt  }
0x7b: {  	_ =	shalt  }
0x7c: {  	_ =	shalt  }
0x7d: {  	_ =	shalt  }
0x7e: {  	_ =	shalt  }
0x7f: {  	_ =	shalt  }
0x80: {  	_ =	shalt  }
0x81: {  	_ =	shalt  }
0x82: {  	_ =	shalt  }
0x83: {  	_ =	shalt  }
0x84: {  	_ =	shalt  }
0x85: {  	_ =	shalt  }
0x86: {  	_ =	shalt  }
0x87: {  	_ =	shalt  }
.Lfunc_end0:
.L_simem_size_0:
called_computation.1_lowered:
.L_overlay_start_0:
0x88: {  	s2 =	sld [smem:$0x3FD9]  }
0x89: {  	s3 =	sld [smem:$0x3FFE];
	_ =	sdelay $0x1  }
0x8a: {  	s1 =	srdreg.scid  }
0x8b: {  	s0 =	sand.u32 $0x1, s1  }
0x8c: {  	s17 =	sshll.u32 s0, $0xA;
	s2 =	sadd.s32 s3, s2  }
0x8d: {  	s2 =	sadd.s32 s2, s17  }
0x8e: {  	[smem:$0x3FC2] =	sst s2  }
0x8f: {  	_ = 	snop  }
0x90: {  	s2 =	sld [smem:$0x3FD0];
	(tm) =	ssettm $0x1  }
0x91: {  	s18 =	sld [smem:$0x3FFB];
	_ =	sdelay $0x3  }
0x92: {  	_ =	strace s18  }
0x93: {  	s3 =	sld [smem:$0x3FFC];
	_ =	sdelay $0x3  }
0x94: {  	_ =	strace s3  }
0x95: {  	s3 =	sld [smem:$0x3FFD];
	_ =	sdelay $0x3  }
0x96: {  	_ =	strace s3  }
0x97: {  	_ =	strace $0x8FFFFFFF  }
0x98: {  	s19 =	sld [smem:$0x3FDB];
	_ =	sdelay $0x1  }
0x99: {  	s4 =	simm.s32 $_scs_section_size  }
0x9a: {  	s5 =	simm.s32 $_size__tile_overlayer_lowered;
	s6 =	simm.s32 $_tile_overlayer_lowered  }
0x9b: {  	s22 =	simm.s32 $0x1BFF;
	s21 =	sshll.u32 s6, $0x1;
	s3 =	sadd.s32 s4, s19  }
0x9c: {  	s7 =	simm.s32 $0x0;
	s20 =	sshll.u32 s5, $0x1;
	s5 =	sadd.s32 s21, s3  }
0x9d: {  	[timem:s7], [sflag:s22] =	dma.local [hbm:s5], s20  }
0x9e: {  	_ =	swait.ge [sflag:s22], s20  }
0x9f: {  	s4 =	ssub.s32 $0x0, s20;
	[sflag:s22] =	ssyncset.done $0x0  }
0xa0: {  	[sflag:s22] =	ssyncadd.s32 s4;
	_ =	sdelay $0x1  }
0xa1: {  	s23 =	simm.s32 $0x1B8B  }
0xa2: {  	_ =	swait.ge [sflag:s23], $0x1  }
0xa3: {  	[sflag:s23] =	ssyncset.done $0x0  }
0xa4: {  	s25 =	simm.s32 $0x1B8E;
	s24 =	sld [smem:$0x3FFE];
	[sflag:s23] =	ssyncadd.s32 $0xFFFFFFFF  }
0xa5: {  	s26 =	simm.s32 $execute0_lowered;
	[smem:$0x3FD2] =	sst s25  }
0xa6: {  	s5 =	sshll.u32 s26, $0x1;
	_ =	strace $0x80000049;
	[dreg:$0x1] =	wrdreg $0xFFFFFFFF  }
0xa7: {  	s28 =	simm.s32 $_size_execute0_lowered;
	s3 =	sadd.s32 s3, s5;
	[dreg:$0x0] =	wrdreg $0x0  }
0xa8: {  	s5 =	sshll.u32 s28, $0x1;
	[dreg:$0x2] =	wrdreg s3  }
0xa9: {  	[dreg:$0x3] =	wrdreg s5  }
0xaa: {  	[dreg:$0x4] =	wrdreg $0xC0  }
0xab: {  	_ =	task [dreg:s7], $0x5FFFF  }
0xac: {  	[dreg:$0x1] =	wrdreg $0xFFFFFFFF  }
0xad: {  	[dreg:$0x0] =	wrdreg $0x60  }
0xae: {  	[dreg:$0x2] =	wrdreg s24  }
0xaf: {  	[dreg:$0x3] =	wrdreg s2  }
0xb0: {  	[dreg:$0x4] =	wrdreg $0x90000  }
0xb1: {  	[dreg:$0x5] =	wrdreg $0x9  }
0xb2: {  	_ =	task.clear_ibuf [dreg:s7], $0x6FFFF;
	_ =	strace $0x90000049  }
0xb3: {  	s29 =	simm.s32 $0x9;
	_ =	strace $0x8000004B  }
0xb4: {  	_ =	swait.ge [sflag:s29], $0x1  }
0xb5: {  	[sflag:s29] =	ssyncadd.s32 $0xFFFFFFFF  }
0xb6: {  	_ =	strace $0x9000004B  }
0xb7: {  	_ =	sfence  }
0xb8: {  	s30 =	sld [smem:$0x0];
	_ =	sdelay $0x2  }
0xb9: {  	s31 =	sshll.u32 s1, $0xD;
	s1 =	sshrl.u32 s1, $0x2  }
0xba: {  	s3 =	sand.u32 $0x4000, s31;
	s1 =	sadd.s32 s1, s30  }
0xbb: {  	s0 =	sor.u32 s3, s0;
	s1 =	sshll.u32 s1, $0x11  }
0xbc: {  	s0 =	sor.u32 s1, s0  }
0xbd: {  	s0 =	sadd.s32 $0x8F2B, s0  }
0xbe: {  	[sflag:s0] =	ssyncadd.remote.s32 $0x1  }
0xbf: {  	_ =	sfence.sel $0xFFFF  }
0xc0: {  	[dreg:$0x0] =	wrdreg $0xFFFFFFFF;
	(pc) =	sbr.abs _section_cstart, $3  }
0xc1: {  	[dreg:$0x1] =	wrdreg $0xFFFFFFFF  }
0xc2: {  	_ =	task.clear_ibuf [dreg:s7], $0x2FFFF;
	_ =	strace $0x9FFFFFFF  }
0xc3: {  	(tm) =	ssettm $0x7FFFFFFF  }
tec
execute0_lowered:
.L_overlay_start_1:
0x0: {  	(tag) =	ssettag $0x1  }
0x1: {  	s5 =	rddreg [dreg:$0x0]  }
0x2: {  	s12 =	rddreg [dreg:$0x1]  }
0x3: {  	s2 =	rddreg [dreg:$0x2]  }
0x4: {  	s0 =	rddreg [dreg:$0x3];
	s3 =	simm.s32 $0x0;
	s1 =	stileid.u32  }
0x5: {  	s4 =	srdreg.scid;
	s17 =	simm.s32 $0x1000;
	s18 =	simm.s32 $0x5000  }
0x6: {  	s19 =	simm.s32 $0x1;
	s20 =	simm.s32 $0x2;
	s21 =	simm.s32 $0x3  }
0x7: {  	s22 =	simm.s32 $0x0;
	[smem:$0x7FF] =	sst s3;
	s6 =	smul.u32 $0x14000, s1  }
0x8: {  	s7 =	sand.u32 $0x1, s4;
	s4 =	sadd.s32 $0x34E00, s5;
	s24 =	smul.u32 $0x50000, s1  }
0x9: {  	s11 =	sadd.s32 $0x2600, s5;
	s10 =	sshll.u32 s1, $0x1;
	s15 =	smul.u32 $0x5000, s1  }
0xa: {  	s28 =	sshll.u32 s1, $0x6;
	_ =	strace $0x8000004A;
	s9 =	smul.u32 $0x140000, s7  }
0xb: {  	s10 =	sor.u32 s7, s10;
	s13 =	ssub.s32 $0x2, s7;
	s7 =	smul.u32 $0x2800, s7  }
0xc: {  	s8 =	sshrl.u32 s6, $0x3;
	s10 =	smul.u32 $0x2800, s10;
	s25 =	sshrl.u32 s13, $0x1  }
0xd: {  	s26 =	sshrl.u32 s24, $0x2;
	s8 =	sadd.s32 s8, s5;
	s6 =	sadd.s32 s6, s9  }
0xe: {  	s13 =	ssub.s32 s13, s25;
	s16 =	sadd.s32 s26, s2;
	s30 =	sadd.s32 s7, s15  }
0xf: {  	s6 =	sshrl.u32 s6, $0x3;
	s29 =	sshrl.u32 s10, $0x3;
	s15 =	sor.u32 $0x400, s30  }
.Ltmp0:
0x10: {  	s10 =	smax.u32 s13, $0x1;
	s13 =	sshrl.u32 s16, $0x3;
	(pc) =	sbr.rel .LBB2_1-.Ltmp0, $4  }
0x11: {  	s16 =	simm.s32 $0x80;
	s14 =	sadd.s32 s6, s5;
	s5 =	sadd.s32 $0xCE00, s8  }
0x12: {  	s6 =	sor.u32 $0x1C04, s28;
	s7 =	sadd.s32 s12, s29;
	s8 =	sadd.s32 s11, s29  }
0x13: {  	s31 =	sshrl.u32 s15, $0x3;
	s15 =	simm.s32 $0x800;
	s9 =	sadd.s32 $0x5CE00, s14  }
0x14: {  	s11 =	sadd.s32 s31, s11;
	s12 =	sadd.s32 s31, s12;
	s14 =	simm.s32 $0x4  }
.LBB2_3:
0x15: {  	_ =	swait.ge [sflag:s20], $0x4000  }
0x16: {  	[sflag:s20] =	ssyncset.done $0x0  }
0x17: {  	s23 =	sor.u32 $0x800, s28;
	[sflag:s20] =	ssyncadd.s32 $0xFFFFC000  }
0x18: {  	[spmem:s2] =	stream.indirect.scatter.add.f32 [tilespmem:s18], [sflag:$0x4], $0x80, s23, s16, $0xb8;
	[tilespmem:$0x1D000] =	vst v63  }
0x19: {  	_ =	swait.ge [sflag:s14], $0x4000  }
0x1a: {  	[sflag:s14] =	ssyncset.done $0x0  }
0x1b: {  	[sflag:s14] =	ssyncadd.s32 $0xFFFFC000  }
.LBB2_5:
0x1c: {  	s22 =	sadd.s32 $0x1, s22  }
0x1d: {  	p0 =	sne.s32 s22, s10  }
.Ltmp1:
0x1e: {  	[bflag:$0x0] =	sbarrier.arrive $0xFFFF;
	(pc) =	sbr.rel @!p0 .LBB2_6-.Ltmp1, $4  }
0x1f: {  	[hbm:s9], [sflag:s6] =	dma.local [spmem:s13], $0x2800  }
0x20: {  	_ =	swait.ge [sflag:s14], $0x2800  }
0x21: {  	[sflag:s14] =	ssyncset.done $0x0  }
0x22: {  	[sflag:s14] =	ssyncadd.s32 $0xFFFFD800  }
.LBB2_1:
0x23: {  	[spmem:s13], [sflag:s6] =	dma.local [hbm:s5], $0x2800  }
0x24: {  	_ =	swait.ge [sflag:s14], $0x2800  }
0x25: {  	[sflag:s14] =	ssyncset.done $0x0  }
0x26: {  	[sflag:s14] =	ssyncadd.s32 $0xFFFFD800  }
0x27: {  	[tilespmem:s3], [sflag:$0x4] =	stream.linear.gather [hbm4b:s7+s3], $0x400, $0x38;
	[tilespmem:$0x1D000] =	vst v63  }
0x28: {  	_ =	swait.ge [sflag:s14], $0x400  }
0x29: {  	[sflag:s14] =	ssyncset.done $0x0  }
0x2a: {  	[sflag:s14] =	ssyncadd.s32 $0xFFFFFC00  }
0x2b: {  	[tilespmem:s15], [sflag:$0x4] =	stream.linear.gather [hbm4b:s8+s3], $0x400, $0x38;
	[tilespmem:$0x1D000] =	vst v63  }
0x2c: {  	_ =	swait.ge [sflag:s14], $0x400  }
0x2d: {  	[sflag:s14] =	ssyncset.done $0x0  }
0x2e: {  	[sflag:s14] =	ssyncadd.s32 $0xFFFFFC00  }
0x2f: {  	[bflag:$0x0] =	sbarrier.arrive $0xFFFF  }
0x30: {  	[tilespmem:s17], [sflag:$0x1] =	stream.indirect.gather [hbm4b:s4+s16], $0x80, s3, s16, $0xb8;
	[tilespmem:$0x1D000] =	vst v63  }
0x31: {  	s23 =	smov.u32 s12;
	s24 =	smov.u32 s11;
	s25 =	simm.s32 $0x0  }
0x32: {  	[tilespmem:s18], [sflag:$0x2] =	stream.indirect.gather [hbm4b:s4+s16], $0x80, s16, s16, $0xb8;
	[tilespmem:$0x1D000] =	vst v63  }
.LBB2_2:
0x33: {  	s28 =	sand.u32 $0x1, s25  }
0x34: {  	p0 =	seq.s32 s25, $0x9;
	s26 =	sxor.u32 $0x1, s28  }
0x35: {  	s30 =	simm.s32 @!p0 $0x0;
	s29 =	sshll.u32 @!p0 s26, $0xA  }
0x36: {  	[tilespmem:s29], [sflag:$0x3] =	stream.linear.gather @!p0 [hbm4b:s23+s30], $0x400, $0x38;
	[tilespmem:$0x1D000] =	vst v63  }
0x37: {  	s29 =	sor.u32 @!p0 $0x800, s29  }
0x38: {  	[tilespmem:s29], [sflag:$0x3] =	stream.linear.gather @!p0 [hbm4b:s24+s30], $0x400, $0x38;
	[tilespmem:$0x1D000] =	vst v63  }
0x39: {  	_ =	swait.ge [sflag:s19], $0x4000  }
0x3a: {  	s31 =	sshll.u32 s28, $0xA;
	[sflag:s19] =	ssyncset.done $0x0  }
0x3b: {  	s28 =	sor.u32 $0x800, s31;
	[sflag:s19] =	ssyncadd.s32 $0xFFFFC000  }
0x3c: {  	[spmem:s2] =	stream.indirect.scatter.add.f32 [tilespmem:s17], [sflag:$0x4], $0x80, s28, s16, $0xb8;
	[tilespmem:$0x1D000] =	vst v63  }
0x3d: {  	_ =	swait.ge [sflag:s14], $0x4000  }
0x3e: {  	[sflag:s14] =	ssyncset.done $0x0  }
0x3f: {  	s28 =	sor.u32 $0x100, s31;
	[sflag:s14] =	ssyncadd.s32 $0xFFFFC000  }
0x40: {  	[tilespmem:s17], [sflag:$0x1] =	stream.indirect.gather [hbm4b:s4+s16], $0x80, s28, s16, $0xb8;
	[tilespmem:$0x1D000] =	vst v63  }
0x41: {  	_ =	swait.ge [sflag:s20], $0x4000  }
0x42: {  	[sflag:s20] =	ssyncset.done $0x0  }
0x43: {  	s28 =	sor.u32 $0x880, s31;
	[sflag:s20] =	ssyncadd.s32 $0xFFFFC000  }
0x44: {  	[spmem:s2] =	stream.indirect.scatter.add.f32 [tilespmem:s18], [sflag:$0x4], $0x80, s28, s16, $0xb8;
	[tilespmem:$0x1D000] =	vst v63  }
0x45: {  	_ =	swait.ge [sflag:s14], $0x4000  }
0x46: {  	[sflag:s14] =	ssyncset.done $0x0  }
0x47: {  	s28 =	sor.u32 $0x180, s31;
	[sflag:s14] =	ssyncadd.s32 $0xFFFFC000  }
0x48: {  	[tilespmem:s18], [sflag:$0x2] =	stream.indirect.gather [hbm4b:s4+s16], $0x80, s28, s16, $0xb8;
	[tilespmem:$0x1D000] =	vst v63  }
0x49: {  	_ =	swait.ge [sflag:s19], $0x4000  }
0x4a: {  	[sflag:s19] =	ssyncset.done $0x0  }
0x4b: {  	s28 =	sor.u32 $0x900, s31;
	[sflag:s19] =	ssyncadd.s32 $0xFFFFC000  }
0x4c: {  	[spmem:s2] =	stream.indirect.scatter.add.f32 [tilespmem:s17], [sflag:$0x4], $0x80, s28, s16, $0xb8;
	[tilespmem:$0x1D000] =	vst v63  }
0x4d: {  	_ =	swait.ge [sflag:s14], $0x4000  }
0x4e: {  	[sflag:s14] =	ssyncset.done $0x0  }
0x4f: {  	s28 =	sor.u32 $0x200, s31;
	[sflag:s14] =	ssyncadd.s32 $0xFFFFC000  }
0x50: {  	[tilespmem:s17], [sflag:$0x1] =	stream.indirect.gather [hbm4b:s4+s16], $0x80, s28, s16, $0xb8;
	[tilespmem:$0x1D000] =	vst v63  }
0x51: {  	_ =	swait.ge [sflag:s20], $0x4000  }
0x52: {  	[sflag:s20] =	ssyncset.done $0x0  }
0x53: {  	s28 =	sor.u32 $0x980, s31;
	[sflag:s20] =	ssyncadd.s32 $0xFFFFC000  }
0x54: {  	[spmem:s2] =	stream.indirect.scatter.add.f32 [tilespmem:s18], [sflag:$0x4], $0x80, s28, s16, $0xb8;
	[tilespmem:$0x1D000] =	vst v63  }
0x55: {  	_ =	swait.ge [sflag:s14], $0x4000  }
0x56: {  	[sflag:s14] =	ssyncset.done $0x0  }
0x57: {  	s28 =	sor.u32 $0x280, s31;
	[sflag:s14] =	ssyncadd.s32 $0xFFFFC000  }
0x58: {  	[tilespmem:s18], [sflag:$0x2] =	stream.indirect.gather [hbm4b:s4+s16], $0x80, s28, s16, $0xb8;
	[tilespmem:$0x1D000] =	vst v63  }
0x59: {  	_ =	swait.ge [sflag:s19], $0x4000  }
0x5a: {  	[sflag:s19] =	ssyncset.done $0x0  }
0x5b: {  	s28 =	sor.u32 $0xA00, s31;
	[sflag:s19] =	ssyncadd.s32 $0xFFFFC000  }
0x5c: {  	[spmem:s2] =	stream.indirect.scatter.add.f32 [tilespmem:s17], [sflag:$0x4], $0x80, s28, s16, $0xb8;
	[tilespmem:$0x1D000] =	vst v63  }
0x5d: {  	_ =	swait.ge [sflag:s14], $0x4000  }
0x5e: {  	[sflag:s14] =	ssyncset.done $0x0  }
0x5f: {  	s28 =	sor.u32 $0x300, s31;
	[sflag:s14] =	ssyncadd.s32 $0xFFFFC000  }
0x60: {  	[tilespmem:s17], [sflag:$0x1] =	stream.indirect.gather [hbm4b:s4+s16], $0x80, s28, s16, $0xb8;
	[tilespmem:$0x1D000] =	vst v63  }
0x61: {  	_ =	swait.ge [sflag:s20], $0x4000  }
0x62: {  	[sflag:s20] =	ssyncset.done $0x0  }
0x63: {  	s28 =	sor.u32 $0xA80, s31;
	[sflag:s20] =	ssyncadd.s32 $0xFFFFC000  }
0x64: {  	[spmem:s2] =	stream.indirect.scatter.add.f32 [tilespmem:s18], [sflag:$0x4], $0x80, s28, s16, $0xb8;
	[tilespmem:$0x1D000] =	vst v63  }
0x65: {  	_ =	swait.ge [sflag:s14], $0x4000  }
0x66: {  	[sflag:s14] =	ssyncset.done $0x0  }
0x67: {  	s28 =	sor.u32 $0x380, s31;
	[sflag:s14] =	ssyncadd.s32 $0xFFFFC000  }
0x68: {  	[tilespmem:s18], [sflag:$0x2] =	stream.indirect.gather [hbm4b:s4+s16], $0x80, s28, s16, $0xb8;
	[tilespmem:$0x1D000] =	vst v63  }
0x69: {  	_ =	swait.ge [sflag:s19], $0x4000  }
0x6a: {  	p0 =	sne.s32 s25, $0x9;
	[sflag:s19] =	ssyncset.done $0x0  }
.Ltmp2:
0x6b: {  	s29 =	sor.u32 $0xB00, s31;
	[sflag:s19] =	ssyncadd.s32 $0xFFFFC000;
	(pc) =	sbr.rel @!p0 .LBB2_3-.Ltmp2, $4  }
0x6c: {  	[spmem:s2] =	stream.indirect.scatter.add.f32 [tilespmem:s17], [sflag:$0x4], $0x80, s29, s16, $0xb8;
	[tilespmem:$0x1D000] =	vst v63  }
0x6d: {  	_ =	swait.ge [sflag:s14], $0x4000  }
0x6e: {  	[sflag:s14] =	ssyncset.done $0x0  }
0x6f: {  	[sflag:s14] =	ssyncadd.s32 $0xFFFFC000  }
0x70: {  	_ =	swait.ge [sflag:s21], $0x400  }
0x71: {  	[sflag:s21] =	ssyncset.done $0x0  }
0x72: {  	[sflag:s21] =	ssyncadd.s32 $0xFFFFFC00  }
0x73: {  	_ =	swait.ge [sflag:s21], $0x400  }
0x74: {  	[sflag:s21] =	ssyncset.done $0x0  }
0x75: {  	s26 =	sshll.u32 s26, $0xA;
	[sflag:s21] =	ssyncadd.s32 $0xFFFFFC00  }
0x76: {  	[tilespmem:s17], [sflag:$0x1] =	stream.indirect.gather [hbm4b:s4+s16], $0x80, s26, s16, $0xb8;
	[tilespmem:$0x1D000] =	vst v63  }
0x77: {  	_ =	swait.ge [sflag:s20], $0x4000  }
0x78: {  	s25 =	sadd.s32 $0x1, s25;
	[sflag:s20] =	ssyncset.done $0x0  }
0x79: {  	s28 =	sor.u32 $0x800, s28;
	p0 =	sne.s32 s25, $0xA;
	[sflag:s20] =	ssyncadd.s32 $0xFFFFC000  }
0x7a: {  	[spmem:s2] =	stream.indirect.scatter.add.f32 [tilespmem:s18], [sflag:$0x4], $0x80, s28, s16, $0xb8;
	[tilespmem:$0x1D000] =	vst v63  }
.Ltmp3:
0x7b: {  	_ = 	snop;
	(pc) =	sbr.rel @p0 .LBB2_2-.Ltmp3, $4  }
.Ltmp4:
0x7c: {  	_ =	swait.ge [sflag:s14], $0x4000;
	(pc) =	sbr.rel @!p0 .LBB2_5-.Ltmp4, $4  }
0x7d: {  	s24 =	sadd.s32 $0x80, s24;
	[sflag:s14] =	ssyncset.done $0x0  }
0x7e: {  	s23 =	sadd.s32 $0x80, s23;
	s26 =	sor.u32 $0x80, s26;
	[sflag:s14] =	ssyncadd.s32 $0xFFFFC000  }
0x7f: {  	[tilespmem:s18], [sflag:$0x2] =	stream.indirect.gather [hbm4b:s4+s16], $0x80, s26, s16, $0xb8;
	[tilespmem:$0x1D000] =	vst v63  }
0x80: {  	_ = 	snop  }
.LBB2_6:
0x81: {  	_ =	sfence.sel $0x180000  }
0x82: {  	[bflag:$0x0] =	sbarrier.arrive $0xFFFF  }
0x83: {  	p0 =	sne.s32 s1, $0x0;
	_ =	strace $0x9000004A  }
0x84: {  	s0 =	sadd.s32 @!p0 $0x100000, s0;
	[bflag:$0x2] =	sbarrier.arrive $0xFFFF  }
0x85: {  	[sflag:s0] =	ssyncadd.tile.s32 @!p0 $0x1;
	_ =	shalt  }
.Lfunc_end2:
_tile_overlayer_lowered:
.L_overlay_start_2:
0x86: {  	(tag) =	ssettag $0x2  }
0x87: {  	s0 =	rddreg [dreg:$0x0];
	s2 =	stileid.u32  }
0x88: {  	s1 =	rddreg [dreg:$0x1];
	p0 =	sne.s32 s2, $0x0  }
0x89: {  	s3 =	rddreg [dreg:$0x2];
	[bflag:$0x3] =	sbarrier.arrive $0xFFFF;
	s2 =	simm.s32 @!p0 $0x1C04  }
0x8a: {  	[timem:s3], [sflag:s2] =	dma.local @!p0 [hbm:s0], s1  }
0x8b: {  	s0 =	simm.s32 @!p0 $0x4  }
0x8c: {  	_ =	swait.ge @!p0 [sflag:s0], s1  }
0x8d: {  	s1 =	ssub.s32 @!p0 $0x0, s1;
	[sflag:s0] =	ssyncset.done @!p0 $0x0  }
0x8e: {  	[sflag:s0] =	ssyncadd.s32 @!p0 s1  }
0x8f: {  	[bflag:$0x3] =	sbarrier.arrive $0xFFFF  }
0x90: {  	_ =	shalt  }

// kernel: kernel.14.cloned.1.call-start
scs
__scs_entry_jumppad:
0x0: {  	(pc) =	sbr.rel $0x88, $3  }
0x1: {  	(tag) =	ssettag $0x0;
	lr =	simm.s32 $0x1  }
0x2: {  	[smem:$0x3F9B] =	sst lr;
	_ =	strace $0xD0000000  }
0x3: {  	_ = 	snop  }
0x4: {  	_ = 	snop  }
0x5: {  	_ = 	snop  }
0x6: {  	_ = 	snop  }
0x7: {  	_ = 	snop  }
__scs_overlays_trampoline_lowered:
0x8: {  	[smem:$0x3FAA] =	sst s0  }
0x9: {  	[smem:$0x3FAB] =	sst s1  }
0xa: {  	[smem:$0x3FAC] =	sst s2  }
0xb: {  	[smem:$0x3FAD] =	sst s3  }
0xc: {  	[smem:$0x3FAE] =	sst s4  }
0xd: {  	[smem:$0x3FAF] =	sst s5  }
0xe: {  	[smem:$0x3FB0] =	sst s6  }
0xf: {  	[smem:$0x3FB1] =	sst s7  }
0x10: {  	[smem:$0x3FB2] =	sst s8  }
0x11: {  	[smem:$0x3FB3] =	sst s9;
	s0 =	simm.s32 @!p0 $0x0  }
0x12: {  	s1 =	sld [smem:$0x3F99];
	s0 =	simm.s32 @p0 $0x1  }
0x13: {  	[smem:$0x3FB4] =	sst s0;
	s0 =	simm.s32 @!p1 $0x0  }
0x14: {  	s2 =	sld [smem:$0x3F98];
	s0 =	simm.s32 @p1 $0x1  }
0x15: {  	[smem:$0x3FB5] =	sst s0;
	s0 =	simm.s32 @!p2 $0x0  }
0x16: {  	s3 =	sld [smem:$0x3FDB];
	s0 =	simm.s32 @p2 $0x1  }
0x17: {  	s4 =	simm.s32 $0x1BF5;
	[smem:$0x3FB7] =	sst s0  }
0x18: {  	s0 =	sld [smem:$0x3F9A];
	_ =	swait.ge [sflag:s4], $0x0  }
0x19: {  	s7 =	sld [smem:$0x3F9B]  }
0x1a: {  	s8 =	sadd.s32 $0xFFFFE003, lr  }
0x1b: {  	s9 =	sadd.s32 $0xFFFFFEF7, lr;
	s5 =	simm.s32 $0xFFFFFFFF;
	p2 =	slt.u32 s8, $0xFFFFF086  }
0x1c: {  	p1 =	slt.u32 s9, $0xF7A;
	s5 =	simm.s32 @!p2 $0x0  }
0x1d: {  	s5 =	simm.s32 @p1 $0x1;
	p0 =	seq.s32 s7, s2  }
0x1e: {  	s7 =	smul.u32 @!p0 $0xF7A, s2;
	p2 =	seq.s32 @!p0 s5, $0x0  }
0x1f: {  	s9 =	smul.u32 $0xF7A, s1;
	s8 =	simm.s32 @!p0 $0x1BF5;
	p2 =	por !p2, p0  }
0x20: {  	[sflag:s8] =	ssyncset.s32 @!p0 $0xFFFFF086;
	s6 =	sadd.s32 @!p0 s3, s7;
	s7 =	simm.s32 @!p0 $0x108  }
0x21: {  	s3 =	sadd.s32 s3, s9;
	s6 =	sadd.s32 @!p0 $0x88, s6;
	s7 =	simm.s32 @p2 $0x1082  }
0x22: {  	[simem:s7], [sflag:s8] =	dma.local @!p0 [hbm:s6], $0xF7A  }
0x23: {  	s9 =	sor.u32 $0xD0000000, s2;
	s6 =	simm.s32 $0x108;
	_ =	swait.ge @!p0 [sflag:s8], $0x0  }
0x24: {  	s3 =	sadd.s32 $0x88, s3;
	s6 =	simm.s32 @!p1 $0x1082;
	[sflag:s4] =	ssyncset.s32 $0xFFFFF086  }
0x25: {  	[simem:s6], [sflag:s4] =	dma.local [hbm:s3], $0xF7A  }
0x26: {  	[smem:$0x3F9B] =	sst s1;
	(tag) =	ssettag s2;
	_ =	strace s9  }
0x27: {  	s1 =	sld [smem:$0x3FAB]  }
0x28: {  	s2 =	sld [smem:$0x3FAC]  }
0x29: {  	s4 =	sld [smem:$0x3FAE]  }
0x2a: {  	p0 =	seq.s32 s5, $0x0;
	s5 =	sld [smem:$0x3FAF]  }
0x2b: {  	s6 =	sld [smem:$0x3FB0]  }
0x2c: {  	s7 =	sld [smem:$0x3FB1]  }
0x2d: {  	s3 =	simm.s32 $0x108;
	s8 =	sld [smem:$0x3FB2]  }
0x2e: {  	s3 =	simm.s32 @!p0 $0x1082;
	s9 =	sld [smem:$0x3FB3]  }
0x2f: {  	lr =	sadd.s32 s0, s3;
	s0 =	sld [smem:$0x3FAA]  }
0x30: {  	s3 =	sld [smem:$0x3FAD]  }
0x31: {  	[smem:$0x3FB6] =	sst s10  }
0x32: {  	s10 =	sld [smem:$0x3FB4];
	_ =	sdelay $0x3  }
0x33: {  	p0 =	seq.s32 s10, $0x1;
	s10 =	sld [smem:$0x3FB6];
	_ =	sdelay $0x3  }
0x34: {  	[smem:$0x3FB6] =	sst s10  }
0x35: {  	s10 =	sld [smem:$0x3FB5];
	_ =	sdelay $0x3  }
0x36: {  	p1 =	seq.s32 s10, $0x1;
	s10 =	sld [smem:$0x3FB6];
	_ =	sdelay $0x3  }
0x37: {  	[smem:$0x3FB6] =	sst s10  }
0x38: {  	s10 =	sld [smem:$0x3FB7]  }
0x39: {  	_ = 	snop;
	(pc) =	sbr.ind lr, $3  }
0x3a: {  	_ = 	snop  }
0x3b: {  	_ = 	snop  }
0x3c: {  	p2 =	seq.s32 s10, $0x1;
	s10 =	sld [smem:$0x3FB6]  }
0x3d: {  	_ =	shalt  }
0x3e: {  	_ =	shalt  }
0x3f: {  	_ =	shalt  }
0x40: {  	_ =	shalt  }
0x41: {  	_ =	shalt  }
0x42: {  	_ =	shalt  }
0x43: {  	_ =	shalt  }
0x44: {  	_ =	shalt  }
0x45: {  	_ =	shalt  }
0x46: {  	_ =	shalt  }
0x47: {  	_ =	shalt  }
0x48: {  	_ =	shalt  }
0x49: {  	_ =	shalt  }
0x4a: {  	_ =	shalt  }
0x4b: {  	_ =	shalt  }
0x4c: {  	_ =	shalt  }
0x4d: {  	_ =	shalt  }
0x4e: {  	_ =	shalt  }
0x4f: {  	_ =	shalt  }
0x50: {  	_ =	shalt  }
0x51: {  	_ =	shalt  }
0x52: {  	_ =	shalt  }
0x53: {  	_ =	shalt  }
0x54: {  	_ =	shalt  }
0x55: {  	_ =	shalt  }
0x56: {  	_ =	shalt  }
0x57: {  	_ =	shalt  }
0x58: {  	_ =	shalt  }
0x59: {  	_ =	shalt  }
0x5a: {  	_ =	shalt  }
0x5b: {  	_ =	shalt  }
0x5c: {  	_ =	shalt  }
0x5d: {  	_ =	shalt  }
0x5e: {  	_ =	shalt  }
0x5f: {  	_ =	shalt  }
0x60: {  	_ =	shalt  }
0x61: {  	_ =	shalt  }
0x62: {  	_ =	shalt  }
0x63: {  	_ =	shalt  }
0x64: {  	_ =	shalt  }
0x65: {  	_ =	shalt  }
0x66: {  	_ =	shalt  }
0x67: {  	_ =	shalt  }
0x68: {  	_ =	shalt  }
0x69: {  	_ =	shalt  }
0x6a: {  	_ =	shalt  }
0x6b: {  	_ =	shalt  }
0x6c: {  	_ =	shalt  }
0x6d: {  	_ =	shalt  }
0x6e: {  	_ =	shalt  }
0x6f: {  	_ =	shalt  }
0x70: {  	_ =	shalt  }
0x71: {  	_ =	shalt  }
0x72: {  	_ =	shalt  }
0x73: {  	_ =	shalt  }
0x74: {  	_ =	shalt  }
0x75: {  	_ =	shalt  }
0x76: {  	_ =	shalt  }
0x77: {  	_ =	shalt  }
0x78: {  	_ =	shalt  }
0x79: {  	_ =	shalt  }
0x7a: {  	_ =	shalt  }
0x7b: {  	_ =	shalt  }
0x7c: {  	_ =	shalt  }
0x7d: {  	_ =	shalt  }
0x7e: {  	_ =	shalt  }
0x7f: {  	_ =	shalt  }
0x80: {  	_ =	shalt  }
0x81: {  	_ =	shalt  }
0x82: {  	_ =	shalt  }
0x83: {  	_ =	shalt  }
0x84: {  	_ =	shalt  }
0x85: {  	_ =	shalt  }
0x86: {  	_ =	shalt  }
0x87: {  	_ =	shalt  }
.Lfunc_end0:
.L_simem_size_0:
called_computation.2_lowered:
.L_overlay_start_0:
0x88: {  	s2 =	sld [smem:$0x3FD9]  }
0x89: {  	s3 =	sld [smem:$0x3FFE];
	_ =	sdelay $0x1  }
0x8a: {  	s1 =	srdreg.scid  }
0x8b: {  	s0 =	sand.u32 $0x1, s1  }
0x8c: {  	s17 =	sshll.u32 s0, $0xA;
	s2 =	sadd.s32 s3, s2  }
0x8d: {  	s2 =	sadd.s32 s2, s17  }
0x8e: {  	[smem:$0x3FC2] =	sst s2  }
0x8f: {  	_ = 	snop  }
0x90: {  	s2 =	sld [smem:$0x3FD0];
	(tm) =	ssettm $0x1  }
0x91: {  	s18 =	sld [smem:$0x3FFB];
	_ =	sdelay $0x3  }
0x92: {  	_ =	strace s18  }
0x93: {  	s3 =	sld [smem:$0x3FFC];
	_ =	sdelay $0x3  }
0x94: {  	_ =	strace s3  }
0x95: {  	s3 =	sld [smem:$0x3FFD];
	_ =	sdelay $0x3  }
0x96: {  	_ =	strace s3  }
0x97: {  	_ =	strace $0x8FFFFFFF  }
0x98: {  	s19 =	sld [smem:$0x3FDB];
	_ =	sdelay $0x1  }
0x99: {  	s4 =	simm.s32 $_scs_section_size  }
0x9a: {  	s5 =	simm.s32 $_size__tile_overlayer_lowered;
	s6 =	simm.s32 $_tile_overlayer_lowered  }
0x9b: {  	s22 =	simm.s32 $0x1BFF;
	s21 =	sshll.u32 s6, $0x1;
	s3 =	sadd.s32 s4, s19  }
0x9c: {  	s7 =	simm.s32 $0x0;
	s20 =	sshll.u32 s5, $0x1;
	s5 =	sadd.s32 s21, s3  }
0x9d: {  	[timem:s7], [sflag:s22] =	dma.local [hbm:s5], s20  }
0x9e: {  	_ =	swait.ge [sflag:s22], s20  }
0x9f: {  	s4 =	ssub.s32 $0x0, s20;
	[sflag:s22] =	ssyncset.done $0x0  }
0xa0: {  	[sflag:s22] =	ssyncadd.s32 s4;
	_ =	sdelay $0x1  }
0xa1: {  	s23 =	simm.s32 $0x1B8B  }
0xa2: {  	_ =	swait.ge [sflag:s23], $0x1  }
0xa3: {  	[sflag:s23] =	ssyncset.done $0x0  }
0xa4: {  	s25 =	simm.s32 $0x1B8E;
	s24 =	sld [smem:$0x3FFE];
	[sflag:s23] =	ssyncadd.s32 $0xFFFFFFFF  }
0xa5: {  	s26 =	simm.s32 $execute0_lowered;
	[smem:$0x3FD2] =	sst s25  }
0xa6: {  	s5 =	sshll.u32 s26, $0x1;
	_ =	strace $0x8000004C;
	[dreg:$0x1] =	wrdreg $0xFFFFFFFF  }
0xa7: {  	s28 =	simm.s32 $_size_execute0_lowered;
	s3 =	sadd.s32 s3, s5;
	[dreg:$0x0] =	wrdreg $0x0  }
0xa8: {  	s5 =	sshll.u32 s28, $0x1;
	[dreg:$0x2] =	wrdreg s3  }
0xa9: {  	[dreg:$0x3] =	wrdreg s5  }
0xaa: {  	[dreg:$0x4] =	wrdreg $0xC0  }
0xab: {  	_ =	task [dreg:s7], $0x5FFFF  }
0xac: {  	[dreg:$0x1] =	wrdreg $0xFFFFFFFF  }
0xad: {  	[dreg:$0x0] =	wrdreg $0x60  }
0xae: {  	[dreg:$0x2] =	wrdreg s24  }
0xaf: {  	[dreg:$0x3] =	wrdreg s2  }
0xb0: {  	[dreg:$0x4] =	wrdreg $0x90000  }
0xb1: {  	[dreg:$0x5] =	wrdreg $0x9  }
0xb2: {  	_ =	task.clear_ibuf [dreg:s7], $0x6FFFF;
	_ =	strace $0x9000004C  }
0xb3: {  	s29 =	simm.s32 $0x9;
	_ =	strace $0x8000004E  }
0xb4: {  	_ =	swait.ge [sflag:s29], $0x1  }
0xb5: {  	[sflag:s29] =	ssyncadd.s32 $0xFFFFFFFF  }
0xb6: {  	_ =	strace $0x9000004E  }
0xb7: {  	_ =	sfence  }
0xb8: {  	s30 =	sld [smem:$0x0];
	_ =	sdelay $0x2  }
0xb9: {  	s31 =	sshll.u32 s1, $0xD;
	s1 =	sshrl.u32 s1, $0x2  }
0xba: {  	s3 =	sand.u32 $0x4000, s31;
	s1 =	sadd.s32 s1, s30  }
0xbb: {  	s0 =	sor.u32 s3, s0;
	s1 =	sshll.u32 s1, $0x11  }
0xbc: {  	s0 =	sor.u32 s1, s0  }
0xbd: {  	s0 =	sadd.s32 $0x8F2B, s0  }
0xbe: {  	[sflag:s0] =	ssyncadd.remote.s32 $0x1  }
0xbf: {  	_ =	sfence.sel $0xFFFF  }
0xc0: {  	[dreg:$0x0] =	wrdreg $0xFFFFFFFF;
	(pc) =	sbr.abs _section_cstart, $3  }
0xc1: {  	[dreg:$0x1] =	wrdreg $0xFFFFFFFF  }
0xc2: {  	_ =	task.clear_ibuf [dreg:s7], $0x2FFFF;
	_ =	strace $0x9FFFFFFF  }
0xc3: {  	(tm) =	ssettm $0x7FFFFFFF  }
tec
execute0_lowered:
.L_overlay_start_1:
0x0: {  	(tag) =	ssettag $0x1  }
0x1: {  	s5 =	rddreg [dreg:$0x0]  }
0x2: {  	s12 =	rddreg [dreg:$0x1]  }
0x3: {  	s2 =	rddreg [dreg:$0x2]  }
0x4: {  	s0 =	rddreg [dreg:$0x3];
	s3 =	simm.s32 $0x0;
	s1 =	stileid.u32  }
0x5: {  	s4 =	srdreg.scid;
	s17 =	simm.s32 $0x1000;
	s18 =	simm.s32 $0x5000  }
0x6: {  	s19 =	simm.s32 $0x1;
	s20 =	simm.s32 $0x2;
	s21 =	simm.s32 $0x3  }
0x7: {  	s22 =	simm.s32 $0x0;
	[smem:$0x7FF] =	sst s3;
	s6 =	smul.u32 $0x14000, s1  }
0x8: {  	s7 =	sand.u32 $0x1, s4;
	s4 =	sadd.s32 $0x34E00, s5;
	s24 =	smul.u32 $0x50000, s1  }
0x9: {  	s11 =	sadd.s32 $0x2600, s5;
	s10 =	sshll.u32 s1, $0x1;
	s15 =	smul.u32 $0x5000, s1  }
0xa: {  	s28 =	sshll.u32 s1, $0x6;
	_ =	strace $0x8000004D;
	s9 =	smul.u32 $0x140000, s7  }
0xb: {  	s10 =	sor.u32 s7, s10;
	s13 =	ssub.s32 $0x2, s7;
	s7 =	smul.u32 $0x2800, s7  }
0xc: {  	s8 =	sshrl.u32 s6, $0x3;
	s10 =	smul.u32 $0x2800, s10;
	s25 =	sshrl.u32 s13, $0x1  }
0xd: {  	s26 =	sshrl.u32 s24, $0x2;
	s8 =	sadd.s32 s8, s5;
	s6 =	sadd.s32 s6, s9  }
0xe: {  	s13 =	ssub.s32 s13, s25;
	s16 =	sadd.s32 s26, s2;
	s30 =	sadd.s32 s7, s15  }
0xf: {  	s6 =	sshrl.u32 s6, $0x3;
	s29 =	sshrl.u32 s10, $0x3;
	s15 =	sor.u32 $0x400, s30  }
.Ltmp0:
0x10: {  	s10 =	smax.u32 s13, $0x1;
	s13 =	sshrl.u32 s16, $0x3;
	(pc) =	sbr.rel .LBB2_1-.Ltmp0, $4  }
0x11: {  	s16 =	simm.s32 $0x80;
	s14 =	sadd.s32 s6, s5;
	s5 =	sadd.s32 $0xCE00, s8  }
0x12: {  	s6 =	sor.u32 $0x1C04, s28;
	s7 =	sadd.s32 s12, s29;
	s8 =	sadd.s32 s11, s29  }
0x13: {  	s31 =	sshrl.u32 s15, $0x3;
	s15 =	simm.s32 $0x800;
	s9 =	sadd.s32 $0x5CE00, s14  }
0x14: {  	s11 =	sadd.s32 s31, s11;
	s12 =	sadd.s32 s31, s12;
	s14 =	simm.s32 $0x4  }
.LBB2_3:
0x15: {  	_ =	swait.ge [sflag:s20], $0x4000  }
0x16: {  	[sflag:s20] =	ssyncset.done $0x0  }
0x17: {  	s23 =	sor.u32 $0x800, s28;
	[sflag:s20] =	ssyncadd.s32 $0xFFFFC000  }
0x18: {  	[spmem:s2] =	stream.indirect.scatter.add.f32 [tilespmem:s18], [sflag:$0x4], $0x80, s23, s16, $0xb8;
	[tilespmem:$0x1D000] =	vst v63  }
0x19: {  	_ =	swait.ge [sflag:s14], $0x4000  }
0x1a: {  	[sflag:s14] =	ssyncset.done $0x0  }
0x1b: {  	[sflag:s14] =	ssyncadd.s32 $0xFFFFC000  }
.LBB2_5:
0x1c: {  	s22 =	sadd.s32 $0x1, s22  }
0x1d: {  	p0 =	sne.s32 s22, s10  }
.Ltmp1:
0x1e: {  	[bflag:$0x0] =	sbarrier.arrive $0xFFFF;
	(pc) =	sbr.rel @!p0 .LBB2_6-.Ltmp1, $4  }
0x1f: {  	[hbm:s9], [sflag:s6] =	dma.local [spmem:s13], $0x2800  }
0x20: {  	_ =	swait.ge [sflag:s14], $0x2800  }
0x21: {  	[sflag:s14] =	ssyncset.done $0x0  }
0x22: {  	[sflag:s14] =	ssyncadd.s32 $0xFFFFD800  }
.LBB2_1:
0x23: {  	[spmem:s13], [sflag:s6] =	dma.local [hbm:s5], $0x2800  }
0x24: {  	_ =	swait.ge [sflag:s14], $0x2800  }
0x25: {  	[sflag:s14] =	ssyncset.done $0x0  }
0x26: {  	[sflag:s14] =	ssyncadd.s32 $0xFFFFD800  }
0x27: {  	[tilespmem:s3], [sflag:$0x4] =	stream.linear.gather [hbm4b:s7+s3], $0x400, $0x38;
	[tilespmem:$0x1D000] =	vst v63  }
0x28: {  	_ =	swait.ge [sflag:s14], $0x400  }
0x29: {  	[sflag:s14] =	ssyncset.done $0x0  }
0x2a: {  	[sflag:s14] =	ssyncadd.s32 $0xFFFFFC00  }
0x2b: {  	[tilespmem:s15], [sflag:$0x4] =	stream.linear.gather [hbm4b:s8+s3], $0x400, $0x38;
	[tilespmem:$0x1D000] =	vst v63  }
0x2c: {  	_ =	swait.ge [sflag:s14], $0x400  }
0x2d: {  	[sflag:s14] =	ssyncset.done $0x0  }
0x2e: {  	[sflag:s14] =	ssyncadd.s32 $0xFFFFFC00  }
0x2f: {  	[bflag:$0x0] =	sbarrier.arrive $0xFFFF  }
0x30: {  	[tilespmem:s17], [sflag:$0x1] =	stream.indirect.gather [hbm4b:s4+s16], $0x80, s3, s16, $0xb8;
	[tilespmem:$0x1D000] =	vst v63  }
0x31: {  	s23 =	smov.u32 s12;
	s24 =	smov.u32 s11;
	s25 =	simm.s32 $0x0  }
0x32: {  	[tilespmem:s18], [sflag:$0x2] =	stream.indirect.gather [hbm4b:s4+s16], $0x80, s16, s16, $0xb8;
	[tilespmem:$0x1D000] =	vst v63  }
.LBB2_2:
0x33: {  	s28 =	sand.u32 $0x1, s25  }
0x34: {  	p0 =	seq.s32 s25, $0x9;
	s26 =	sxor.u32 $0x1, s28  }
0x35: {  	s30 =	simm.s32 @!p0 $0x0;
	s29 =	sshll.u32 @!p0 s26, $0xA  }
0x36: {  	[tilespmem:s29], [sflag:$0x3] =	stream.linear.gather @!p0 [hbm4b:s23+s30], $0x400, $0x38;
	[tilespmem:$0x1D000] =	vst v63  }
0x37: {  	s29 =	sor.u32 @!p0 $0x800, s29  }
0x38: {  	[tilespmem:s29], [sflag:$0x3] =	stream.linear.gather @!p0 [hbm4b:s24+s30], $0x400, $0x38;
	[tilespmem:$0x1D000] =	vst v63  }
0x39: {  	_ =	swait.ge [sflag:s19], $0x4000  }
0x3a: {  	s31 =	sshll.u32 s28, $0xA;
	[sflag:s19] =	ssyncset.done $0x0  }
0x3b: {  	s28 =	sor.u32 $0x800, s31;
	[sflag:s19] =	ssyncadd.s32 $0xFFFFC000  }
0x3c: {  	[spmem:s2] =	stream.indirect.scatter.add.f32 [tilespmem:s17], [sflag:$0x4], $0x80, s28, s16, $0xb8;
	[tilespmem:$0x1D000] =	vst v63  }
0x3d: {  	_ =	swait.ge [sflag:s14], $0x4000  }
0x3e: {  	[sflag:s14] =	ssyncset.done $0x0  }
0x3f: {  	s28 =	sor.u32 $0x100, s31;
	[sflag:s14] =	ssyncadd.s32 $0xFFFFC000  }
0x40: {  	[tilespmem:s17], [sflag:$0x1] =	stream.indirect.gather [hbm4b:s4+s16], $0x80, s28, s16, $0xb8;
	[tilespmem:$0x1D000] =	vst v63  }
0x41: {  	_ =	swait.ge [sflag:s20], $0x4000  }
0x42: {  	[sflag:s20] =	ssyncset.done $0x0  }
0x43: {  	s28 =	sor.u32 $0x880, s31;
	[sflag:s20] =	ssyncadd.s32 $0xFFFFC000  }
0x44: {  	[spmem:s2] =	stream.indirect.scatter.add.f32 [tilespmem:s18], [sflag:$0x4], $0x80, s28, s16, $0xb8;
	[tilespmem:$0x1D000] =	vst v63  }
0x45: {  	_ =	swait.ge [sflag:s14], $0x4000  }
0x46: {  	[sflag:s14] =	ssyncset.done $0x0  }
0x47: {  	s28 =	sor.u32 $0x180, s31;
	[sflag:s14] =	ssyncadd.s32 $0xFFFFC000  }
0x48: {  	[tilespmem:s18], [sflag:$0x2] =	stream.indirect.gather [hbm4b:s4+s16], $0x80, s28, s16, $0xb8;
	[tilespmem:$0x1D000] =	vst v63  }
0x49: {  	_ =	swait.ge [sflag:s19], $0x4000  }
0x4a: {  	[sflag:s19] =	ssyncset.done $0x0  }
0x4b: {  	s28 =	sor.u32 $0x900, s31;
	[sflag:s19] =	ssyncadd.s32 $0xFFFFC000  }
0x4c: {  	[spmem:s2] =	stream.indirect.scatter.add.f32 [tilespmem:s17], [sflag:$0x4], $0x80, s28, s16, $0xb8;
	[tilespmem:$0x1D000] =	vst v63  }
0x4d: {  	_ =	swait.ge [sflag:s14], $0x4000  }
0x4e: {  	[sflag:s14] =	ssyncset.done $0x0  }
0x4f: {  	s28 =	sor.u32 $0x200, s31;
	[sflag:s14] =	ssyncadd.s32 $0xFFFFC000  }
0x50: {  	[tilespmem:s17], [sflag:$0x1] =	stream.indirect.gather [hbm4b:s4+s16], $0x80, s28, s16, $0xb8;
	[tilespmem:$0x1D000] =	vst v63  }
0x51: {  	_ =	swait.ge [sflag:s20], $0x4000  }
0x52: {  	[sflag:s20] =	ssyncset.done $0x0  }
0x53: {  	s28 =	sor.u32 $0x980, s31;
	[sflag:s20] =	ssyncadd.s32 $0xFFFFC000  }
0x54: {  	[spmem:s2] =	stream.indirect.scatter.add.f32 [tilespmem:s18], [sflag:$0x4], $0x80, s28, s16, $0xb8;
	[tilespmem:$0x1D000] =	vst v63  }
0x55: {  	_ =	swait.ge [sflag:s14], $0x4000  }
0x56: {  	[sflag:s14] =	ssyncset.done $0x0  }
0x57: {  	s28 =	sor.u32 $0x280, s31;
	[sflag:s14] =	ssyncadd.s32 $0xFFFFC000  }
0x58: {  	[tilespmem:s18], [sflag:$0x2] =	stream.indirect.gather [hbm4b:s4+s16], $0x80, s28, s16, $0xb8;
	[tilespmem:$0x1D000] =	vst v63  }
0x59: {  	_ =	swait.ge [sflag:s19], $0x4000  }
0x5a: {  	[sflag:s19] =	ssyncset.done $0x0  }
0x5b: {  	s28 =	sor.u32 $0xA00, s31;
	[sflag:s19] =	ssyncadd.s32 $0xFFFFC000  }
0x5c: {  	[spmem:s2] =	stream.indirect.scatter.add.f32 [tilespmem:s17], [sflag:$0x4], $0x80, s28, s16, $0xb8;
	[tilespmem:$0x1D000] =	vst v63  }
0x5d: {  	_ =	swait.ge [sflag:s14], $0x4000  }
0x5e: {  	[sflag:s14] =	ssyncset.done $0x0  }
0x5f: {  	s28 =	sor.u32 $0x300, s31;
	[sflag:s14] =	ssyncadd.s32 $0xFFFFC000  }
0x60: {  	[tilespmem:s17], [sflag:$0x1] =	stream.indirect.gather [hbm4b:s4+s16], $0x80, s28, s16, $0xb8;
	[tilespmem:$0x1D000] =	vst v63  }
0x61: {  	_ =	swait.ge [sflag:s20], $0x4000  }
0x62: {  	[sflag:s20] =	ssyncset.done $0x0  }
0x63: {  	s28 =	sor.u32 $0xA80, s31;
	[sflag:s20] =	ssyncadd.s32 $0xFFFFC000  }
0x64: {  	[spmem:s2] =	stream.indirect.scatter.add.f32 [tilespmem:s18], [sflag:$0x4], $0x80, s28, s16, $0xb8;
	[tilespmem:$0x1D000] =	vst v63  }
0x65: {  	_ =	swait.ge [sflag:s14], $0x4000  }
0x66: {  	[sflag:s14] =	ssyncset.done $0x0  }
0x67: {  	s28 =	sor.u32 $0x380, s31;
	[sflag:s14] =	ssyncadd.s32 $0xFFFFC000  }
0x68: {  	[tilespmem:s18], [sflag:$0x2] =	stream.indirect.gather [hbm4b:s4+s16], $0x80, s28, s16, $0xb8;
	[tilespmem:$0x1D000] =	vst v63  }
0x69: {  	_ =	swait.ge [sflag:s19], $0x4000  }
0x6a: {  	p0 =	sne.s32 s25, $0x9;
	[sflag:s19] =	ssyncset.done $0x0  }
.Ltmp2:
0x6b: {  	s29 =	sor.u32 $0xB00, s31;
	[sflag:s19] =	ssyncadd.s32 $0xFFFFC000;
	(pc) =	sbr.rel @!p0 .LBB2_3-.Ltmp2, $4  }
0x6c: {  	[spmem:s2] =	stream.indirect.scatter.add.f32 [tilespmem:s17], [sflag:$0x4], $0x80, s29, s16, $0xb8;
	[tilespmem:$0x1D000] =	vst v63  }
0x6d: {  	_ =	swait.ge [sflag:s14], $0x4000  }
0x6e: {  	[sflag:s14] =	ssyncset.done $0x0  }
0x6f: {  	[sflag:s14] =	ssyncadd.s32 $0xFFFFC000  }
0x70: {  	_ =	swait.ge [sflag:s21], $0x400  }
0x71: {  	[sflag:s21] =	ssyncset.done $0x0  }
0x72: {  	[sflag:s21] =	ssyncadd.s32 $0xFFFFFC00  }
0x73: {  	_ =	swait.ge [sflag:s21], $0x400  }
0x74: {  	[sflag:s21] =	ssyncset.done $0x0  }
0x75: {  	s26 =	sshll.u32 s26, $0xA;
	[sflag:s21] =	ssyncadd.s32 $0xFFFFFC00  }
0x76: {  	[tilespmem:s17], [sflag:$0x1] =	stream.indirect.gather [hbm4b:s4+s16], $0x80, s26, s16, $0xb8;
	[tilespmem:$0x1D000] =	vst v63  }
0x77: {  	_ =	swait.ge [sflag:s20], $0x4000  }
0x78: {  	s25 =	sadd.s32 $0x1, s25;
	[sflag:s20] =	ssyncset.done $0x0  }
0x79: {  	s28 =	sor.u32 $0x800, s28;
	p0 =	sne.s32 s25, $0xA;
	[sflag:s20] =	ssyncadd.s32 $0xFFFFC000  }
0x7a: {  	[spmem:s2] =	stream.indirect.scatter.add.f32 [tilespmem:s18], [sflag:$0x4], $0x80, s28, s16, $0xb8;
	[tilespmem:$0x1D000] =	vst v63  }
.Ltmp3:
0x7b: {  	_ = 	snop;
	(pc) =	sbr.rel @p0 .LBB2_2-.Ltmp3, $4  }
.Ltmp4:
0x7c: {  	_ =	swait.ge [sflag:s14], $0x4000;
	(pc) =	sbr.rel @!p0 .LBB2_5-.Ltmp4, $4  }
0x7d: {  	s24 =	sadd.s32 $0x80, s24;
	[sflag:s14] =	ssyncset.done $0x0  }
0x7e: {  	s23 =	sadd.s32 $0x80, s23;
	s26 =	sor.u32 $0x80, s26;
	[sflag:s14] =	ssyncadd.s32 $0xFFFFC000  }
0x7f: {  	[tilespmem:s18], [sflag:$0x2] =	stream.indirect.gather [hbm4b:s4+s16], $0x80, s26, s16, $0xb8;
	[tilespmem:$0x1D000] =	vst v63  }
0x80: {  	_ = 	snop  }
.LBB2_6:
0x81: {  	_ =	sfence.sel $0x180000  }
0x82: {  	[bflag:$0x0] =	sbarrier.arrive $0xFFFF  }
0x83: {  	p0 =	sne.s32 s1, $0x0;
	_ =	strace $0x9000004D  }
0x84: {  	s0 =	sadd.s32 @!p0 $0x100000, s0;
	[bflag:$0x2] =	sbarrier.arrive $0xFFFF  }
0x85: {  	[sflag:s0] =	ssyncadd.tile.s32 @!p0 $0x1;
	_ =	shalt  }
.Lfunc_end2:
_tile_overlayer_lowered:
.L_overlay_start_2:
0x86: {  	(tag) =	ssettag $0x2  }
0x87: {  	s0 =	rddreg [dreg:$0x0];
	s2 =	stileid.u32  }
0x88: {  	s1 =	rddreg [dreg:$0x1];
	p0 =	sne.s32 s2, $0x0  }
0x89: {  	s3 =	rddreg [dreg:$0x2];
	[bflag:$0x3] =	sbarrier.arrive $0xFFFF;
	s2 =	simm.s32 @!p0 $0x1C04  }
0x8a: {  	[timem:s3], [sflag:s2] =	dma.local @!p0 [hbm:s0], s1  }
0x8b: {  	s0 =	simm.s32 @!p0 $0x4  }
0x8c: {  	_ =	swait.ge @!p0 [sflag:s0], s1  }
0x8d: {  	s1 =	ssub.s32 @!p0 $0x0, s1;
	[sflag:s0] =	ssyncset.done @!p0 $0x0  }
0x8e: {  	[sflag:s0] =	ssyncadd.s32 @!p0 s1  }
0x8f: {  	[bflag:$0x3] =	sbarrier.arrive $0xFFFF  }
0x90: {  	_ =	shalt  }

// kernel: kernel.8.cloned.1.call-start
scs
__scs_entry_jumppad:
0x0: {  	(pc) =	sbr.rel $0x88, $3  }
0x1: {  	(tag) =	ssettag $0x0;
	lr =	simm.s32 $0x1  }
0x2: {  	[smem:$0x3F9B] =	sst lr;
	_ =	strace $0xD0000000  }
0x3: {  	_ = 	snop  }
0x4: {  	_ = 	snop  }
0x5: {  	_ = 	snop  }
0x6: {  	_ = 	snop  }
0x7: {  	_ = 	snop  }
__scs_overlays_trampoline_lowered:
0x8: {  	[smem:$0x3FAA] =	sst s0  }
0x9: {  	[smem:$0x3FAB] =	sst s1  }
0xa: {  	[smem:$0x3FAC] =	sst s2  }
0xb: {  	[smem:$0x3FAD] =	sst s3  }
0xc: {  	[smem:$0x3FAE] =	sst s4  }
0xd: {  	[smem:$0x3FAF] =	sst s5  }
0xe: {  	[smem:$0x3FB0] =	sst s6  }
0xf: {  	[smem:$0x3FB1] =	sst s7  }
0x10: {  	[smem:$0x3FB2] =	sst s8  }
0x11: {  	[smem:$0x3FB3] =	sst s9;
	s0 =	simm.s32 @!p0 $0x0  }
0x12: {  	s1 =	sld [smem:$0x3F99];
	s0 =	simm.s32 @p0 $0x1  }
0x13: {  	[smem:$0x3FB4] =	sst s0;
	s0 =	simm.s32 @!p1 $0x0  }
0x14: {  	s2 =	sld [smem:$0x3F98];
	s0 =	simm.s32 @p1 $0x1  }
0x15: {  	[smem:$0x3FB5] =	sst s0;
	s0 =	simm.s32 @!p2 $0x0  }
0x16: {  	s3 =	sld [smem:$0x3FDB];
	s0 =	simm.s32 @p2 $0x1  }
0x17: {  	s4 =	simm.s32 $0x1BF5;
	[smem:$0x3FB7] =	sst s0  }
0x18: {  	s0 =	sld [smem:$0x3F9A];
	_ =	swait.ge [sflag:s4], $0x0  }
0x19: {  	s7 =	sld [smem:$0x3F9B]  }
0x1a: {  	s8 =	sadd.s32 $0xFFFFE003, lr  }
0x1b: {  	s9 =	sadd.s32 $0xFFFFFEF7, lr;
	s5 =	simm.s32 $0xFFFFFFFF;
	p2 =	slt.u32 s8, $0xFFFFF086  }
0x1c: {  	p1 =	slt.u32 s9, $0xF7A;
	s5 =	simm.s32 @!p2 $0x0  }
0x1d: {  	s5 =	simm.s32 @p1 $0x1;
	p0 =	seq.s32 s7, s2  }
0x1e: {  	s7 =	smul.u32 @!p0 $0xF7A, s2;
	p2 =	seq.s32 @!p0 s5, $0x0  }
0x1f: {  	s9 =	smul.u32 $0xF7A, s1;
	s8 =	simm.s32 @!p0 $0x1BF5;
	p2 =	por !p2, p0  }
0x20: {  	[sflag:s8] =	ssyncset.s32 @!p0 $0xFFFFF086;
	s6 =	sadd.s32 @!p0 s3, s7;
	s7 =	simm.s32 @!p0 $0x108  }
0x21: {  	s3 =	sadd.s32 s3, s9;
	s6 =	sadd.s32 @!p0 $0x88, s6;
	s7 =	simm.s32 @p2 $0x1082  }
0x22: {  	[simem:s7], [sflag:s8] =	dma.local @!p0 [hbm:s6], $0xF7A  }
0x23: {  	s9 =	sor.u32 $0xD0000000, s2;
	s6 =	simm.s32 $0x108;
	_ =	swait.ge @!p0 [sflag:s8], $0x0  }
0x24: {  	s3 =	sadd.s32 $0x88, s3;
	s6 =	simm.s32 @!p1 $0x1082;
	[sflag:s4] =	ssyncset.s32 $0xFFFFF086  }
0x25: {  	[simem:s6], [sflag:s4] =	dma.local [hbm:s3], $0xF7A  }
0x26: {  	[smem:$0x3F9B] =	sst s1;
	(tag) =	ssettag s2;
	_ =	strace s9  }
0x27: {  	s1 =	sld [smem:$0x3FAB]  }
0x28: {  	s2 =	sld [smem:$0x3FAC]  }
0x29: {  	s4 =	sld [smem:$0x3FAE]  }
0x2a: {  	p0 =	seq.s32 s5, $0x0;
	s5 =	sld [smem:$0x3FAF]  }
0x2b: {  	s6 =	sld [smem:$0x3FB0]  }
0x2c: {  	s7 =	sld [smem:$0x3FB1]  }
0x2d: {  	s3 =	simm.s32 $0x108;
	s8 =	sld [smem:$0x3FB2]  }
0x2e: {  	s3 =	simm.s32 @!p0 $0x1082;
	s9 =	sld [smem:$0x3FB3]  }
0x2f: {  	lr =	sadd.s32 s0, s3;
	s0 =	sld [smem:$0x3FAA]  }
0x30: {  	s3 =	sld [smem:$0x3FAD]  }
0x31: {  	[smem:$0x3FB6] =	sst s10  }
0x32: {  	s10 =	sld [smem:$0x3FB4];
	_ =	sdelay $0x3  }
0x33: {  	p0 =	seq.s32 s10, $0x1;
	s10 =	sld [smem:$0x3FB6];
	_ =	sdelay $0x3  }
0x34: {  	[smem:$0x3FB6] =	sst s10  }
0x35: {  	s10 =	sld [smem:$0x3FB5];
	_ =	sdelay $0x3  }
0x36: {  	p1 =	seq.s32 s10, $0x1;
	s10 =	sld [smem:$0x3FB6];
	_ =	sdelay $0x3  }
0x37: {  	[smem:$0x3FB6] =	sst s10  }
0x38: {  	s10 =	sld [smem:$0x3FB7]  }
0x39: {  	_ = 	snop;
	(pc) =	sbr.ind lr, $3  }
0x3a: {  	_ = 	snop  }
0x3b: {  	_ = 	snop  }
0x3c: {  	p2 =	seq.s32 s10, $0x1;
	s10 =	sld [smem:$0x3FB6]  }
0x3d: {  	_ =	shalt  }
0x3e: {  	_ =	shalt  }
0x3f: {  	_ =	shalt  }
0x40: {  	_ =	shalt  }
0x41: {  	_ =	shalt  }
0x42: {  	_ =	shalt  }
0x43: {  	_ =	shalt  }
0x44: {  	_ =	shalt  }
0x45: {  	_ =	shalt  }
0x46: {  	_ =	shalt  }
0x47: {  	_ =	shalt  }
0x48: {  	_ =	shalt  }
0x49: {  	_ =	shalt  }
0x4a: {  	_ =	shalt  }
0x4b: {  	_ =	shalt  }
0x4c: {  	_ =	shalt  }
0x4d: {  	_ =	shalt  }
0x4e: {  	_ =	shalt  }
0x4f: {  	_ =	shalt  }
0x50: {  	_ =	shalt  }
0x51: {  	_ =	shalt  }
0x52: {  	_ =	shalt  }
0x53: {  	_ =	shalt  }
0x54: {  	_ =	shalt  }
0x55: {  	_ =	shalt  }
0x56: {  	_ =	shalt  }
0x57: {  	_ =	shalt  }
0x58: {  	_ =	shalt  }
0x59: {  	_ =	shalt  }
0x5a: {  	_ =	shalt  }
0x5b: {  	_ =	shalt  }
0x5c: {  	_ =	shalt  }
0x5d: {  	_ =	shalt  }
0x5e: {  	_ =	shalt  }
0x5f: {  	_ =	shalt  }
0x60: {  	_ =	shalt  }
0x61: {  	_ =	shalt  }
0x62: {  	_ =	shalt  }
0x63: {  	_ =	shalt  }
0x64: {  	_ =	shalt  }
0x65: {  	_ =	shalt  }
0x66: {  	_ =	shalt  }
0x67: {  	_ =	shalt  }
0x68: {  	_ =	shalt  }
0x69: {  	_ =	shalt  }
0x6a: {  	_ =	shalt  }
0x6b: {  	_ =	shalt  }
0x6c: {  	_ =	shalt  }
0x6d: {  	_ =	shalt  }
0x6e: {  	_ =	shalt  }
0x6f: {  	_ =	shalt  }
0x70: {  	_ =	shalt  }
0x71: {  	_ =	shalt  }
0x72: {  	_ =	shalt  }
0x73: {  	_ =	shalt  }
0x74: {  	_ =	shalt  }
0x75: {  	_ =	shalt  }
0x76: {  	_ =	shalt  }
0x77: {  	_ =	shalt  }
0x78: {  	_ =	shalt  }
0x79: {  	_ =	shalt  }
0x7a: {  	_ =	shalt  }
0x7b: {  	_ =	shalt  }
0x7c: {  	_ =	shalt  }
0x7d: {  	_ =	shalt  }
0x7e: {  	_ =	shalt  }
0x7f: {  	_ =	shalt  }
0x80: {  	_ =	shalt  }
0x81: {  	_ =	shalt  }
0x82: {  	_ =	shalt  }
0x83: {  	_ =	shalt  }
0x84: {  	_ =	shalt  }
0x85: {  	_ =	shalt  }
0x86: {  	_ =	shalt  }
0x87: {  	_ =	shalt  }
.Lfunc_end0:
.L_simem_size_0:
called_computation_lowered:
.L_overlay_start_0:
0x88: {  	s2 =	sld [smem:$0x3FD9]  }
0x89: {  	s3 =	sld [smem:$0x3FFE];
	_ =	sdelay $0x1  }
0x8a: {  	s1 =	srdreg.scid  }
0x8b: {  	s0 =	sand.u32 $0x1, s1  }
0x8c: {  	s16 =	sshll.u32 s0, $0xA;
	s2 =	sadd.s32 s3, s2  }
0x8d: {  	s2 =	sadd.s32 s2, s16  }
0x8e: {  	[smem:$0x3FC2] =	sst s2  }
0x8f: {  	_ = 	snop  }
0x90: {  	(tm) =	ssettm $0x1  }
0x91: {  	s17 =	sld [smem:$0x3FFB];
	_ =	sdelay $0x3  }
0x92: {  	_ =	strace s17  }
0x93: {  	s2 =	sld [smem:$0x3FFC];
	_ =	sdelay $0x3  }
0x94: {  	_ =	strace s2  }
0x95: {  	s2 =	sld [smem:$0x3FFD];
	_ =	sdelay $0x3  }
0x96: {  	_ =	strace s2  }
0x97: {  	_ =	strace $0x8FFFFFFF  }
0x98: {  	s18 =	sld [smem:$0x3FDB];
	_ =	sdelay $0x1  }
0x99: {  	s19 =	simm.s32 $_scs_section_size  }
0x9a: {  	s4 =	simm.s32 $_size__tile_overlayer_lowered;
	s5 =	simm.s32 $_tile_overlayer_lowered  }
0x9b: {  	s22 =	simm.s32 $0x1BFF;
	s21 =	sshll.u32 s5, $0x1;
	s2 =	sadd.s32 s19, s18  }
0x9c: {  	s6 =	simm.s32 $0x0;
	s20 =	sshll.u32 s4, $0x1;
	s4 =	sadd.s32 s21, s2  }
0x9d: {  	[timem:s6], [sflag:s22] =	dma.local [hbm:s4], s20  }
0x9e: {  	_ =	swait.ge [sflag:s22], s20  }
0x9f: {  	s3 =	ssub.s32 $0x0, s20;
	[sflag:s22] =	ssyncset.done $0x0  }
0xa0: {  	[sflag:s22] =	ssyncadd.s32 s3;
	_ =	sdelay $0x1  }
0xa1: {  	s23 =	simm.s32 $0x1B8B  }
0xa2: {  	_ =	swait.ge [sflag:s23], $0x1  }
0xa3: {  	[sflag:s23] =	ssyncset.done $0x0  }
0xa4: {  	s25 =	simm.s32 $0x1B8E;
	s24 =	sld [smem:$0x3FFE];
	[sflag:s23] =	ssyncadd.s32 $0xFFFFFFFF  }
0xa5: {  	s26 =	simm.s32 $execute0_lowered;
	[smem:$0x3FD2] =	sst s25  }
0xa6: {  	s4 =	sshll.u32 s26, $0x1;
	_ =	strace $0x80000046;
	[dreg:$0x1] =	wrdreg $0xFFFFFFFF  }
0xa7: {  	s28 =	simm.s32 $_size_execute0_lowered;
	s2 =	sadd.s32 s2, s4;
	[dreg:$0x0] =	wrdreg $0x0  }
0xa8: {  	s4 =	sshll.u32 s28, $0x1;
	[dreg:$0x2] =	wrdreg s2  }
0xa9: {  	[dreg:$0x3] =	wrdreg s4  }
0xaa: {  	[dreg:$0x4] =	wrdreg $0xC0  }
0xab: {  	_ =	task [dreg:s6], $0x5FFFF  }
0xac: {  	[dreg:$0x1] =	wrdreg $0xFFFFFFFF  }
0xad: {  	[dreg:$0x0] =	wrdreg $0x60  }
0xae: {  	[dreg:$0x2] =	wrdreg s24  }
0xaf: {  	[dreg:$0x3] =	wrdreg $0x68000  }
0xb0: {  	[dreg:$0x4] =	wrdreg $0x9  }
0xb1: {  	_ =	task.clear_ibuf [dreg:s6], $0x5FFFF;
	_ =	strace $0x90000046  }
0xb2: {  	s29 =	simm.s32 $0x9;
	_ =	strace $0x80000048  }
0xb3: {  	_ =	swait.ge [sflag:s29], $0x1  }
0xb4: {  	[sflag:s29] =	ssyncadd.s32 $0xFFFFFFFF  }
0xb5: {  	_ =	strace $0x90000048  }
0xb6: {  	_ =	sfence  }
0xb7: {  	s30 =	sld [smem:$0x0];
	_ =	sdelay $0x2  }
0xb8: {  	s31 =	sshll.u32 s1, $0xD;
	s1 =	sshrl.u32 s1, $0x2  }
0xb9: {  	s3 =	sand.u32 $0x4000, s31;
	s1 =	sadd.s32 s1, s30  }
0xba: {  	s0 =	sor.u32 s3, s0;
	s1 =	sshll.u32 s1, $0x11  }
0xbb: {  	s0 =	sor.u32 s1, s0  }
0xbc: {  	s0 =	sadd.s32 $0x8F2B, s0  }
0xbd: {  	[sflag:s0] =	ssyncadd.remote.s32 $0x1  }
0xbe: {  	_ =	sfence.sel $0xFFFF  }
0xbf: {  	[dreg:$0x0] =	wrdreg $0xFFFFFFFF;
	(pc) =	sbr.abs _section_cstart, $3  }
0xc0: {  	[dreg:$0x1] =	wrdreg $0xFFFFFFFF  }
0xc1: {  	_ =	task.clear_ibuf [dreg:s6], $0x2FFFF;
	_ =	strace $0x9FFFFFFF  }
0xc2: {  	(tm) =	ssettm $0x7FFFFFFF  }
0xc3: {  	_ =	shalt  }
tec
execute0_lowered:
.L_overlay_start_1:
0x0: {  	(tag) =	ssettag $0x1  }
0x1: {  	s1 =	srdreg.scid;
	s5 =	rddreg [dreg:$0x0]  }
0x2: {  	s0 =	stileid.u32;
	s2 =	rddreg [dreg:$0x1];
	s3 =	simm.s32 $0x0  }
0x3: {  	s14 =	simm.s32 $0x0;
	s6 =	sand.u32 $0x1, s1;
	s1 =	rddreg [dreg:$0x2]  }
0x4: {  	s28 =	sshll.u32 s0, $0x1;
	[smem:$0x7FF] =	sst s3;
	s7 =	smul.u32 $0x14000, s0  }
0x5: {  	s29 =	smul.u32 $0x50000, s0;
	s31 =	sshll.u32 s0, $0x6;
	s4 =	sor.u32 s6, s28  }
0x6: {  	_ =	strace $0x80000047;
	s8 =	smul.u32 $0x140000, s6;
	s6 =	ssub.s32 $0x2, s6  }
0x7: {  	s4 =	smul.u32 $0x500, s4;
	s10 =	sshrl.u32 s7, $0x3;
	s11 =	sshrl.u32 s6, $0x1  }
0x8: {  	s30 =	sshrl.u32 s29, $0x2;
	s7 =	sadd.s32 s7, s8;
	s10 =	sadd.s32 s10, s5  }
0x9: {  	s11 =	ssub.s32 s6, s11;
	s13 =	sadd.s32 s30, s2;
	s6 =	sor.u32 $0x1C01, s31  }
0xa: {  	s9 =	sadd.s32 s4, s5;
	s4 =	sadd.s32 $0xC600, s5;
	s7 =	sshrl.u32 s7, $0x3  }
0xb: {  	s12 =	sadd.s32 s7, s5;
	s5 =	sadd.s32 $0xCE00, s10;
	s7 =	sadd.s32 $0x2600, s9  }
0xc: {  	s9 =	smax.u32 s11, $0x1;
	s10 =	sshrl.u32 s13, $0x3;
	s11 =	simm.s32 $0x1  }
0xd: {  	s13 =	simm.s32 $0x80;
	s8 =	sadd.s32 $0x34E00, s12;
	s12 =	simm.s32 $0x2800  }
.LBB2_1:
0xe: {  	[spmem:s10], [sflag:s6] =	dma.local [hbm:s5], $0x2800  }
0xf: {  	_ =	swait.ge [sflag:s11], $0x2800  }
0x10: {  	[sflag:s11] =	ssyncset.done $0x0  }
0x11: {  	[sflag:s11] =	ssyncadd.s32 $0xFFFFD800  }
0x12: {  	[tilespmem:s3], [sflag:$0x1] =	stream.linear.gather [hbm4b:s7+s3], $0x2800, $0x38;
	[tilespmem:$0x1A800] =	vst v63  }
0x13: {  	_ =	swait.ge [sflag:s11], $0x2800  }
0x14: {  	[sflag:s11] =	ssyncset.done $0x0  }
0x15: {  	[sflag:s11] =	ssyncadd.s32 $0xFFFFD800  }
0x16: {  	[tilespmem:s12], [sflag:$0x1] =	stream.linear.gather [hbm4b:s4+s3], $0x4000, $0x38;
	[tilespmem:$0x1A800] =	vst v63  }
0x17: {  	_ =	swait.ge [sflag:s11], $0x4000  }
0x18: {  	[sflag:s11] =	ssyncset.done $0x0  }
0x19: {  	[sflag:s11] =	ssyncadd.s32 $0xFFFFC000  }
0x1a: {  	s15 =	simm.s32 $0x0;
	[bflag:$0x0] =	sbarrier.arrive $0xFFFF  }
0x1b: {  	[spmem:s2] =	stream.indirect.scatter.add.f32 [tilespmem:s12], [sflag:$0x1], $0x80, s15, s13, $0xb8;
	[tilespmem:$0x1A800] =	vst v63  }
0x1c: {  	_ =	swait.ge [sflag:s11], $0x4000  }
0x1d: {  	s15 =	simm.s32 $0x200;
	[sflag:s11] =	ssyncset.done $0x0  }
.LBB2_2:
0x1e: {  	s16 =	sshra.s32 s15, $0x2;
	[sflag:s11] =	ssyncadd.s32 $0xFFFFC000;
	p0 =	sne.s32 s15, $0x9E00  }
0x1f: {  	[spmem:s2] =	stream.indirect.scatter.add.f32 [tilespmem:s12], [sflag:$0x1], $0x80, s16, s13, $0xb8;
	[tilespmem:$0x1A800] =	vst v63  }
.Ltmp0:
0x20: {  	_ = 	snop;
	(pc) =	sbr.rel @p0 .LBB2_2-.Ltmp0, $4  }
0x21: {  	_ = 	snop  }
0x22: {  	s15 =	sadd.s32 $0x200, s15  }
0x23: {  	_ =	swait.ge [sflag:s11], $0x4000  }
0x24: {  	[sflag:s11] =	ssyncset.done $0x0  }
0x25: {  	s14 =	sadd.s32 $0x1, s14  }
0x26: {  	[sflag:s11] =	ssyncadd.s32 $0xFFFFC000;
	p0 =	sne.s32 s14, s9  }
.Ltmp1:
0x27: {  	[bflag:$0x0] =	sbarrier.arrive $0xFFFF;
	(pc) =	sbr.rel @p0 .LBB2_1-.Ltmp1, $4  }
0x28: {  	[hbm:s8], [sflag:s6] =	dma.local [spmem:s10], $0x2800  }
0x29: {  	_ =	swait.ge [sflag:s11], $0x2800  }
0x2a: {  	[sflag:s11] =	ssyncset.done $0x0  }
0x2b: {  	[sflag:s11] =	ssyncadd.s32 $0xFFFFD800  }
0x2c: {  	_ =	sfence.sel $0x180000  }
0x2d: {  	[bflag:$0x0] =	sbarrier.arrive $0xFFFF  }
0x2e: {  	p0 =	sne.s32 s0, $0x0;
	_ =	strace $0x90000047  }
0x2f: {  	s0 =	sadd.s32 @!p0 $0x100000, s1;
	[bflag:$0x2] =	sbarrier.arrive $0xFFFF  }
0x30: {  	[sflag:s0] =	ssyncadd.tile.s32 @!p0 $0x1;
	_ =	shalt  }
.Lfunc_end2:
_tile_overlayer_lowered:
.L_overlay_start_2:
0x31: {  	(tag) =	ssettag $0x2  }
0x32: {  	s0 =	rddreg [dreg:$0x0];
	s2 =	stileid.u32  }
0x33: {  	s1 =	rddreg [dreg:$0x1];
	p0 =	sne.s32 s2, $0x0  }
0x34: {  	s3 =	rddreg [dreg:$0x2];
	[bflag:$0x3] =	sbarrier.arrive $0xFFFF;
	s2 =	simm.s32 @!p0 $0x1C01  }
0x35: {  	[timem:s3], [sflag:s2] =	dma.local @!p0 [hbm:s0], s1  }
0x36: {  	s0 =	simm.s32 @!p0 $0x1  }
0x37: {  	_ =	swait.ge @!p0 [sflag:s0], s1  }
0x38: {  	s1 =	ssub.s32 @!p0 $0x0, s1;
	[sflag:s0] =	ssyncset.done @!p0 $0x0  }
0x39: {  	[sflag:s0] =	ssyncadd.s32 @!p0 s1  }
0x3a: {  	[bflag:$0x3] =	sbarrier.arrive $0xFFFF  }
0x3b: {  	_ =	shalt  }

</sc_bundles>
